<compile_context>
chip_gen: v7x
topology: tpu7x:2x2x1
jax: 0.10.2.dev20260603
libtpu: 0.0.44.dev20260713+nightly
codegen_flags: <defaults>
</compile_context>

<pallas_src>
import functools

import jax
import jax.numpy as jnp
from jax import lax
from jax.experimental import pallas as pl
from jax.experimental.pallas import tpu as pltpu
from jax.experimental.pallas import tpu_sc as plsc

_CH = 128
_NBUF = 8
_S = _NBUF // 2


@functools.cache
def _build(B, D):
    info = plsc.get_sparse_core_info()
    NC, NS = info.num_cores, info.num_subcores
    NW = NC * NS
    b_per_w = B // NW
    n_chunks = b_per_w // _CH
    n_groups = n_chunks // _NBUF
    assert B % NW == 0 and b_per_w % _CH == 0 and n_chunks % _NBUF == 0
    assert n_groups >= 2
    mesh = plsc.VectorSubcoreMesh(core_axis_name="c", subcore_axis_name="s")

    @functools.partial(
        pl.kernel,
        out_type=jax.ShapeDtypeStruct((B, D), jnp.float32),
        mesh=mesh,
        scratch_types=[
            pltpu.VMEM((n_chunks, _CH), jnp.int32),
            pltpu.VMEM((_NBUF, _CH, D), jnp.float32),
            pltpu.SemaphoreType.DMA,
            pltpu.SemaphoreType.DMA,
        ],
        compiler_params=pltpu.CompilerParams(use_tc_tiling_on_sc=False),
    )
    def gather_kernel(idx_hbm, table_hbm, out_hbm, idx_v, rows_v, gsem, ssem):
        wid = lax.axis_index("s") * NC + lax.axis_index("c")
        base_row = wid * n_chunks
        pltpu.sync_copy(idx_hbm.at[pl.ds(base_row, n_chunks)], idx_v)

        def start_gather(j, b):
            pltpu.async_copy(table_hbm.at[idx_v.at[j]], rows_v.at[b], gsem)

        def wait_gather(b):
            pltpu.make_async_copy(
                table_hbm.at[pl.ds(0, _CH)], rows_v.at[b], gsem).wait()

        def start_store(j, b):
            pltpu.async_copy(
                rows_v.at[b], out_hbm.at[pl.ds((base_row + j) * _CH, _CH)], ssem)

        def wait_store(b):
            pltpu.make_async_copy(
                rows_v.at[b], out_hbm.at[pl.ds(0, _CH)], ssem).wait()

        for b in range(_NBUF):
            start_gather(b, b)

        for b in range(_NBUF):
            wait_gather(b)
            start_store(b, b)
            if b >= _S:
                wait_store(b - _S)
                start_gather(b + _S, b - _S)

        def group(g, carry):
            j0 = g * _NBUF
            for b in range(_NBUF):
                j = j0 + b
                wait_gather(b)
                start_store(j, b)
                wait_store((b + _S) % _NBUF)
                start_gather(j + _S, (b + _S) % _NBUF)
            return carry

        lax.fori_loop(1, n_groups - 1, group, 0)

        j0 = (n_groups - 1) * _NBUF
        for b in range(_NBUF):
            j = j0 + b
            wait_gather(b)
            start_store(j, b)
            wait_store((b + _S) % _NBUF)
            if b < _S:
                start_gather(j + _S, (b + _S) % _NBUF)
        for b in range(_S):
            wait_store(b)

    return gather_kernel


def kernel(x, table):
    S0, S1 = x.shape
    B = S0 * S1
    D = table.shape[1]
    idx = x.reshape(B // _CH, _CH).astype(jnp.int32)
    out = _build(B, D)(idx, table)
    return out.reshape(S0, S1, D)

# --- scband reference (transcript-rebuilt; emitter-appended) ---
"""Pipeline reference for scband-token-embeddings-85341000171695 (READ-ONLY COPY).

The authoritative reference and input builder live on the scoring server;
editing this copy changes nothing except your own understanding.
"""

import jax, jax.numpy as jnp
import numpy as np

VOCAB = 1000000
EMB = 64

def setup_inputs(seed: int = 0) -> dict:
    key = jax.random.key(seed)
    k1, k2 = jax.random.split(key)
    x = jax.random.randint(k1, (4096, 200), 0, VOCAB, dtype=jnp.int64)
    # nn.Embedding default init: N(0, 1)
    table = jax.random.normal(k2, (VOCAB, EMB), dtype=jnp.float32)
    return {"x": x, "table": table}

def reference(x, table):
    # nn.Embedding forward: gather rows of the table by index
    return jnp.take(table, x, axis=0)

if __name__ == "__main__":
    import jax
    _d = setup_inputs()
    print(jax.jit(kernel)(*tuple(_d.values())))

</pallas_src>

<mosaic_0001>
#map = affine_map<(d0, d1) -> (0, 0)>
module attributes {stable_mosaic.version = 14 : i64} {
  func.func @gather_kernel(%arg0: i32, %arg1: i32, %arg2: memref<6400x128xi32, #tpu.memory_space<hbm>>, %arg3: memref<1000000x64xf32, #tpu.memory_space<hbm>>, %arg4: memref<819200x64xf32, #tpu.memory_space<hbm>>, %arg5: memref<200x128xi32, #tpu.memory_space<vmem>>, %arg6: memref<8x128x64xf32, #tpu.memory_space<vmem>>, %arg7: memref<!tpu.dma_semaphore, #tpu.memory_space<semaphore_mem>>, %arg8: memref<!tpu.dma_semaphore, #tpu.memory_space<semaphore_mem>>) attributes {dimension_semantics = [#tpu.dimension_semantics<core_parallel>, #tpu.dimension_semantics<subcore_parallel>], iteration_bounds = array<i64: 2, 16>, scalar_prefetch = 0 : i64, scratch_operands = 4 : i64, tpu.core_type = #tpu.core_type<sc_vector_subcore>, window_params = [{transform_indices = #map}, {transform_indices = #map}, {transform_indices = #map}]} {
    %mul3A = arith.constant 2 : i32
    %mul3A_0 = arith.muli %arg1, %mul3A : i32
    %add3A = arith.addi %mul3A_0, %arg0 : i32
    %mul3A_1 = arith.constant 200 : i32
    %mul3A_2 = arith.muli %add3A, %mul3A_1 : i32
    "tpu.region"() ({
      %run_scoped3A = tpu.sem_alloc : memref<!tpu.dma_semaphore, #tpu.memory_space<semaphore_mem>>
      %dma_start3A_950 = arith.constant 0 : i32
      %dma_start3A_951 = tpu.memref_slice %arg2[%mul3A_2, %dma_start3A_950] : memref<6400x128xi32, #tpu.memory_space<hbm>> -> memref<200x128xi32, #tpu.memory_space<hbm>>
      %dma_start3A_952 = arith.constant 0 : i32
      %dma_start3A_953 = tpu.memref_slice %arg2[%mul3A_2, %dma_start3A_952] : memref<6400x128xi32, #tpu.memory_space<hbm>> -> memref<200x128xi32, #tpu.memory_space<hbm>>
      tpu.enqueue_dma source(%dma_start3A_953 : memref<200x128xi32, #tpu.memory_space<hbm>>) target(%arg5 : memref<200x128xi32, #tpu.memory_space<vmem>>) target_semaphore(%run_scoped3A : memref<!tpu.dma_semaphore, #tpu.memory_space<semaphore_mem>>)
      %dma_wait3A_954 = arith.constant 0 : i32
      %dma_wait3A_955 = tpu.memref_slice %arg2[%mul3A_2, %dma_wait3A_954] : memref<6400x128xi32, #tpu.memory_space<hbm>> -> memref<200x128xi32, #tpu.memory_space<hbm>>
      %dma_wait3A_956 = arith.constant 0 : i32
      %dma_wait3A_957 = tpu.memref_slice %arg2[%mul3A_2, %dma_wait3A_956] : memref<6400x128xi32, #tpu.memory_space<hbm>> -> memref<200x128xi32, #tpu.memory_space<hbm>>
      tpu.wait_dma2 semaphore(%run_scoped3A : memref<!tpu.dma_semaphore, #tpu.memory_space<semaphore_mem>>) src(%dma_wait3A_957 : memref<200x128xi32, #tpu.memory_space<hbm>>) dst(%arg5 : memref<200x128xi32, #tpu.memory_space<vmem>>)
      tpu.yield
    }) : () -> ()
    %dma_start3A = arith.constant 0 : i32
    %dma_start3A_3 = arith.constant 0 : i32
    %dma_start3A_4 = arith.constant 0 : i32
    %dma_start3A_5 = arith.constant 0 : i32
    %dma_start3A_6 = tpu.memref_slice %arg6[%dma_start3A_3, %dma_start3A_4, %dma_start3A_5] : memref<8x128x64xf32, #tpu.memory_space<vmem>> -> memref<1x128x64xf32, #tpu.memory_space<vmem>>
    %dma_start3A_7 = tpu.memref_squeeze %dma_start3A_6 : memref<1x128x64xf32, #tpu.memory_space<vmem>> -> memref<128x64xf32, #tpu.memory_space<vmem>>
    %dma_start3A_8 = arith.constant 0 : i32
    %dma_start3A_9 = tpu.memref_slice %arg5[%dma_start3A, %dma_start3A_8] : memref<200x128xi32, #tpu.memory_space<vmem>> -> memref<1x128xi32, #tpu.memory_space<vmem>>
    %dma_start3A_10 = tpu.memref_squeeze %dma_start3A_9 : memref<1x128xi32, #tpu.memory_space<vmem>> -> memref<128xi32, #tpu.memory_space<vmem>>
    %dma_start3A_11 = arith.constant 0 : i32
    %dma_start3A_12 = arith.constant 0 : i32
    %dma_start3A_13 = tpu.memref_slice %arg3[%dma_start3A_11, %dma_start3A_12] : memref<1000000x64xf32, #tpu.memory_space<hbm>> -> memref<1000000x64xf32, #tpu.memory_space<hbm>>
    tpu.enqueue_indirect_dma source(%dma_start3A_13 : memref<1000000x64xf32, #tpu.memory_space<hbm>>) target(%dma_start3A_7 : memref<128x64xf32, #tpu.memory_space<vmem>>) offsets(%dma_start3A_10 : memref<128xi32, #tpu.memory_space<vmem>>) semaphore(%arg7 : memref<!tpu.dma_semaphore, #tpu.memory_space<semaphore_mem>>)
    %dma_start3A_14 = arith.constant 1 : i32
    %dma_start3A_15 = arith.constant 1 : i32
    %dma_start3A_16 = arith.constant 0 : i32
    %dma_start3A_17 = arith.constant 0 : i32
    %dma_start3A_18 = tpu.memref_slice %arg6[%dma_start3A_15, %dma_start3A_16, %dma_start3A_17] : memref<8x128x64xf32, #tpu.memory_space<vmem>> -> memref<1x128x64xf32, #tpu.memory_space<vmem>>
    %dma_start3A_19 = tpu.memref_squeeze %dma_start3A_18 : memref<1x128x64xf32, #tpu.memory_space<vmem>> -> memref<128x64xf32, #tpu.memory_space<vmem>>
    %dma_start3A_20 = arith.constant 0 : i32
    %dma_start3A_21 = tpu.memref_slice %arg5[%dma_start3A_14, %dma_start3A_20] : memref<200x128xi32, #tpu.memory_space<vmem>> -> memref<1x128xi32, #tpu.memory_space<vmem>>
    %dma_start3A_22 = tpu.memref_squeeze %dma_start3A_21 : memref<1x128xi32, #tpu.memory_space<vmem>> -> memref<128xi32, #tpu.memory_space<vmem>>
    %dma_start3A_23 = arith.constant 0 : i32
    %dma_start3A_24 = arith.constant 0 : i32
    %dma_start3A_25 = tpu.memref_slice %arg3[%dma_start3A_23, %dma_start3A_24] : memref<1000000x64xf32, #tpu.memory_space<hbm>> -> memref<1000000x64xf32, #tpu.memory_space<hbm>>
    tpu.enqueue_indirect_dma source(%dma_start3A_25 : memref<1000000x64xf32, #tpu.memory_space<hbm>>) target(%dma_start3A_19 : memref<128x64xf32, #tpu.memory_space<vmem>>) offsets(%dma_start3A_22 : memref<128xi32, #tpu.memory_space<vmem>>) semaphore(%arg7 : memref<!tpu.dma_semaphore, #tpu.memory_space<semaphore_mem>>)
    %dma_start3A_26 = arith.constant 2 : i32
    %dma_start3A_27 = arith.constant 2 : i32
    %dma_start3A_28 = arith.constant 0 : i32
    %dma_start3A_29 = arith.constant 0 : i32
    %dma_start3A_30 = tpu.memref_slice %arg6[%dma_start3A_27, %dma_start3A_28, %dma_start3A_29] : memref<8x128x64xf32, #tpu.memory_space<vmem>> -> memref<1x128x64xf32, #tpu.memory_space<vmem>>
    %dma_start3A_31 = tpu.memref_squeeze %dma_start3A_30 : memref<1x128x64xf32, #tpu.memory_space<vmem>> -> memref<128x64xf32, #tpu.memory_space<vmem>>
    %dma_start3A_32 = arith.constant 0 : i32
    %dma_start3A_33 = tpu.memref_slice %arg5[%dma_start3A_26, %dma_start3A_32] : memref<200x128xi32, #tpu.memory_space<vmem>> -> memref<1x128xi32, #tpu.memory_space<vmem>>
    %dma_start3A_34 = tpu.memref_squeeze %dma_start3A_33 : memref<1x128xi32, #tpu.memory_space<vmem>> -> memref<128xi32, #tpu.memory_space<vmem>>
    %dma_start3A_35 = arith.constant 0 : i32
    %dma_start3A_36 = arith.constant 0 : i32
    %dma_start3A_37 = tpu.memref_slice %arg3[%dma_start3A_35, %dma_start3A_36] : memref<1000000x64xf32, #tpu.memory_space<hbm>> -> memref<1000000x64xf32, #tpu.memory_space<hbm>>
    tpu.enqueue_indirect_dma source(%dma_start3A_37 : memref<1000000x64xf32, #tpu.memory_space<hbm>>) target(%dma_start3A_31 : memref<128x64xf32, #tpu.memory_space<vmem>>) offsets(%dma_start3A_34 : memref<128xi32, #tpu.memory_space<vmem>>) semaphore(%arg7 : memref<!tpu.dma_semaphore, #tpu.memory_space<semaphore_mem>>)
    %dma_start3A_38 = arith.constant 3 : i32
    %dma_start3A_39 = arith.constant 3 : i32
    %dma_start3A_40 = arith.constant 0 : i32
    %dma_start3A_41 = arith.constant 0 : i32
    %dma_start3A_42 = tpu.memref_slice %arg6[%dma_start3A_39, %dma_start3A_40, %dma_start3A_41] : memref<8x128x64xf32, #tpu.memory_space<vmem>> -> memref<1x128x64xf32, #tpu.memory_space<vmem>>
    %dma_start3A_43 = tpu.memref_squeeze %dma_start3A_42 : memref<1x128x64xf32, #tpu.memory_space<vmem>> -> memref<128x64xf32, #tpu.memory_space<vmem>>
    %dma_start3A_44 = arith.constant 0 : i32
    %dma_start3A_45 = tpu.memref_slice %arg5[%dma_start3A_38, %dma_start3A_44] : memref<200x128xi32, #tpu.memory_space<vmem>> -> memref<1x128xi32, #tpu.memory_space<vmem>>
    %dma_start3A_46 = tpu.memref_squeeze %dma_start3A_45 : memref<1x128xi32, #tpu.memory_space<vmem>> -> memref<128xi32, #tpu.memory_space<vmem>>
    %dma_start3A_47 = arith.constant 0 : i32
    %dma_start3A_48 = arith.constant 0 : i32
    %dma_start3A_49 = tpu.memref_slice %arg3[%dma_start3A_47, %dma_start3A_48] : memref<1000000x64xf32, #tpu.memory_space<hbm>> -> memref<1000000x64xf32, #tpu.memory_space<hbm>>
    tpu.enqueue_indirect_dma source(%dma_start3A_49 : memref<1000000x64xf32, #tpu.memory_space<hbm>>) target(%dma_start3A_43 : memref<128x64xf32, #tpu.memory_space<vmem>>) offsets(%dma_start3A_46 : memref<128xi32, #tpu.memory_space<vmem>>) semaphore(%arg7 : memref<!tpu.dma_semaphore, #tpu.memory_space<semaphore_mem>>)
    %dma_start3A_50 = arith.constant 4 : i32
    %dma_start3A_51 = arith.constant 4 : i32
    %dma_start3A_52 = arith.constant 0 : i32
    %dma_start3A_53 = arith.constant 0 : i32
    %dma_start3A_54 = tpu.memref_slice %arg6[%dma_start3A_51, %dma_start3A_52, %dma_start3A_53] : memref<8x128x64xf32, #tpu.memory_space<vmem>> -> memref<1x128x64xf32, #tpu.memory_space<vmem>>
    %dma_start3A_55 = tpu.memref_squeeze %dma_start3A_54 : memref<1x128x64xf32, #tpu.memory_space<vmem>> -> memref<128x64xf32, #tpu.memory_space<vmem>>
    %dma_start3A_56 = arith.constant 0 : i32
    %dma_start3A_57 = tpu.memref_slice %arg5[%dma_start3A_50, %dma_start3A_56] : memref<200x128xi32, #tpu.memory_space<vmem>> -> memref<1x128xi32, #tpu.memory_space<vmem>>
    %dma_start3A_58 = tpu.memref_squeeze %dma_start3A_57 : memref<1x128xi32, #tpu.memory_space<vmem>> -> memref<128xi32, #tpu.memory_space<vmem>>
    %dma_start3A_59 = arith.constant 0 : i32
    %dma_start3A_60 = arith.constant 0 : i32
    %dma_start3A_61 = tpu.memref_slice %arg3[%dma_start3A_59, %dma_start3A_60] : memref<1000000x64xf32, #tpu.memory_space<hbm>> -> memref<1000000x64xf32, #tpu.memory_space<hbm>>
    tpu.enqueue_indirect_dma source(%dma_start3A_61 : memref<1000000x64xf32, #tpu.memory_space<hbm>>) target(%dma_start3A_55 : memref<128x64xf32, #tpu.memory_space<vmem>>) offsets(%dma_start3A_58 : memref<128xi32, #tpu.memory_space<vmem>>) semaphore(%arg7 : memref<!tpu.dma_semaphore, #tpu.memory_space<semaphore_mem>>)
    %dma_start3A_62 = arith.constant 5 : i32
    %dma_start3A_63 = arith.constant 5 : i32
    %dma_start3A_64 = arith.constant 0 : i32
    %dma_start3A_65 = arith.constant 0 : i32
    %dma_start3A_66 = tpu.memref_slice %arg6[%dma_start3A_63, %dma_start3A_64, %dma_start3A_65] : memref<8x128x64xf32, #tpu.memory_space<vmem>> -> memref<1x128x64xf32, #tpu.memory_space<vmem>>
    %dma_start3A_67 = tpu.memref_squeeze %dma_start3A_66 : memref<1x128x64xf32, #tpu.memory_space<vmem>> -> memref<128x64xf32, #tpu.memory_space<vmem>>
    %dma_start3A_68 = arith.constant 0 : i32
    %dma_start3A_69 = tpu.memref_slice %arg5[%dma_start3A_62, %dma_start3A_68] : memref<200x128xi32, #tpu.memory_space<vmem>> -> memref<1x128xi32, #tpu.memory_space<vmem>>
    %dma_start3A_70 = tpu.memref_squeeze %dma_start3A_69 : memref<1x128xi32, #tpu.memory_space<vmem>> -> memref<128xi32, #tpu.memory_space<vmem>>
    %dma_start3A_71 = arith.constant 0 : i32
    %dma_start3A_72 = arith.constant 0 : i32
    %dma_start3A_73 = tpu.memref_slice %arg3[%dma_start3A_71, %dma_start3A_72] : memref<1000000x64xf32, #tpu.memory_space<hbm>> -> memref<1000000x64xf32, #tpu.memory_space<hbm>>
    tpu.enqueue_indirect_dma source(%dma_start3A_73 : memref<1000000x64xf32, #tpu.memory_space<hbm>>) target(%dma_start3A_67 : memref<128x64xf32, #tpu.memory_space<vmem>>) offsets(%dma_start3A_70 : memref<128xi32, #tpu.memory_space<vmem>>) semaphore(%arg7 : memref<!tpu.dma_semaphore, #tpu.memory_space<semaphore_mem>>)
    %dma_start3A_74 = arith.constant 6 : i32
    %dma_start3A_75 = arith.constant 6 : i32
    %dma_start3A_76 = arith.constant 0 : i32
    %dma_start3A_77 = arith.constant 0 : i32
    %dma_start3A_78 = tpu.memref_slice %arg6[%dma_start3A_75, %dma_start3A_76, %dma_start3A_77] : memref<8x128x64xf32, #tpu.memory_space<vmem>> -> memref<1x128x64xf32, #tpu.memory_space<vmem>>
    %dma_start3A_79 = tpu.memref_squeeze %dma_start3A_78 : memref<1x128x64xf32, #tpu.memory_space<vmem>> -> memref<128x64xf32, #tpu.memory_space<vmem>>
    %dma_start3A_80 = arith.constant 0 : i32
    %dma_start3A_81 = tpu.memref_slice %arg5[%dma_start3A_74, %dma_start3A_80] : memref<200x128xi32, #tpu.memory_space<vmem>> -> memref<1x128xi32, #tpu.memory_space<vmem>>
    %dma_start3A_82 = tpu.memref_squeeze %dma_start3A_81 : memref<1x128xi32, #tpu.memory_space<vmem>> -> memref<128xi32, #tpu.memory_space<vmem>>
    %dma_start3A_83 = arith.constant 0 : i32
    %dma_start3A_84 = arith.constant 0 : i32
    %dma_start3A_85 = tpu.memref_slice %arg3[%dma_start3A_83, %dma_start3A_84] : memref<1000000x64xf32, #tpu.memory_space<hbm>> -> memref<1000000x64xf32, #tpu.memory_space<hbm>>
    tpu.enqueue_indirect_dma source(%dma_start3A_85 : memref<1000000x64xf32, #tpu.memory_space<hbm>>) target(%dma_start3A_79 : memref<128x64xf32, #tpu.memory_space<vmem>>) offsets(%dma_start3A_82 : memref<128xi32, #tpu.memory_space<vmem>>) semaphore(%arg7 : memref<!tpu.dma_semaphore, #tpu.memory_space<semaphore_mem>>)
    %dma_start3A_86 = arith.constant 7 : i32
    %dma_start3A_87 = arith.constant 7 : i32
    %dma_start3A_88 = arith.constant 0 : i32
    %dma_start3A_89 = arith.constant 0 : i32
    %dma_start3A_90 = tpu.memref_slice %arg6[%dma_start3A_87, %dma_start3A_88, %dma_start3A_89] : memref<8x128x64xf32, #tpu.memory_space<vmem>> -> memref<1x128x64xf32, #tpu.memory_space<vmem>>
    %dma_start3A_91 = tpu.memref_squeeze %dma_start3A_90 : memref<1x128x64xf32, #tpu.memory_space<vmem>> -> memref<128x64xf32, #tpu.memory_space<vmem>>
    %dma_start3A_92 = arith.constant 0 : i32
    %dma_start3A_93 = tpu.memref_slice %arg5[%dma_start3A_86, %dma_start3A_92] : memref<200x128xi32, #tpu.memory_space<vmem>> -> memref<1x128xi32, #tpu.memory_space<vmem>>
    %dma_start3A_94 = tpu.memref_squeeze %dma_start3A_93 : memref<1x128xi32, #tpu.memory_space<vmem>> -> memref<128xi32, #tpu.memory_space<vmem>>
    %dma_start3A_95 = arith.constant 0 : i32
    %dma_start3A_96 = arith.constant 0 : i32
    %dma_start3A_97 = tpu.memref_slice %arg3[%dma_start3A_95, %dma_start3A_96] : memref<1000000x64xf32, #tpu.memory_space<hbm>> -> memref<1000000x64xf32, #tpu.memory_space<hbm>>
    tpu.enqueue_indirect_dma source(%dma_start3A_97 : memref<1000000x64xf32, #tpu.memory_space<hbm>>) target(%dma_start3A_91 : memref<128x64xf32, #tpu.memory_space<vmem>>) offsets(%dma_start3A_94 : memref<128xi32, #tpu.memory_space<vmem>>) semaphore(%arg7 : memref<!tpu.dma_semaphore, #tpu.memory_space<semaphore_mem>>)
    %dma_wait3A = arith.constant 0 : i32
    %dma_wait3A_98 = arith.constant 0 : i32
    %dma_wait3A_99 = arith.constant 0 : i32
    %dma_wait3A_100 = tpu.memref_slice %arg6[%dma_wait3A, %dma_wait3A_98, %dma_wait3A_99] : memref<8x128x64xf32, #tpu.memory_space<vmem>> -> memref<1x128x64xf32, #tpu.memory_space<vmem>>
    %dma_wait3A_101 = tpu.memref_squeeze %dma_wait3A_100 : memref<1x128x64xf32, #tpu.memory_space<vmem>> -> memref<128x64xf32, #tpu.memory_space<vmem>>
    %dma_wait3A_102 = arith.constant 0 : i32
    %dma_wait3A_103 = arith.constant 0 : i32
    %dma_wait3A_104 = tpu.memref_slice %arg3[%dma_wait3A_102, %dma_wait3A_103] : memref<1000000x64xf32, #tpu.memory_space<hbm>> -> memref<128x64xf32, #tpu.memory_space<hbm>>
    %dma_wait3A_105 = arith.constant 0 : i32
    %dma_wait3A_106 = arith.constant 0 : i32
    %dma_wait3A_107 = tpu.memref_slice %arg6[%dma_wait3A, %dma_wait3A_105, %dma_wait3A_106] : memref<8x128x64xf32, #tpu.memory_space<vmem>> -> memref<1x128x64xf32, #tpu.memory_space<vmem>>
    %dma_wait3A_108 = tpu.memref_squeeze %dma_wait3A_107 : memref<1x128x64xf32, #tpu.memory_space<vmem>> -> memref<128x64xf32, #tpu.memory_space<vmem>>
    %dma_wait3A_109 = arith.constant 0 : i32
    %dma_wait3A_110 = arith.constant 0 : i32
    %dma_wait3A_111 = tpu.memref_slice %arg3[%dma_wait3A_109, %dma_wait3A_110] : memref<1000000x64xf32, #tpu.memory_space<hbm>> -> memref<128x64xf32, #tpu.memory_space<hbm>>
    tpu.wait_dma2 semaphore(%arg7 : memref<!tpu.dma_semaphore, #tpu.memory_space<semaphore_mem>>) src(%dma_wait3A_111 : memref<128x64xf32, #tpu.memory_space<hbm>>) dst(%dma_wait3A_108 : memref<128x64xf32, #tpu.memory_space<vmem>>)
    %add3A_112 = arith.constant 0 : i32
    %add3A_113 = arith.addi %mul3A_2, %add3A_112 : i32
    %mul3A_114 = arith.constant 128 : i32
    %mul3A_115 = arith.muli %add3A_113, %mul3A_114 : i32
    %dma_start3A_116 = arith.constant 0 : i32
    %dma_start3A_117 = arith.constant 0 : i32
    %dma_start3A_118 = arith.constant 0 : i32
    %dma_start3A_119 = tpu.memref_slice %arg6[%dma_start3A_116, %dma_start3A_117, %dma_start3A_118] : memref<8x128x64xf32, #tpu.memory_space<vmem>> -> memref<1x128x64xf32, #tpu.memory_space<vmem>>
    %dma_start3A_120 = tpu.memref_squeeze %dma_start3A_119 : memref<1x128x64xf32, #tpu.memory_space<vmem>> -> memref<128x64xf32, #tpu.memory_space<vmem>>
    %dma_start3A_121 = arith.constant 0 : i32
    %dma_start3A_122 = tpu.memref_slice %arg4[%mul3A_115, %dma_start3A_121] : memref<819200x64xf32, #tpu.memory_space<hbm>> -> memref<128x64xf32, #tpu.memory_space<hbm>>
    %dma_start3A_123 = arith.constant 0 : i32
    %dma_start3A_124 = tpu.memref_slice %arg4[%mul3A_115, %dma_start3A_123] : memref<819200x64xf32, #tpu.memory_space<hbm>> -> memref<128x64xf32, #tpu.memory_space<hbm>>
    %dma_start3A_125 = arith.constant 0 : i32
    %dma_start3A_126 = arith.constant 0 : i32
    %dma_start3A_127 = tpu.memref_slice %arg6[%dma_start3A_116, %dma_start3A_125, %dma_start3A_126] : memref<8x128x64xf32, #tpu.memory_space<vmem>> -> memref<1x128x64xf32, #tpu.memory_space<vmem>>
    %dma_start3A_128 = tpu.memref_squeeze %dma_start3A_127 : memref<1x128x64xf32, #tpu.memory_space<vmem>> -> memref<128x64xf32, #tpu.memory_space<vmem>>
    tpu.enqueue_dma source(%dma_start3A_128 : memref<128x64xf32, #tpu.memory_space<vmem>>) target(%dma_start3A_124 : memref<128x64xf32, #tpu.memory_space<hbm>>) target_semaphore(%arg8 : memref<!tpu.dma_semaphore, #tpu.memory_space<semaphore_mem>>)
    %dma_wait3A_129 = arith.constant 1 : i32
    %dma_wait3A_130 = arith.constant 0 : i32
    %dma_wait3A_131 = arith.constant 0 : i32
    %dma_wait3A_132 = tpu.memref_slice %arg6[%dma_wait3A_129, %dma_wait3A_130, %dma_wait3A_131] : memref<8x128x64xf32, #tpu.memory_space<vmem>> -> memref<1x128x64xf32, #tpu.memory_space<vmem>>
    %dma_wait3A_133 = tpu.memref_squeeze %dma_wait3A_132 : memref<1x128x64xf32, #tpu.memory_space<vmem>> -> memref<128x64xf32, #tpu.memory_space<vmem>>
    %dma_wait3A_134 = arith.constant 0 : i32
    %dma_wait3A_135 = arith.constant 0 : i32
    %dma_wait3A_136 = tpu.memref_slice %arg3[%dma_wait3A_134, %dma_wait3A_135] : memref<1000000x64xf32, #tpu.memory_space<hbm>> -> memref<128x64xf32, #tpu.memory_space<hbm>>
    %dma_wait3A_137 = arith.constant 0 : i32
    %dma_wait3A_138 = arith.constant 0 : i32
    %dma_wait3A_139 = tpu.memref_slice %arg6[%dma_wait3A_129, %dma_wait3A_137, %dma_wait3A_138] : memref<8x128x64xf32, #tpu.memory_space<vmem>> -> memref<1x128x64xf32, #tpu.memory_space<vmem>>
    %dma_wait3A_140 = tpu.memref_squeeze %dma_wait3A_139 : memref<1x128x64xf32, #tpu.memory_space<vmem>> -> memref<128x64xf32, #tpu.memory_space<vmem>>
    %dma_wait3A_141 = arith.constant 0 : i32
    %dma_wait3A_142 = arith.constant 0 : i32
    %dma_wait3A_143 = tpu.memref_slice %arg3[%dma_wait3A_141, %dma_wait3A_142] : memref<1000000x64xf32, #tpu.memory_space<hbm>> -> memref<128x64xf32, #tpu.memory_space<hbm>>
    tpu.wait_dma2 semaphore(%arg7 : memref<!tpu.dma_semaphore, #tpu.memory_space<semaphore_mem>>) src(%dma_wait3A_143 : memref<128x64xf32, #tpu.memory_space<hbm>>) dst(%dma_wait3A_140 : memref<128x64xf32, #tpu.memory_space<vmem>>)
    %add3A_144 = arith.constant 1 : i32
    %add3A_145 = arith.addi %mul3A_2, %add3A_144 : i32
    %mul3A_146 = arith.constant 128 : i32
    %mul3A_147 = arith.muli %add3A_145, %mul3A_146 : i32
    %dma_start3A_148 = arith.constant 1 : i32
    %dma_start3A_149 = arith.constant 0 : i32
    %dma_start3A_150 = arith.constant 0 : i32
    %dma_start3A_151 = tpu.memref_slice %arg6[%dma_start3A_148, %dma_start3A_149, %dma_start3A_150] : memref<8x128x64xf32, #tpu.memory_space<vmem>> -> memref<1x128x64xf32, #tpu.memory_space<vmem>>
    %dma_start3A_152 = tpu.memref_squeeze %dma_start3A_151 : memref<1x128x64xf32, #tpu.memory_space<vmem>> -> memref<128x64xf32, #tpu.memory_space<vmem>>
    %dma_start3A_153 = arith.constant 0 : i32
    %dma_start3A_154 = tpu.memref_slice %arg4[%mul3A_147, %dma_start3A_153] : memref<819200x64xf32, #tpu.memory_space<hbm>> -> memref<128x64xf32, #tpu.memory_space<hbm>>
    %dma_start3A_155 = arith.constant 0 : i32
    %dma_start3A_156 = tpu.memref_slice %arg4[%mul3A_147, %dma_start3A_155] : memref<819200x64xf32, #tpu.memory_space<hbm>> -> memref<128x64xf32, #tpu.memory_space<hbm>>
    %dma_start3A_157 = arith.constant 0 : i32
    %dma_start3A_158 = arith.constant 0 : i32
    %dma_start3A_159 = tpu.memref_slice %arg6[%dma_start3A_148, %dma_start3A_157, %dma_start3A_158] : memref<8x128x64xf32, #tpu.memory_space<vmem>> -> memref<1x128x64xf32, #tpu.memory_space<vmem>>
    %dma_start3A_160 = tpu.memref_squeeze %dma_start3A_159 : memref<1x128x64xf32, #tpu.memory_space<vmem>> -> memref<128x64xf32, #tpu.memory_space<vmem>>
    tpu.enqueue_dma source(%dma_start3A_160 : memref<128x64xf32, #tpu.memory_space<vmem>>) target(%dma_start3A_156 : memref<128x64xf32, #tpu.memory_space<hbm>>) target_semaphore(%arg8 : memref<!tpu.dma_semaphore, #tpu.memory_space<semaphore_mem>>)
    %dma_wait3A_161 = arith.constant 2 : i32
    %dma_wait3A_162 = arith.constant 0 : i32
    %dma_wait3A_163 = arith.constant 0 : i32
    %dma_wait3A_164 = tpu.memref_slice %arg6[%dma_wait3A_161, %dma_wait3A_162, %dma_wait3A_163] : memref<8x128x64xf32, #tpu.memory_space<vmem>> -> memref<1x128x64xf32, #tpu.memory_space<vmem>>
    %dma_wait3A_165 = tpu.memref_squeeze %dma_wait3A_164 : memref<1x128x64xf32, #tpu.memory_space<vmem>> -> memref<128x64xf32, #tpu.memory_space<vmem>>
    %dma_wait3A_166 = arith.constant 0 : i32
    %dma_wait3A_167 = arith.constant 0 : i32
    %dma_wait3A_168 = tpu.memref_slice %arg3[%dma_wait3A_166, %dma_wait3A_167] : memref<1000000x64xf32, #tpu.memory_space<hbm>> -> memref<128x64xf32, #tpu.memory_space<hbm>>
    %dma_wait3A_169 = arith.constant 0 : i32
    %dma_wait3A_170 = arith.constant 0 : i32
    %dma_wait3A_171 = tpu.memref_slice %arg6[%dma_wait3A_161, %dma_wait3A_169, %dma_wait3A_170] : memref<8x128x64xf32, #tpu.memory_space<vmem>> -> memref<1x128x64xf32, #tpu.memory_space<vmem>>
    %dma_wait3A_172 = tpu.memref_squeeze %dma_wait3A_171 : memref<1x128x64xf32, #tpu.memory_space<vmem>> -> memref<128x64xf32, #tpu.memory_space<vmem>>
    %dma_wait3A_173 = arith.constant 0 : i32
    %dma_wait3A_174 = arith.constant 0 : i32
    %dma_wait3A_175 = tpu.memref_slice %arg3[%dma_wait3A_173, %dma_wait3A_174] : memref<1000000x64xf32, #tpu.memory_space<hbm>> -> memref<128x64xf32, #tpu.memory_space<hbm>>
    tpu.wait_dma2 semaphore(%arg7 : memref<!tpu.dma_semaphore, #tpu.memory_space<semaphore_mem>>) src(%dma_wait3A_175 : memref<128x64xf32, #tpu.memory_space<hbm>>) dst(%dma_wait3A_172 : memref<128x64xf32, #tpu.memory_space<vmem>>)
    %add3A_176 = arith.constant 2 : i32
    %add3A_177 = arith.addi %mul3A_2, %add3A_176 : i32
    %mul3A_178 = arith.constant 128 : i32
    %mul3A_179 = arith.muli %add3A_177, %mul3A_178 : i32
    %dma_start3A_180 = arith.constant 2 : i32
    %dma_start3A_181 = arith.constant 0 : i32
    %dma_start3A_182 = arith.constant 0 : i32
    %dma_start3A_183 = tpu.memref_slice %arg6[%dma_start3A_180, %dma_start3A_181, %dma_start3A_182] : memref<8x128x64xf32, #tpu.memory_space<vmem>> -> memref<1x128x64xf32, #tpu.memory_space<vmem>>
    %dma_start3A_184 = tpu.memref_squeeze %dma_start3A_183 : memref<1x128x64xf32, #tpu.memory_space<vmem>> -> memref<128x64xf32, #tpu.memory_space<vmem>>
    %dma_start3A_185 = arith.constant 0 : i32
    %dma_start3A_186 = tpu.memref_slice %arg4[%mul3A_179, %dma_start3A_185] : memref<819200x64xf32, #tpu.memory_space<hbm>> -> memref<128x64xf32, #tpu.memory_space<hbm>>
    %dma_start3A_187 = arith.constant 0 : i32
    %dma_start3A_188 = tpu.memref_slice %arg4[%mul3A_179, %dma_start3A_187] : memref<819200x64xf32, #tpu.memory_space<hbm>> -> memref<128x64xf32, #tpu.memory_space<hbm>>
    %dma_start3A_189 = arith.constant 0 : i32
    %dma_start3A_190 = arith.constant 0 : i32
    %dma_start3A_191 = tpu.memref_slice %arg6[%dma_start3A_180, %dma_start3A_189, %dma_start3A_190] : memref<8x128x64xf32, #tpu.memory_space<vmem>> -> memref<1x128x64xf32, #tpu.memory_space<vmem>>
    %dma_start3A_192 = tpu.memref_squeeze %dma_start3A_191 : memref<1x128x64xf32, #tpu.memory_space<vmem>> -> memref<128x64xf32, #tpu.memory_space<vmem>>
    tpu.enqueue_dma source(%dma_start3A_192 : memref<128x64xf32, #tpu.memory_space<vmem>>) target(%dma_start3A_188 : memref<128x64xf32, #tpu.memory_space<hbm>>) target_semaphore(%arg8 : memref<!tpu.dma_semaphore, #tpu.memory_space<semaphore_mem>>)
    %dma_wait3A_193 = arith.constant 3 : i32
    %dma_wait3A_194 = arith.constant 0 : i32
    %dma_wait3A_195 = arith.constant 0 : i32
    %dma_wait3A_196 = tpu.memref_slice %arg6[%dma_wait3A_193, %dma_wait3A_194, %dma_wait3A_195] : memref<8x128x64xf32, #tpu.memory_space<vmem>> -> memref<1x128x64xf32, #tpu.memory_space<vmem>>
    %dma_wait3A_197 = tpu.memref_squeeze %dma_wait3A_196 : memref<1x128x64xf32, #tpu.memory_space<vmem>> -> memref<128x64xf32, #tpu.memory_space<vmem>>
    %dma_wait3A_198 = arith.constant 0 : i32
    %dma_wait3A_199 = arith.constant 0 : i32
    %dma_wait3A_200 = tpu.memref_slice %arg3[%dma_wait3A_198, %dma_wait3A_199] : memref<1000000x64xf32, #tpu.memory_space<hbm>> -> memref<128x64xf32, #tpu.memory_space<hbm>>
    %dma_wait3A_201 = arith.constant 0 : i32
    %dma_wait3A_202 = arith.constant 0 : i32
    %dma_wait3A_203 = tpu.memref_slice %arg6[%dma_wait3A_193, %dma_wait3A_201, %dma_wait3A_202] : memref<8x128x64xf32, #tpu.memory_space<vmem>> -> memref<1x128x64xf32, #tpu.memory_space<vmem>>
    %dma_wait3A_204 = tpu.memref_squeeze %dma_wait3A_203 : memref<1x128x64xf32, #tpu.memory_space<vmem>> -> memref<128x64xf32, #tpu.memory_space<vmem>>
    %dma_wait3A_205 = arith.constant 0 : i32
    %dma_wait3A_206 = arith.constant 0 : i32
    %dma_wait3A_207 = tpu.memref_slice %arg3[%dma_wait3A_205, %dma_wait3A_206] : memref<1000000x64xf32, #tpu.memory_space<hbm>> -> memref<128x64xf32, #tpu.memory_space<hbm>>
    tpu.wait_dma2 semaphore(%arg7 : memref<!tpu.dma_semaphore, #tpu.memory_space<semaphore_mem>>) src(%dma_wait3A_207 : memref<128x64xf32, #tpu.memory_space<hbm>>) dst(%dma_wait3A_204 : memref<128x64xf32, #tpu.memory_space<vmem>>)
    %add3A_208 = arith.constant 3 : i32
    %add3A_209 = arith.addi %mul3A_2, %add3A_208 : i32
    %mul3A_210 = arith.constant 128 : i32
    %mul3A_211 = arith.muli %add3A_209, %mul3A_210 : i32
    %dma_start3A_212 = arith.constant 3 : i32
    %dma_start3A_213 = arith.constant 0 : i32
    %dma_start3A_214 = arith.constant 0 : i32
    %dma_start3A_215 = tpu.memref_slice %arg6[%dma_start3A_212, %dma_start3A_213, %dma_start3A_214] : memref<8x128x64xf32, #tpu.memory_space<vmem>> -> memref<1x128x64xf32, #tpu.memory_space<vmem>>
    %dma_start3A_216 = tpu.memref_squeeze %dma_start3A_215 : memref<1x128x64xf32, #tpu.memory_space<vmem>> -> memref<128x64xf32, #tpu.memory_space<vmem>>
    %dma_start3A_217 = arith.constant 0 : i32
    %dma_start3A_218 = tpu.memref_slice %arg4[%mul3A_211, %dma_start3A_217] : memref<819200x64xf32, #tpu.memory_space<hbm>> -> memref<128x64xf32, #tpu.memory_space<hbm>>
    %dma_start3A_219 = arith.constant 0 : i32
    %dma_start3A_220 = tpu.memref_slice %arg4[%mul3A_211, %dma_start3A_219] : memref<819200x64xf32, #tpu.memory_space<hbm>> -> memref<128x64xf32, #tpu.memory_space<hbm>>
    %dma_start3A_221 = arith.constant 0 : i32
    %dma_start3A_222 = arith.constant 0 : i32
    %dma_start3A_223 = tpu.memref_slice %arg6[%dma_start3A_212, %dma_start3A_221, %dma_start3A_222] : memref<8x128x64xf32, #tpu.memory_space<vmem>> -> memref<1x128x64xf32, #tpu.memory_space<vmem>>
    %dma_start3A_224 = tpu.memref_squeeze %dma_start3A_223 : memref<1x128x64xf32, #tpu.memory_space<vmem>> -> memref<128x64xf32, #tpu.memory_space<vmem>>
    tpu.enqueue_dma source(%dma_start3A_224 : memref<128x64xf32, #tpu.memory_space<vmem>>) target(%dma_start3A_220 : memref<128x64xf32, #tpu.memory_space<hbm>>) target_semaphore(%arg8 : memref<!tpu.dma_semaphore, #tpu.memory_space<semaphore_mem>>)
    %dma_wait3A_225 = arith.constant 4 : i32
    %dma_wait3A_226 = arith.constant 0 : i32
    %dma_wait3A_227 = arith.constant 0 : i32
    %dma_wait3A_228 = tpu.memref_slice %arg6[%dma_wait3A_225, %dma_wait3A_226, %dma_wait3A_227] : memref<8x128x64xf32, #tpu.memory_space<vmem>> -> memref<1x128x64xf32, #tpu.memory_space<vmem>>
    %dma_wait3A_229 = tpu.memref_squeeze %dma_wait3A_228 : memref<1x128x64xf32, #tpu.memory_space<vmem>> -> memref<128x64xf32, #tpu.memory_space<vmem>>
    %dma_wait3A_230 = arith.constant 0 : i32
    %dma_wait3A_231 = arith.constant 0 : i32
    %dma_wait3A_232 = tpu.memref_slice %arg3[%dma_wait3A_230, %dma_wait3A_231] : memref<1000000x64xf32, #tpu.memory_space<hbm>> -> memref<128x64xf32, #tpu.memory_space<hbm>>
    %dma_wait3A_233 = arith.constant 0 : i32
    %dma_wait3A_234 = arith.constant 0 : i32
    %dma_wait3A_235 = tpu.memref_slice %arg6[%dma_wait3A_225, %dma_wait3A_233, %dma_wait3A_234] : memref<8x128x64xf32, #tpu.memory_space<vmem>> -> memref<1x128x64xf32, #tpu.memory_space<vmem>>
    %dma_wait3A_236 = tpu.memref_squeeze %dma_wait3A_235 : memref<1x128x64xf32, #tpu.memory_space<vmem>> -> memref<128x64xf32, #tpu.memory_space<vmem>>
    %dma_wait3A_237 = arith.constant 0 : i32
    %dma_wait3A_238 = arith.constant 0 : i32
    %dma_wait3A_239 = tpu.memref_slice %arg3[%dma_wait3A_237, %dma_wait3A_238] : memref<1000000x64xf32, #tpu.memory_space<hbm>> -> memref<128x64xf32, #tpu.memory_space<hbm>>
    tpu.wait_dma2 semaphore(%arg7 : memref<!tpu.dma_semaphore, #tpu.memory_space<semaphore_mem>>) src(%dma_wait3A_239 : memref<128x64xf32, #tpu.memory_space<hbm>>) dst(%dma_wait3A_236 : memref<128x64xf32, #tpu.memory_space<vmem>>)
    %add3A_240 = arith.constant 4 : i32
    %add3A_241 = arith.addi %mul3A_2, %add3A_240 : i32
    %mul3A_242 = arith.constant 128 : i32
    %mul3A_243 = arith.muli %add3A_241, %mul3A_242 : i32
    %dma_start3A_244 = arith.constant 4 : i32
    %dma_start3A_245 = arith.constant 0 : i32
    %dma_start3A_246 = arith.constant 0 : i32
    %dma_start3A_247 = tpu.memref_slice %arg6[%dma_start3A_244, %dma_start3A_245, %dma_start3A_246] : memref<8x128x64xf32, #tpu.memory_space<vmem>> -> memref<1x128x64xf32, #tpu.memory_space<vmem>>
    %dma_start3A_248 = tpu.memref_squeeze %dma_start3A_247 : memref<1x128x64xf32, #tpu.memory_space<vmem>> -> memref<128x64xf32, #tpu.memory_space<vmem>>
    %dma_start3A_249 = arith.constant 0 : i32
    %dma_start3A_250 = tpu.memref_slice %arg4[%mul3A_243, %dma_start3A_249] : memref<819200x64xf32, #tpu.memory_space<hbm>> -> memref<128x64xf32, #tpu.memory_space<hbm>>
    %dma_start3A_251 = arith.constant 0 : i32
    %dma_start3A_252 = tpu.memref_slice %arg4[%mul3A_243, %dma_start3A_251] : memref<819200x64xf32, #tpu.memory_space<hbm>> -> memref<128x64xf32, #tpu.memory_space<hbm>>
    %dma_start3A_253 = arith.constant 0 : i32
    %dma_start3A_254 = arith.constant 0 : i32
    %dma_start3A_255 = tpu.memref_slice %arg6[%dma_start3A_244, %dma_start3A_253, %dma_start3A_254] : memref<8x128x64xf32, #tpu.memory_space<vmem>> -> memref<1x128x64xf32, #tpu.memory_space<vmem>>
    %dma_start3A_256 = tpu.memref_squeeze %dma_start3A_255 : memref<1x128x64xf32, #tpu.memory_space<vmem>> -> memref<128x64xf32, #tpu.memory_space<vmem>>
    tpu.enqueue_dma source(%dma_start3A_256 : memref<128x64xf32, #tpu.memory_space<vmem>>) target(%dma_start3A_252 : memref<128x64xf32, #tpu.memory_space<hbm>>) target_semaphore(%arg8 : memref<!tpu.dma_semaphore, #tpu.memory_space<semaphore_mem>>)
    %dma_wait3A_257 = arith.constant 0 : i32
    %dma_wait3A_258 = arith.constant 0 : i32
    %dma_wait3A_259 = arith.constant 0 : i32
    %dma_wait3A_260 = tpu.memref_slice %arg6[%dma_wait3A_257, %dma_wait3A_258, %dma_wait3A_259] : memref<8x128x64xf32, #tpu.memory_space<vmem>> -> memref<1x128x64xf32, #tpu.memory_space<vmem>>
    %dma_wait3A_261 = tpu.memref_squeeze %dma_wait3A_260 : memref<1x128x64xf32, #tpu.memory_space<vmem>> -> memref<128x64xf32, #tpu.memory_space<vmem>>
    %dma_wait3A_262 = arith.constant 0 : i32
    %dma_wait3A_263 = arith.constant 0 : i32
    %dma_wait3A_264 = tpu.memref_slice %arg4[%dma_wait3A_262, %dma_wait3A_263] : memref<819200x64xf32, #tpu.memory_space<hbm>> -> memref<128x64xf32, #tpu.memory_space<hbm>>
    %dma_wait3A_265 = arith.constant 0 : i32
    %dma_wait3A_266 = arith.constant 0 : i32
    %dma_wait3A_267 = tpu.memref_slice %arg4[%dma_wait3A_265, %dma_wait3A_266] : memref<819200x64xf32, #tpu.memory_space<hbm>> -> memref<128x64xf32, #tpu.memory_space<hbm>>
    %dma_wait3A_268 = arith.constant 0 : i32
    %dma_wait3A_269 = arith.constant 0 : i32
    %dma_wait3A_270 = tpu.memref_slice %arg6[%dma_wait3A_257, %dma_wait3A_268, %dma_wait3A_269] : memref<8x128x64xf32, #tpu.memory_space<vmem>> -> memref<1x128x64xf32, #tpu.memory_space<vmem>>
    %dma_wait3A_271 = tpu.memref_squeeze %dma_wait3A_270 : memref<1x128x64xf32, #tpu.memory_space<vmem>> -> memref<128x64xf32, #tpu.memory_space<vmem>>
    tpu.wait_dma2 semaphore(%arg8 : memref<!tpu.dma_semaphore, #tpu.memory_space<semaphore_mem>>) src(%dma_wait3A_271 : memref<128x64xf32, #tpu.memory_space<vmem>>) dst(%dma_wait3A_267 : memref<128x64xf32, #tpu.memory_space<hbm>>)
    %dma_start3A_272 = arith.constant 8 : i32
    %dma_start3A_273 = arith.constant 0 : i32
    %dma_start3A_274 = arith.constant 0 : i32
    %dma_start3A_275 = arith.constant 0 : i32
    %dma_start3A_276 = tpu.memref_slice %arg6[%dma_start3A_273, %dma_start3A_274, %dma_start3A_275] : memref<8x128x64xf32, #tpu.memory_space<vmem>> -> memref<1x128x64xf32, #tpu.memory_space<vmem>>
    %dma_start3A_277 = tpu.memref_squeeze %dma_start3A_276 : memref<1x128x64xf32, #tpu.memory_space<vmem>> -> memref<128x64xf32, #tpu.memory_space<vmem>>
    %dma_start3A_278 = arith.constant 0 : i32
    %dma_start3A_279 = tpu.memref_slice %arg5[%dma_start3A_272, %dma_start3A_278] : memref<200x128xi32, #tpu.memory_space<vmem>> -> memref<1x128xi32, #tpu.memory_space<vmem>>
    %dma_start3A_280 = tpu.memref_squeeze %dma_start3A_279 : memref<1x128xi32, #tpu.memory_space<vmem>> -> memref<128xi32, #tpu.memory_space<vmem>>
    %dma_start3A_281 = arith.constant 0 : i32
    %dma_start3A_282 = arith.constant 0 : i32
    %dma_start3A_283 = tpu.memref_slice %arg3[%dma_start3A_281, %dma_start3A_282] : memref<1000000x64xf32, #tpu.memory_space<hbm>> -> memref<1000000x64xf32, #tpu.memory_space<hbm>>
    tpu.enqueue_indirect_dma source(%dma_start3A_283 : memref<1000000x64xf32, #tpu.memory_space<hbm>>) target(%dma_start3A_277 : memref<128x64xf32, #tpu.memory_space<vmem>>) offsets(%dma_start3A_280 : memref<128xi32, #tpu.memory_space<vmem>>) semaphore(%arg7 : memref<!tpu.dma_semaphore, #tpu.memory_space<semaphore_mem>>)
    %dma_wait3A_284 = arith.constant 5 : i32
    %dma_wait3A_285 = arith.constant 0 : i32
    %dma_wait3A_286 = arith.constant 0 : i32
    %dma_wait3A_287 = tpu.memref_slice %arg6[%dma_wait3A_284, %dma_wait3A_285, %dma_wait3A_286] : memref<8x128x64xf32, #tpu.memory_space<vmem>> -> memref<1x128x64xf32, #tpu.memory_space<vmem>>
    %dma_wait3A_288 = tpu.memref_squeeze %dma_wait3A_287 : memref<1x128x64xf32, #tpu.memory_space<vmem>> -> memref<128x64xf32, #tpu.memory_space<vmem>>
    %dma_wait3A_289 = arith.constant 0 : i32
    %dma_wait3A_290 = arith.constant 0 : i32
    %dma_wait3A_291 = tpu.memref_slice %arg3[%dma_wait3A_289, %dma_wait3A_290] : memref<1000000x64xf32, #tpu.memory_space<hbm>> -> memref<128x64xf32, #tpu.memory_space<hbm>>
    %dma_wait3A_292 = arith.constant 0 : i32
    %dma_wait3A_293 = arith.constant 0 : i32
    %dma_wait3A_294 = tpu.memref_slice %arg6[%dma_wait3A_284, %dma_wait3A_292, %dma_wait3A_293] : memref<8x128x64xf32, #tpu.memory_space<vmem>> -> memref<1x128x64xf32, #tpu.memory_space<vmem>>
    %dma_wait3A_295 = tpu.memref_squeeze %dma_wait3A_294 : memref<1x128x64xf32, #tpu.memory_space<vmem>> -> memref<128x64xf32, #tpu.memory_space<vmem>>
    %dma_wait3A_296 = arith.constant 0 : i32
    %dma_wait3A_297 = arith.constant 0 : i32
    %dma_wait3A_298 = tpu.memref_slice %arg3[%dma_wait3A_296, %dma_wait3A_297] : memref<1000000x64xf32, #tpu.memory_space<hbm>> -> memref<128x64xf32, #tpu.memory_space<hbm>>
    tpu.wait_dma2 semaphore(%arg7 : memref<!tpu.dma_semaphore, #tpu.memory_space<semaphore_mem>>) src(%dma_wait3A_298 : memref<128x64xf32, #tpu.memory_space<hbm>>) dst(%dma_wait3A_295 : memref<128x64xf32, #tpu.memory_space<vmem>>)
    %add3A_299 = arith.constant 5 : i32
    %add3A_300 = arith.addi %mul3A_2, %add3A_299 : i32
    %mul3A_301 = arith.constant 128 : i32
    %mul3A_302 = arith.muli %add3A_300, %mul3A_301 : i32
    %dma_start3A_303 = arith.constant 5 : i32
    %dma_start3A_304 = arith.constant 0 : i32
    %dma_start3A_305 = arith.constant 0 : i32
    %dma_start3A_306 = tpu.memref_slice %arg6[%dma_start3A_303, %dma_start3A_304, %dma_start3A_305] : memref<8x128x64xf32, #tpu.memory_space<vmem>> -> memref<1x128x64xf32, #tpu.memory_space<vmem>>
    %dma_start3A_307 = tpu.memref_squeeze %dma_start3A_306 : memref<1x128x64xf32, #tpu.memory_space<vmem>> -> memref<128x64xf32, #tpu.memory_space<vmem>>
    %dma_start3A_308 = arith.constant 0 : i32
    %dma_start3A_309 = tpu.memref_slice %arg4[%mul3A_302, %dma_start3A_308] : memref<819200x64xf32, #tpu.memory_space<hbm>> -> memref<128x64xf32, #tpu.memory_space<hbm>>
    %dma_start3A_310 = arith.constant 0 : i32
    %dma_start3A_311 = tpu.memref_slice %arg4[%mul3A_302, %dma_start3A_310] : memref<819200x64xf32, #tpu.memory_space<hbm>> -> memref<128x64xf32, #tpu.memory_space<hbm>>
    %dma_start3A_312 = arith.constant 0 : i32
    %dma_start3A_313 = arith.constant 0 : i32
    %dma_start3A_314 = tpu.memref_slice %arg6[%dma_start3A_303, %dma_start3A_312, %dma_start3A_313] : memref<8x128x64xf32, #tpu.memory_space<vmem>> -> memref<1x128x64xf32, #tpu.memory_space<vmem>>
    %dma_start3A_315 = tpu.memref_squeeze %dma_start3A_314 : memref<1x128x64xf32, #tpu.memory_space<vmem>> -> memref<128x64xf32, #tpu.memory_space<vmem>>
    tpu.enqueue_dma source(%dma_start3A_315 : memref<128x64xf32, #tpu.memory_space<vmem>>) target(%dma_start3A_311 : memref<128x64xf32, #tpu.memory_space<hbm>>) target_semaphore(%arg8 : memref<!tpu.dma_semaphore, #tpu.memory_space<semaphore_mem>>)
    %dma_wait3A_316 = arith.constant 1 : i32
    %dma_wait3A_317 = arith.constant 0 : i32
    %dma_wait3A_318 = arith.constant 0 : i32
    %dma_wait3A_319 = tpu.memref_slice %arg6[%dma_wait3A_316, %dma_wait3A_317, %dma_wait3A_318] : memref<8x128x64xf32, #tpu.memory_space<vmem>> -> memref<1x128x64xf32, #tpu.memory_space<vmem>>
    %dma_wait3A_320 = tpu.memref_squeeze %dma_wait3A_319 : memref<1x128x64xf32, #tpu.memory_space<vmem>> -> memref<128x64xf32, #tpu.memory_space<vmem>>
    %dma_wait3A_321 = arith.constant 0 : i32
    %dma_wait3A_322 = arith.constant 0 : i32
    %dma_wait3A_323 = tpu.memref_slice %arg4[%dma_wait3A_321, %dma_wait3A_322] : memref<819200x64xf32, #tpu.memory_space<hbm>> -> memref<128x64xf32, #tpu.memory_space<hbm>>
    %dma_wait3A_324 = arith.constant 0 : i32
    %dma_wait3A_325 = arith.constant 0 : i32
    %dma_wait3A_326 = tpu.memref_slice %arg4[%dma_wait3A_324, %dma_wait3A_325] : memref<819200x64xf32, #tpu.memory_space<hbm>> -> memref<128x64xf32, #tpu.memory_space<hbm>>
    %dma_wait3A_327 = arith.constant 0 : i32
    %dma_wait3A_328 = arith.constant 0 : i32
    %dma_wait3A_329 = tpu.memref_slice %arg6[%dma_wait3A_316, %dma_wait3A_327, %dma_wait3A_328] : memref<8x128x64xf32, #tpu.memory_space<vmem>> -> memref<1x128x64xf32, #tpu.memory_space<vmem>>
    %dma_wait3A_330 = tpu.memref_squeeze %dma_wait3A_329 : memref<1x128x64xf32, #tpu.memory_space<vmem>> -> memref<128x64xf32, #tpu.memory_space<vmem>>
    tpu.wait_dma2 semaphore(%arg8 : memref<!tpu.dma_semaphore, #tpu.memory_space<semaphore_mem>>) src(%dma_wait3A_330 : memref<128x64xf32, #tpu.memory_space<vmem>>) dst(%dma_wait3A_326 : memref<128x64xf32, #tpu.memory_space<hbm>>)
    %dma_start3A_331 = arith.constant 9 : i32
    %dma_start3A_332 = arith.constant 1 : i32
    %dma_start3A_333 = arith.constant 0 : i32
    %dma_start3A_334 = arith.constant 0 : i32
    %dma_start3A_335 = tpu.memref_slice %arg6[%dma_start3A_332, %dma_start3A_333, %dma_start3A_334] : memref<8x128x64xf32, #tpu.memory_space<vmem>> -> memref<1x128x64xf32, #tpu.memory_space<vmem>>
    %dma_start3A_336 = tpu.memref_squeeze %dma_start3A_335 : memref<1x128x64xf32, #tpu.memory_space<vmem>> -> memref<128x64xf32, #tpu.memory_space<vmem>>
    %dma_start3A_337 = arith.constant 0 : i32
    %dma_start3A_338 = tpu.memref_slice %arg5[%dma_start3A_331, %dma_start3A_337] : memref<200x128xi32, #tpu.memory_space<vmem>> -> memref<1x128xi32, #tpu.memory_space<vmem>>
    %dma_start3A_339 = tpu.memref_squeeze %dma_start3A_338 : memref<1x128xi32, #tpu.memory_space<vmem>> -> memref<128xi32, #tpu.memory_space<vmem>>
    %dma_start3A_340 = arith.constant 0 : i32
    %dma_start3A_341 = arith.constant 0 : i32
    %dma_start3A_342 = tpu.memref_slice %arg3[%dma_start3A_340, %dma_start3A_341] : memref<1000000x64xf32, #tpu.memory_space<hbm>> -> memref<1000000x64xf32, #tpu.memory_space<hbm>>
    tpu.enqueue_indirect_dma source(%dma_start3A_342 : memref<1000000x64xf32, #tpu.memory_space<hbm>>) target(%dma_start3A_336 : memref<128x64xf32, #tpu.memory_space<vmem>>) offsets(%dma_start3A_339 : memref<128xi32, #tpu.memory_space<vmem>>) semaphore(%arg7 : memref<!tpu.dma_semaphore, #tpu.memory_space<semaphore_mem>>)
    %dma_wait3A_343 = arith.constant 6 : i32
    %dma_wait3A_344 = arith.constant 0 : i32
    %dma_wait3A_345 = arith.constant 0 : i32
    %dma_wait3A_346 = tpu.memref_slice %arg6[%dma_wait3A_343, %dma_wait3A_344, %dma_wait3A_345] : memref<8x128x64xf32, #tpu.memory_space<vmem>> -> memref<1x128x64xf32, #tpu.memory_space<vmem>>
    %dma_wait3A_347 = tpu.memref_squeeze %dma_wait3A_346 : memref<1x128x64xf32, #tpu.memory_space<vmem>> -> memref<128x64xf32, #tpu.memory_space<vmem>>
    %dma_wait3A_348 = arith.constant 0 : i32
    %dma_wait3A_349 = arith.constant 0 : i32
    %dma_wait3A_350 = tpu.memref_slice %arg3[%dma_wait3A_348, %dma_wait3A_349] : memref<1000000x64xf32, #tpu.memory_space<hbm>> -> memref<128x64xf32, #tpu.memory_space<hbm>>
    %dma_wait3A_351 = arith.constant 0 : i32
    %dma_wait3A_352 = arith.constant 0 : i32
    %dma_wait3A_353 = tpu.memref_slice %arg6[%dma_wait3A_343, %dma_wait3A_351, %dma_wait3A_352] : memref<8x128x64xf32, #tpu.memory_space<vmem>> -> memref<1x128x64xf32, #tpu.memory_space<vmem>>
    %dma_wait3A_354 = tpu.memref_squeeze %dma_wait3A_353 : memref<1x128x64xf32, #tpu.memory_space<vmem>> -> memref<128x64xf32, #tpu.memory_space<vmem>>
    %dma_wait3A_355 = arith.constant 0 : i32
    %dma_wait3A_356 = arith.constant 0 : i32
    %dma_wait3A_357 = tpu.memref_slice %arg3[%dma_wait3A_355, %dma_wait3A_356] : memref<1000000x64xf32, #tpu.memory_space<hbm>> -> memref<128x64xf32, #tpu.memory_space<hbm>>
    tpu.wait_dma2 semaphore(%arg7 : memref<!tpu.dma_semaphore, #tpu.memory_space<semaphore_mem>>) src(%dma_wait3A_357 : memref<128x64xf32, #tpu.memory_space<hbm>>) dst(%dma_wait3A_354 : memref<128x64xf32, #tpu.memory_space<vmem>>)
    %add3A_358 = arith.constant 6 : i32
    %add3A_359 = arith.addi %mul3A_2, %add3A_358 : i32
    %mul3A_360 = arith.constant 128 : i32
    %mul3A_361 = arith.muli %add3A_359, %mul3A_360 : i32
    %dma_start3A_362 = arith.constant 6 : i32
    %dma_start3A_363 = arith.constant 0 : i32
    %dma_start3A_364 = arith.constant 0 : i32
    %dma_start3A_365 = tpu.memref_slice %arg6[%dma_start3A_362, %dma_start3A_363, %dma_start3A_364] : memref<8x128x64xf32, #tpu.memory_space<vmem>> -> memref<1x128x64xf32, #tpu.memory_space<vmem>>
    %dma_start3A_366 = tpu.memref_squeeze %dma_start3A_365 : memref<1x128x64xf32, #tpu.memory_space<vmem>> -> memref<128x64xf32, #tpu.memory_space<vmem>>
    %dma_start3A_367 = arith.constant 0 : i32
    %dma_start3A_368 = tpu.memref_slice %arg4[%mul3A_361, %dma_start3A_367] : memref<819200x64xf32, #tpu.memory_space<hbm>> -> memref<128x64xf32, #tpu.memory_space<hbm>>
    %dma_start3A_369 = arith.constant 0 : i32
    %dma_start3A_370 = tpu.memref_slice %arg4[%mul3A_361, %dma_start3A_369] : memref<819200x64xf32, #tpu.memory_space<hbm>> -> memref<128x64xf32, #tpu.memory_space<hbm>>
    %dma_start3A_371 = arith.constant 0 : i32
    %dma_start3A_372 = arith.constant 0 : i32
    %dma_start3A_373 = tpu.memref_slice %arg6[%dma_start3A_362, %dma_start3A_371, %dma_start3A_372] : memref<8x128x64xf32, #tpu.memory_space<vmem>> -> memref<1x128x64xf32, #tpu.memory_space<vmem>>
    %dma_start3A_374 = tpu.memref_squeeze %dma_start3A_373 : memref<1x128x64xf32, #tpu.memory_space<vmem>> -> memref<128x64xf32, #tpu.memory_space<vmem>>
    tpu.enqueue_dma source(%dma_start3A_374 : memref<128x64xf32, #tpu.memory_space<vmem>>) target(%dma_start3A_370 : memref<128x64xf32, #tpu.memory_space<hbm>>) target_semaphore(%arg8 : memref<!tpu.dma_semaphore, #tpu.memory_space<semaphore_mem>>)
    %dma_wait3A_375 = arith.constant 2 : i32
    %dma_wait3A_376 = arith.constant 0 : i32
    %dma_wait3A_377 = arith.constant 0 : i32
    %dma_wait3A_378 = tpu.memref_slice %arg6[%dma_wait3A_375, %dma_wait3A_376, %dma_wait3A_377] : memref<8x128x64xf32, #tpu.memory_space<vmem>> -> memref<1x128x64xf32, #tpu.memory_space<vmem>>
    %dma_wait3A_379 = tpu.memref_squeeze %dma_wait3A_378 : memref<1x128x64xf32, #tpu.memory_space<vmem>> -> memref<128x64xf32, #tpu.memory_space<vmem>>
    %dma_wait3A_380 = arith.constant 0 : i32
    %dma_wait3A_381 = arith.constant 0 : i32
    %dma_wait3A_382 = tpu.memref_slice %arg4[%dma_wait3A_380, %dma_wait3A_381] : memref<819200x64xf32, #tpu.memory_space<hbm>> -> memref<128x64xf32, #tpu.memory_space<hbm>>
    %dma_wait3A_383 = arith.constant 0 : i32
    %dma_wait3A_384 = arith.constant 0 : i32
    %dma_wait3A_385 = tpu.memref_slice %arg4[%dma_wait3A_383, %dma_wait3A_384] : memref<819200x64xf32, #tpu.memory_space<hbm>> -> memref<128x64xf32, #tpu.memory_space<hbm>>
    %dma_wait3A_386 = arith.constant 0 : i32
    %dma_wait3A_387 = arith.constant 0 : i32
    %dma_wait3A_388 = tpu.memref_slice %arg6[%dma_wait3A_375, %dma_wait3A_386, %dma_wait3A_387] : memref<8x128x64xf32, #tpu.memory_space<vmem>> -> memref<1x128x64xf32, #tpu.memory_space<vmem>>
    %dma_wait3A_389 = tpu.memref_squeeze %dma_wait3A_388 : memref<1x128x64xf32, #tpu.memory_space<vmem>> -> memref<128x64xf32, #tpu.memory_space<vmem>>
    tpu.wait_dma2 semaphore(%arg8 : memref<!tpu.dma_semaphore, #tpu.memory_space<semaphore_mem>>) src(%dma_wait3A_389 : memref<128x64xf32, #tpu.memory_space<vmem>>) dst(%dma_wait3A_385 : memref<128x64xf32, #tpu.memory_space<hbm>>)
    %dma_start3A_390 = arith.constant 10 : i32
    %dma_start3A_391 = arith.constant 2 : i32
    %dma_start3A_392 = arith.constant 0 : i32
    %dma_start3A_393 = arith.constant 0 : i32
    %dma_start3A_394 = tpu.memref_slice %arg6[%dma_start3A_391, %dma_start3A_392, %dma_start3A_393] : memref<8x128x64xf32, #tpu.memory_space<vmem>> -> memref<1x128x64xf32, #tpu.memory_space<vmem>>
    %dma_start3A_395 = tpu.memref_squeeze %dma_start3A_394 : memref<1x128x64xf32, #tpu.memory_space<vmem>> -> memref<128x64xf32, #tpu.memory_space<vmem>>
    %dma_start3A_396 = arith.constant 0 : i32
    %dma_start3A_397 = tpu.memref_slice %arg5[%dma_start3A_390, %dma_start3A_396] : memref<200x128xi32, #tpu.memory_space<vmem>> -> memref<1x128xi32, #tpu.memory_space<vmem>>
    %dma_start3A_398 = tpu.memref_squeeze %dma_start3A_397 : memref<1x128xi32, #tpu.memory_space<vmem>> -> memref<128xi32, #tpu.memory_space<vmem>>
    %dma_start3A_399 = arith.constant 0 : i32
    %dma_start3A_400 = arith.constant 0 : i32
    %dma_start3A_401 = tpu.memref_slice %arg3[%dma_start3A_399, %dma_start3A_400] : memref<1000000x64xf32, #tpu.memory_space<hbm>> -> memref<1000000x64xf32, #tpu.memory_space<hbm>>
    tpu.enqueue_indirect_dma source(%dma_start3A_401 : memref<1000000x64xf32, #tpu.memory_space<hbm>>) target(%dma_start3A_395 : memref<128x64xf32, #tpu.memory_space<vmem>>) offsets(%dma_start3A_398 : memref<128xi32, #tpu.memory_space<vmem>>) semaphore(%arg7 : memref<!tpu.dma_semaphore, #tpu.memory_space<semaphore_mem>>)
    %dma_wait3A_402 = arith.constant 7 : i32
    %dma_wait3A_403 = arith.constant 0 : i32
    %dma_wait3A_404 = arith.constant 0 : i32
    %dma_wait3A_405 = tpu.memref_slice %arg6[%dma_wait3A_402, %dma_wait3A_403, %dma_wait3A_404] : memref<8x128x64xf32, #tpu.memory_space<vmem>> -> memref<1x128x64xf32, #tpu.memory_space<vmem>>
    %dma_wait3A_406 = tpu.memref_squeeze %dma_wait3A_405 : memref<1x128x64xf32, #tpu.memory_space<vmem>> -> memref<128x64xf32, #tpu.memory_space<vmem>>
    %dma_wait3A_407 = arith.constant 0 : i32
    %dma_wait3A_408 = arith.constant 0 : i32
    %dma_wait3A_409 = tpu.memref_slice %arg3[%dma_wait3A_407, %dma_wait3A_408] : memref<1000000x64xf32, #tpu.memory_space<hbm>> -> memref<128x64xf32, #tpu.memory_space<hbm>>
    %dma_wait3A_410 = arith.constant 0 : i32
    %dma_wait3A_411 = arith.constant 0 : i32
    %dma_wait3A_412 = tpu.memref_slice %arg6[%dma_wait3A_402, %dma_wait3A_410, %dma_wait3A_411] : memref<8x128x64xf32, #tpu.memory_space<vmem>> -> memref<1x128x64xf32, #tpu.memory_space<vmem>>
    %dma_wait3A_413 = tpu.memref_squeeze %dma_wait3A_412 : memref<1x128x64xf32, #tpu.memory_space<vmem>> -> memref<128x64xf32, #tpu.memory_space<vmem>>
    %dma_wait3A_414 = arith.constant 0 : i32
    %dma_wait3A_415 = arith.constant 0 : i32
    %dma_wait3A_416 = tpu.memref_slice %arg3[%dma_wait3A_414, %dma_wait3A_415] : memref<1000000x64xf32, #tpu.memory_space<hbm>> -> memref<128x64xf32, #tpu.memory_space<hbm>>
    tpu.wait_dma2 semaphore(%arg7 : memref<!tpu.dma_semaphore, #tpu.memory_space<semaphore_mem>>) src(%dma_wait3A_416 : memref<128x64xf32, #tpu.memory_space<hbm>>) dst(%dma_wait3A_413 : memref<128x64xf32, #tpu.memory_space<vmem>>)
    %add3A_417 = arith.constant 7 : i32
    %add3A_418 = arith.addi %mul3A_2, %add3A_417 : i32
    %mul3A_419 = arith.constant 128 : i32
    %mul3A_420 = arith.muli %add3A_418, %mul3A_419 : i32
    %dma_start3A_421 = arith.constant 7 : i32
    %dma_start3A_422 = arith.constant 0 : i32
    %dma_start3A_423 = arith.constant 0 : i32
    %dma_start3A_424 = tpu.memref_slice %arg6[%dma_start3A_421, %dma_start3A_422, %dma_start3A_423] : memref<8x128x64xf32, #tpu.memory_space<vmem>> -> memref<1x128x64xf32, #tpu.memory_space<vmem>>
    %dma_start3A_425 = tpu.memref_squeeze %dma_start3A_424 : memref<1x128x64xf32, #tpu.memory_space<vmem>> -> memref<128x64xf32, #tpu.memory_space<vmem>>
    %dma_start3A_426 = arith.constant 0 : i32
    %dma_start3A_427 = tpu.memref_slice %arg4[%mul3A_420, %dma_start3A_426] : memref<819200x64xf32, #tpu.memory_space<hbm>> -> memref<128x64xf32, #tpu.memory_space<hbm>>
    %dma_start3A_428 = arith.constant 0 : i32
    %dma_start3A_429 = tpu.memref_slice %arg4[%mul3A_420, %dma_start3A_428] : memref<819200x64xf32, #tpu.memory_space<hbm>> -> memref<128x64xf32, #tpu.memory_space<hbm>>
    %dma_start3A_430 = arith.constant 0 : i32
    %dma_start3A_431 = arith.constant 0 : i32
    %dma_start3A_432 = tpu.memref_slice %arg6[%dma_start3A_421, %dma_start3A_430, %dma_start3A_431] : memref<8x128x64xf32, #tpu.memory_space<vmem>> -> memref<1x128x64xf32, #tpu.memory_space<vmem>>
    %dma_start3A_433 = tpu.memref_squeeze %dma_start3A_432 : memref<1x128x64xf32, #tpu.memory_space<vmem>> -> memref<128x64xf32, #tpu.memory_space<vmem>>
    tpu.enqueue_dma source(%dma_start3A_433 : memref<128x64xf32, #tpu.memory_space<vmem>>) target(%dma_start3A_429 : memref<128x64xf32, #tpu.memory_space<hbm>>) target_semaphore(%arg8 : memref<!tpu.dma_semaphore, #tpu.memory_space<semaphore_mem>>)
    %dma_wait3A_434 = arith.constant 3 : i32
    %dma_wait3A_435 = arith.constant 0 : i32
    %dma_wait3A_436 = arith.constant 0 : i32
    %dma_wait3A_437 = tpu.memref_slice %arg6[%dma_wait3A_434, %dma_wait3A_435, %dma_wait3A_436] : memref<8x128x64xf32, #tpu.memory_space<vmem>> -> memref<1x128x64xf32, #tpu.memory_space<vmem>>
    %dma_wait3A_438 = tpu.memref_squeeze %dma_wait3A_437 : memref<1x128x64xf32, #tpu.memory_space<vmem>> -> memref<128x64xf32, #tpu.memory_space<vmem>>
    %dma_wait3A_439 = arith.constant 0 : i32
    %dma_wait3A_440 = arith.constant 0 : i32
    %dma_wait3A_441 = tpu.memref_slice %arg4[%dma_wait3A_439, %dma_wait3A_440] : memref<819200x64xf32, #tpu.memory_space<hbm>> -> memref<128x64xf32, #tpu.memory_space<hbm>>
    %dma_wait3A_442 = arith.constant 0 : i32
    %dma_wait3A_443 = arith.constant 0 : i32
    %dma_wait3A_444 = tpu.memref_slice %arg4[%dma_wait3A_442, %dma_wait3A_443] : memref<819200x64xf32, #tpu.memory_space<hbm>> -> memref<128x64xf32, #tpu.memory_space<hbm>>
    %dma_wait3A_445 = arith.constant 0 : i32
    %dma_wait3A_446 = arith.constant 0 : i32
    %dma_wait3A_447 = tpu.memref_slice %arg6[%dma_wait3A_434, %dma_wait3A_445, %dma_wait3A_446] : memref<8x128x64xf32, #tpu.memory_space<vmem>> -> memref<1x128x64xf32, #tpu.memory_space<vmem>>
    %dma_wait3A_448 = tpu.memref_squeeze %dma_wait3A_447 : memref<1x128x64xf32, #tpu.memory_space<vmem>> -> memref<128x64xf32, #tpu.memory_space<vmem>>
    tpu.wait_dma2 semaphore(%arg8 : memref<!tpu.dma_semaphore, #tpu.memory_space<semaphore_mem>>) src(%dma_wait3A_448 : memref<128x64xf32, #tpu.memory_space<vmem>>) dst(%dma_wait3A_444 : memref<128x64xf32, #tpu.memory_space<hbm>>)
    %dma_start3A_449 = arith.constant 11 : i32
    %dma_start3A_450 = arith.constant 3 : i32
    %dma_start3A_451 = arith.constant 0 : i32
    %dma_start3A_452 = arith.constant 0 : i32
    %dma_start3A_453 = tpu.memref_slice %arg6[%dma_start3A_450, %dma_start3A_451, %dma_start3A_452] : memref<8x128x64xf32, #tpu.memory_space<vmem>> -> memref<1x128x64xf32, #tpu.memory_space<vmem>>
    %dma_start3A_454 = tpu.memref_squeeze %dma_start3A_453 : memref<1x128x64xf32, #tpu.memory_space<vmem>> -> memref<128x64xf32, #tpu.memory_space<vmem>>
    %dma_start3A_455 = arith.constant 0 : i32
    %dma_start3A_456 = tpu.memref_slice %arg5[%dma_start3A_449, %dma_start3A_455] : memref<200x128xi32, #tpu.memory_space<vmem>> -> memref<1x128xi32, #tpu.memory_space<vmem>>
    %dma_start3A_457 = tpu.memref_squeeze %dma_start3A_456 : memref<1x128xi32, #tpu.memory_space<vmem>> -> memref<128xi32, #tpu.memory_space<vmem>>
    %dma_start3A_458 = arith.constant 0 : i32
    %dma_start3A_459 = arith.constant 0 : i32
    %dma_start3A_460 = tpu.memref_slice %arg3[%dma_start3A_458, %dma_start3A_459] : memref<1000000x64xf32, #tpu.memory_space<hbm>> -> memref<1000000x64xf32, #tpu.memory_space<hbm>>
    tpu.enqueue_indirect_dma source(%dma_start3A_460 : memref<1000000x64xf32, #tpu.memory_space<hbm>>) target(%dma_start3A_454 : memref<128x64xf32, #tpu.memory_space<vmem>>) offsets(%dma_start3A_457 : memref<128xi32, #tpu.memory_space<vmem>>) semaphore(%arg7 : memref<!tpu.dma_semaphore, #tpu.memory_space<semaphore_mem>>)
    %scan3A = arith.constant 0 : i32
    %scan3A_461 = arith.constant 1 : i32
    %scan3A_462 = arith.constant 23 : i32
    %scan3A_463 = arith.addi %scan3A_461, %scan3A_462 : i32
    %scan3A_464 = arith.constant 1 : i32
    scf.for %scan3A_950 = %scan3A_461 to %scan3A_463 step %scan3A_464  : i32 {
      %mul3A_951 = arith.constant 8 : i32
      %mul3A_952 = arith.muli %scan3A_950, %mul3A_951 : i32
      %add3A_953 = arith.constant 0 : i32
      %add3A_954 = arith.addi %mul3A_952, %add3A_953 : i32
      %dma_wait3A_955 = arith.constant 0 : i32
      %dma_wait3A_956 = arith.constant 0 : i32
      %dma_wait3A_957 = arith.constant 0 : i32
      %dma_wait3A_958 = tpu.memref_slice %arg6[%dma_wait3A_955, %dma_wait3A_956, %dma_wait3A_957] : memref<8x128x64xf32, #tpu.memory_space<vmem>> -> memref<1x128x64xf32, #tpu.memory_space<vmem>>
      %dma_wait3A_959 = tpu.memref_squeeze %dma_wait3A_958 : memref<1x128x64xf32, #tpu.memory_space<vmem>> -> memref<128x64xf32, #tpu.memory_space<vmem>>
      %dma_wait3A_960 = arith.constant 0 : i32
      %dma_wait3A_961 = arith.constant 0 : i32
      %dma_wait3A_962 = tpu.memref_slice %arg3[%dma_wait3A_960, %dma_wait3A_961] : memref<1000000x64xf32, #tpu.memory_space<hbm>> -> memref<128x64xf32, #tpu.memory_space<hbm>>
      %dma_wait3A_963 = arith.constant 0 : i32
      %dma_wait3A_964 = arith.constant 0 : i32
      %dma_wait3A_965 = tpu.memref_slice %arg6[%dma_wait3A_955, %dma_wait3A_963, %dma_wait3A_964] : memref<8x128x64xf32, #tpu.memory_space<vmem>> -> memref<1x128x64xf32, #tpu.memory_space<vmem>>
      %dma_wait3A_966 = tpu.memref_squeeze %dma_wait3A_965 : memref<1x128x64xf32, #tpu.memory_space<vmem>> -> memref<128x64xf32, #tpu.memory_space<vmem>>
      %dma_wait3A_967 = arith.constant 0 : i32
      %dma_wait3A_968 = arith.constant 0 : i32
      %dma_wait3A_969 = tpu.memref_slice %arg3[%dma_wait3A_967, %dma_wait3A_968] : memref<1000000x64xf32, #tpu.memory_space<hbm>> -> memref<128x64xf32, #tpu.memory_space<hbm>>
      tpu.wait_dma2 semaphore(%arg7 : memref<!tpu.dma_semaphore, #tpu.memory_space<semaphore_mem>>) src(%dma_wait3A_969 : memref<128x64xf32, #tpu.memory_space<hbm>>) dst(%dma_wait3A_966 : memref<128x64xf32, #tpu.memory_space<vmem>>)
      %add3A_970 = arith.addi %mul3A_2, %add3A_954 : i32
      %mul3A_971 = arith.constant 128 : i32
      %mul3A_972 = arith.muli %add3A_970, %mul3A_971 : i32
      %dma_start3A_973 = arith.constant 0 : i32
      %dma_start3A_974 = arith.constant 0 : i32
      %dma_start3A_975 = arith.constant 0 : i32
      %dma_start3A_976 = tpu.memref_slice %arg6[%dma_start3A_973, %dma_start3A_974, %dma_start3A_975] : memref<8x128x64xf32, #tpu.memory_space<vmem>> -> memref<1x128x64xf32, #tpu.memory_space<vmem>>
      %dma_start3A_977 = tpu.memref_squeeze %dma_start3A_976 : memref<1x128x64xf32, #tpu.memory_space<vmem>> -> memref<128x64xf32, #tpu.memory_space<vmem>>
      %dma_start3A_978 = arith.constant 0 : i32
      %dma_start3A_979 = tpu.memref_slice %arg4[%mul3A_972, %dma_start3A_978] : memref<819200x64xf32, #tpu.memory_space<hbm>> -> memref<128x64xf32, #tpu.memory_space<hbm>>
      %dma_start3A_980 = arith.constant 0 : i32
      %dma_start3A_981 = tpu.memref_slice %arg4[%mul3A_972, %dma_start3A_980] : memref<819200x64xf32, #tpu.memory_space<hbm>> -> memref<128x64xf32, #tpu.memory_space<hbm>>
      %dma_start3A_982 = arith.constant 0 : i32
      %dma_start3A_983 = arith.constant 0 : i32
      %dma_start3A_984 = tpu.memref_slice %arg6[%dma_start3A_973, %dma_start3A_982, %dma_start3A_983] : memref<8x128x64xf32, #tpu.memory_space<vmem>> -> memref<1x128x64xf32, #tpu.memory_space<vmem>>
      %dma_start3A_985 = tpu.memref_squeeze %dma_start3A_984 : memref<1x128x64xf32, #tpu.memory_space<vmem>> -> memref<128x64xf32, #tpu.memory_space<vmem>>
      tpu.enqueue_dma source(%dma_start3A_985 : memref<128x64xf32, #tpu.memory_space<vmem>>) target(%dma_start3A_981 : memref<128x64xf32, #tpu.memory_space<hbm>>) target_semaphore(%arg8 : memref<!tpu.dma_semaphore, #tpu.memory_space<semaphore_mem>>)
      %dma_wait3A_986 = arith.constant 4 : i32
      %dma_wait3A_987 = arith.constant 0 : i32
      %dma_wait3A_988 = arith.constant 0 : i32
      %dma_wait3A_989 = tpu.memref_slice %arg6[%dma_wait3A_986, %dma_wait3A_987, %dma_wait3A_988] : memref<8x128x64xf32, #tpu.memory_space<vmem>> -> memref<1x128x64xf32, #tpu.memory_space<vmem>>
      %dma_wait3A_990 = tpu.memref_squeeze %dma_wait3A_989 : memref<1x128x64xf32, #tpu.memory_space<vmem>> -> memref<128x64xf32, #tpu.memory_space<vmem>>
      %dma_wait3A_991 = arith.constant 0 : i32
      %dma_wait3A_992 = arith.constant 0 : i32
      %dma_wait3A_993 = tpu.memref_slice %arg4[%dma_wait3A_991, %dma_wait3A_992] : memref<819200x64xf32, #tpu.memory_space<hbm>> -> memref<128x64xf32, #tpu.memory_space<hbm>>
      %dma_wait3A_994 = arith.constant 0 : i32
      %dma_wait3A_995 = arith.constant 0 : i32
      %dma_wait3A_996 = tpu.memref_slice %arg4[%dma_wait3A_994, %dma_wait3A_995] : memref<819200x64xf32, #tpu.memory_space<hbm>> -> memref<128x64xf32, #tpu.memory_space<hbm>>
      %dma_wait3A_997 = arith.constant 0 : i32
      %dma_wait3A_998 = arith.constant 0 : i32
      %dma_wait3A_999 = tpu.memref_slice %arg6[%dma_wait3A_986, %dma_wait3A_997, %dma_wait3A_998] : memref<8x128x64xf32, #tpu.memory_space<vmem>> -> memref<1x128x64xf32, #tpu.memory_space<vmem>>
      %dma_wait3A_1000 = tpu.memref_squeeze %dma_wait3A_999 : memref<1x128x64xf32, #tpu.memory_space<vmem>> -> memref<128x64xf32, #tpu.memory_space<vmem>>
      tpu.wait_dma2 semaphore(%arg8 : memref<!tpu.dma_semaphore, #tpu.memory_space<semaphore_mem>>) src(%dma_wait3A_1000 : memref<128x64xf32, #tpu.memory_space<vmem>>) dst(%dma_wait3A_996 : memref<128x64xf32, #tpu.memory_space<hbm>>)
      %add3A_1001 = arith.constant 4 : i32
      %add3A_1002 = arith.addi %add3A_954, %add3A_1001 : i32
      %dma_start3A_1003 = arith.constant 4 : i32
      %dma_start3A_1004 = arith.constant 0 : i32
      %dma_start3A_1005 = arith.constant 0 : i32
      %dma_start3A_1006 = tpu.memref_slice %arg6[%dma_start3A_1003, %dma_start3A_1004, %dma_start3A_1005] : memref<8x128x64xf32, #tpu.memory_space<vmem>> -> memref<1x128x64xf32, #tpu.memory_space<vmem>>
      %dma_start3A_1007 = tpu.memref_squeeze %dma_start3A_1006 : memref<1x128x64xf32, #tpu.memory_space<vmem>> -> memref<128x64xf32, #tpu.memory_space<vmem>>
      %dma_start3A_1008 = arith.constant 0 : i32
      %dma_start3A_1009 = tpu.memref_slice %arg5[%add3A_1002, %dma_start3A_1008] : memref<200x128xi32, #tpu.memory_space<vmem>> -> memref<1x128xi32, #tpu.memory_space<vmem>>
      %dma_start3A_1010 = tpu.memref_squeeze %dma_start3A_1009 : memref<1x128xi32, #tpu.memory_space<vmem>> -> memref<128xi32, #tpu.memory_space<vmem>>
      %dma_start3A_1011 = arith.constant 0 : i32
      %dma_start3A_1012 = arith.constant 0 : i32
      %dma_start3A_1013 = tpu.memref_slice %arg3[%dma_start3A_1011, %dma_start3A_1012] : memref<1000000x64xf32, #tpu.memory_space<hbm>> -> memref<1000000x64xf32, #tpu.memory_space<hbm>>
      tpu.enqueue_indirect_dma source(%dma_start3A_1013 : memref<1000000x64xf32, #tpu.memory_space<hbm>>) target(%dma_start3A_1007 : memref<128x64xf32, #tpu.memory_space<vmem>>) offsets(%dma_start3A_1010 : memref<128xi32, #tpu.memory_space<vmem>>) semaphore(%arg7 : memref<!tpu.dma_semaphore, #tpu.memory_space<semaphore_mem>>)
      %add3A_1014 = arith.constant 1 : i32
      %add3A_1015 = arith.addi %mul3A_952, %add3A_1014 : i32
      %dma_wait3A_1016 = arith.constant 1 : i32
      %dma_wait3A_1017 = arith.constant 0 : i32
      %dma_wait3A_1018 = arith.constant 0 : i32
      %dma_wait3A_1019 = tpu.memref_slice %arg6[%dma_wait3A_1016, %dma_wait3A_1017, %dma_wait3A_1018] : memref<8x128x64xf32, #tpu.memory_space<vmem>> -> memref<1x128x64xf32, #tpu.memory_space<vmem>>
      %dma_wait3A_1020 = tpu.memref_squeeze %dma_wait3A_1019 : memref<1x128x64xf32, #tpu.memory_space<vmem>> -> memref<128x64xf32, #tpu.memory_space<vmem>>
      %dma_wait3A_1021 = arith.constant 0 : i32
      %dma_wait3A_1022 = arith.constant 0 : i32
      %dma_wait3A_1023 = tpu.memref_slice %arg3[%dma_wait3A_1021, %dma_wait3A_1022] : memref<1000000x64xf32, #tpu.memory_space<hbm>> -> memref<128x64xf32, #tpu.memory_space<hbm>>
      %dma_wait3A_1024 = arith.constant 0 : i32
      %dma_wait3A_1025 = arith.constant 0 : i32
      %dma_wait3A_1026 = tpu.memref_slice %arg6[%dma_wait3A_1016, %dma_wait3A_1024, %dma_wait3A_1025] : memref<8x128x64xf32, #tpu.memory_space<vmem>> -> memref<1x128x64xf32, #tpu.memory_space<vmem>>
      %dma_wait3A_1027 = tpu.memref_squeeze %dma_wait3A_1026 : memref<1x128x64xf32, #tpu.memory_space<vmem>> -> memref<128x64xf32, #tpu.memory_space<vmem>>
      %dma_wait3A_1028 = arith.constant 0 : i32
      %dma_wait3A_1029 = arith.constant 0 : i32
      %dma_wait3A_1030 = tpu.memref_slice %arg3[%dma_wait3A_1028, %dma_wait3A_1029] : memref<1000000x64xf32, #tpu.memory_space<hbm>> -> memref<128x64xf32, #tpu.memory_space<hbm>>
      tpu.wait_dma2 semaphore(%arg7 : memref<!tpu.dma_semaphore, #tpu.memory_space<semaphore_mem>>) src(%dma_wait3A_1030 : memref<128x64xf32, #tpu.memory_space<hbm>>) dst(%dma_wait3A_1027 : memref<128x64xf32, #tpu.memory_space<vmem>>)
      %add3A_1031 = arith.addi %mul3A_2, %add3A_1015 : i32
      %mul3A_1032 = arith.constant 128 : i32
      %mul3A_1033 = arith.muli %add3A_1031, %mul3A_1032 : i32
      %dma_start3A_1034 = arith.constant 1 : i32
      %dma_start3A_1035 = arith.constant 0 : i32
      %dma_start3A_1036 = arith.constant 0 : i32
      %dma_start3A_1037 = tpu.memref_slice %arg6[%dma_start3A_1034, %dma_start3A_1035, %dma_start3A_1036] : memref<8x128x64xf32, #tpu.memory_space<vmem>> -> memref<1x128x64xf32, #tpu.memory_space<vmem>>
      %dma_start3A_1038 = tpu.memref_squeeze %dma_start3A_1037 : memref<1x128x64xf32, #tpu.memory_space<vmem>> -> memref<128x64xf32, #tpu.memory_space<vmem>>
      %dma_start3A_1039 = arith.constant 0 : i32
      %dma_start3A_1040 = tpu.memref_slice %arg4[%mul3A_1033, %dma_start3A_1039] : memref<819200x64xf32, #tpu.memory_space<hbm>> -> memref<128x64xf32, #tpu.memory_space<hbm>>
      %dma_start3A_1041 = arith.constant 0 : i32
      %dma_start3A_1042 = tpu.memref_slice %arg4[%mul3A_1033, %dma_start3A_1041] : memref<819200x64xf32, #tpu.memory_space<hbm>> -> memref<128x64xf32, #tpu.memory_space<hbm>>
      %dma_start3A_1043 = arith.constant 0 : i32
      %dma_start3A_1044 = arith.constant 0 : i32
      %dma_start3A_1045 = tpu.memref_slice %arg6[%dma_start3A_1034, %dma_start3A_1043, %dma_start3A_1044] : memref<8x128x64xf32, #tpu.memory_space<vmem>> -> memref<1x128x64xf32, #tpu.memory_space<vmem>>
      %dma_start3A_1046 = tpu.memref_squeeze %dma_start3A_1045 : memref<1x128x64xf32, #tpu.memory_space<vmem>> -> memref<128x64xf32, #tpu.memory_space<vmem>>
      tpu.enqueue_dma source(%dma_start3A_1046 : memref<128x64xf32, #tpu.memory_space<vmem>>) target(%dma_start3A_1042 : memref<128x64xf32, #tpu.memory_space<hbm>>) target_semaphore(%arg8 : memref<!tpu.dma_semaphore, #tpu.memory_space<semaphore_mem>>)
      %dma_wait3A_1047 = arith.constant 5 : i32
      %dma_wait3A_1048 = arith.constant 0 : i32
      %dma_wait3A_1049 = arith.constant 0 : i32
      %dma_wait3A_1050 = tpu.memref_slice %arg6[%dma_wait3A_1047, %dma_wait3A_1048, %dma_wait3A_1049] : memref<8x128x64xf32, #tpu.memory_space<vmem>> -> memref<1x128x64xf32, #tpu.memory_space<vmem>>
      %dma_wait3A_1051 = tpu.memref_squeeze %dma_wait3A_1050 : memref<1x128x64xf32, #tpu.memory_space<vmem>> -> memref<128x64xf32, #tpu.memory_space<vmem>>
      %dma_wait3A_1052 = arith.constant 0 : i32
      %dma_wait3A_1053 = arith.constant 0 : i32
      %dma_wait3A_1054 = tpu.memref_slice %arg4[%dma_wait3A_1052, %dma_wait3A_1053] : memref<819200x64xf32, #tpu.memory_space<hbm>> -> memref<128x64xf32, #tpu.memory_space<hbm>>
      %dma_wait3A_1055 = arith.constant 0 : i32
      %dma_wait3A_1056 = arith.constant 0 : i32
      %dma_wait3A_1057 = tpu.memref_slice %arg4[%dma_wait3A_1055, %dma_wait3A_1056] : memref<819200x64xf32, #tpu.memory_space<hbm>> -> memref<128x64xf32, #tpu.memory_space<hbm>>
      %dma_wait3A_1058 = arith.constant 0 : i32
      %dma_wait3A_1059 = arith.constant 0 : i32
      %dma_wait3A_1060 = tpu.memref_slice %arg6[%dma_wait3A_1047, %dma_wait3A_1058, %dma_wait3A_1059] : memref<8x128x64xf32, #tpu.memory_space<vmem>> -> memref<1x128x64xf32, #tpu.memory_space<vmem>>
      %dma_wait3A_1061 = tpu.memref_squeeze %dma_wait3A_1060 : memref<1x128x64xf32, #tpu.memory_space<vmem>> -> memref<128x64xf32, #tpu.memory_space<vmem>>
      tpu.wait_dma2 semaphore(%arg8 : memref<!tpu.dma_semaphore, #tpu.memory_space<semaphore_mem>>) src(%dma_wait3A_1061 : memref<128x64xf32, #tpu.memory_space<vmem>>) dst(%dma_wait3A_1057 : memref<128x64xf32, #tpu.memory_space<hbm>>)
      %add3A_1062 = arith.constant 4 : i32
      %add3A_1063 = arith.addi %add3A_1015, %add3A_1062 : i32
      %dma_start3A_1064 = arith.constant 5 : i32
      %dma_start3A_1065 = arith.constant 0 : i32
      %dma_start3A_1066 = arith.constant 0 : i32
      %dma_start3A_1067 = tpu.memref_slice %arg6[%dma_start3A_1064, %dma_start3A_1065, %dma_start3A_1066] : memref<8x128x64xf32, #tpu.memory_space<vmem>> -> memref<1x128x64xf32, #tpu.memory_space<vmem>>
      %dma_start3A_1068 = tpu.memref_squeeze %dma_start3A_1067 : memref<1x128x64xf32, #tpu.memory_space<vmem>> -> memref<128x64xf32, #tpu.memory_space<vmem>>
      %dma_start3A_1069 = arith.constant 0 : i32
      %dma_start3A_1070 = tpu.memref_slice %arg5[%add3A_1063, %dma_start3A_1069] : memref<200x128xi32, #tpu.memory_space<vmem>> -> memref<1x128xi32, #tpu.memory_space<vmem>>
      %dma_start3A_1071 = tpu.memref_squeeze %dma_start3A_1070 : memref<1x128xi32, #tpu.memory_space<vmem>> -> memref<128xi32, #tpu.memory_space<vmem>>
      %dma_start3A_1072 = arith.constant 0 : i32
      %dma_start3A_1073 = arith.constant 0 : i32
      %dma_start3A_1074 = tpu.memref_slice %arg3[%dma_start3A_1072, %dma_start3A_1073] : memref<1000000x64xf32, #tpu.memory_space<hbm>> -> memref<1000000x64xf32, #tpu.memory_space<hbm>>
      tpu.enqueue_indirect_dma source(%dma_start3A_1074 : memref<1000000x64xf32, #tpu.memory_space<hbm>>) target(%dma_start3A_1068 : memref<128x64xf32, #tpu.memory_space<vmem>>) offsets(%dma_start3A_1071 : memref<128xi32, #tpu.memory_space<vmem>>) semaphore(%arg7 : memref<!tpu.dma_semaphore, #tpu.memory_space<semaphore_mem>>)
      %add3A_1075 = arith.constant 2 : i32
      %add3A_1076 = arith.addi %mul3A_952, %add3A_1075 : i32
      %dma_wait3A_1077 = arith.constant 2 : i32
      %dma_wait3A_1078 = arith.constant 0 : i32
      %dma_wait3A_1079 = arith.constant 0 : i32
      %dma_wait3A_1080 = tpu.memref_slice %arg6[%dma_wait3A_1077, %dma_wait3A_1078, %dma_wait3A_1079] : memref<8x128x64xf32, #tpu.memory_space<vmem>> -> memref<1x128x64xf32, #tpu.memory_space<vmem>>
      %dma_wait3A_1081 = tpu.memref_squeeze %dma_wait3A_1080 : memref<1x128x64xf32, #tpu.memory_space<vmem>> -> memref<128x64xf32, #tpu.memory_space<vmem>>
      %dma_wait3A_1082 = arith.constant 0 : i32
      %dma_wait3A_1083 = arith.constant 0 : i32
      %dma_wait3A_1084 = tpu.memref_slice %arg3[%dma_wait3A_1082, %dma_wait3A_1083] : memref<1000000x64xf32, #tpu.memory_space<hbm>> -> memref<128x64xf32, #tpu.memory_space<hbm>>
      %dma_wait3A_1085 = arith.constant 0 : i32
      %dma_wait3A_1086 = arith.constant 0 : i32
      %dma_wait3A_1087 = tpu.memref_slice %arg6[%dma_wait3A_1077, %dma_wait3A_1085, %dma_wait3A_1086] : memref<8x128x64xf32, #tpu.memory_space<vmem>> -> memref<1x128x64xf32, #tpu.memory_space<vmem>>
      %dma_wait3A_1088 = tpu.memref_squeeze %dma_wait3A_1087 : memref<1x128x64xf32, #tpu.memory_space<vmem>> -> memref<128x64xf32, #tpu.memory_space<vmem>>
      %dma_wait3A_1089 = arith.constant 0 : i32
      %dma_wait3A_1090 = arith.constant 0 : i32
      %dma_wait3A_1091 = tpu.memref_slice %arg3[%dma_wait3A_1089, %dma_wait3A_1090] : memref<1000000x64xf32, #tpu.memory_space<hbm>> -> memref<128x64xf32, #tpu.memory_space<hbm>>
      tpu.wait_dma2 semaphore(%arg7 : memref<!tpu.dma_semaphore, #tpu.memory_space<semaphore_mem>>) src(%dma_wait3A_1091 : memref<128x64xf32, #tpu.memory_space<hbm>>) dst(%dma_wait3A_1088 : memref<128x64xf32, #tpu.memory_space<vmem>>)
      %add3A_1092 = arith.addi %mul3A_2, %add3A_1076 : i32
      %mul3A_1093 = arith.constant 128 : i32
      %mul3A_1094 = arith.muli %add3A_1092, %mul3A_1093 : i32
      %dma_start3A_1095 = arith.constant 2 : i32
      %dma_start3A_1096 = arith.constant 0 : i32
      %dma_start3A_1097 = arith.constant 0 : i32
      %dma_start3A_1098 = tpu.memref_slice %arg6[%dma_start3A_1095, %dma_start3A_1096, %dma_start3A_1097] : memref<8x128x64xf32, #tpu.memory_space<vmem>> -> memref<1x128x64xf32, #tpu.memory_space<vmem>>
      %dma_start3A_1099 = tpu.memref_squeeze %dma_start3A_1098 : memref<1x128x64xf32, #tpu.memory_space<vmem>> -> memref<128x64xf32, #tpu.memory_space<vmem>>
      %dma_start3A_1100 = arith.constant 0 : i32
      %dma_start3A_1101 = tpu.memref_slice %arg4[%mul3A_1094, %dma_start3A_1100] : memref<819200x64xf32, #tpu.memory_space<hbm>> -> memref<128x64xf32, #tpu.memory_space<hbm>>
      %dma_start3A_1102 = arith.constant 0 : i32
      %dma_start3A_1103 = tpu.memref_slice %arg4[%mul3A_1094, %dma_start3A_1102] : memref<819200x64xf32, #tpu.memory_space<hbm>> -> memref<128x64xf32, #tpu.memory_space<hbm>>
      %dma_start3A_1104 = arith.constant 0 : i32
      %dma_start3A_1105 = arith.constant 0 : i32
      %dma_start3A_1106 = tpu.memref_slice %arg6[%dma_start3A_1095, %dma_start3A_1104, %dma_start3A_1105] : memref<8x128x64xf32, #tpu.memory_space<vmem>> -> memref<1x128x64xf32, #tpu.memory_space<vmem>>
      %dma_start3A_1107 = tpu.memref_squeeze %dma_start3A_1106 : memref<1x128x64xf32, #tpu.memory_space<vmem>> -> memref<128x64xf32, #tpu.memory_space<vmem>>
      tpu.enqueue_dma source(%dma_start3A_1107 : memref<128x64xf32, #tpu.memory_space<vmem>>) target(%dma_start3A_1103 : memref<128x64xf32, #tpu.memory_space<hbm>>) target_semaphore(%arg8 : memref<!tpu.dma_semaphore, #tpu.memory_space<semaphore_mem>>)
      %dma_wait3A_1108 = arith.constant 6 : i32
      %dma_wait3A_1109 = arith.constant 0 : i32
      %dma_wait3A_1110 = arith.constant 0 : i32
      %dma_wait3A_1111 = tpu.memref_slice %arg6[%dma_wait3A_1108, %dma_wait3A_1109, %dma_wait3A_1110] : memref<8x128x64xf32, #tpu.memory_space<vmem>> -> memref<1x128x64xf32, #tpu.memory_space<vmem>>
      %dma_wait3A_1112 = tpu.memref_squeeze %dma_wait3A_1111 : memref<1x128x64xf32, #tpu.memory_space<vmem>> -> memref<128x64xf32, #tpu.memory_space<vmem>>
      %dma_wait3A_1113 = arith.constant 0 : i32
      %dma_wait3A_1114 = arith.constant 0 : i32
      %dma_wait3A_1115 = tpu.memref_slice %arg4[%dma_wait3A_1113, %dma_wait3A_1114] : memref<819200x64xf32, #tpu.memory_space<hbm>> -> memref<128x64xf32, #tpu.memory_space<hbm>>
      %dma_wait3A_1116 = arith.constant 0 : i32
      %dma_wait3A_1117 = arith.constant 0 : i32
      %dma_wait3A_1118 = tpu.memref_slice %arg4[%dma_wait3A_1116, %dma_wait3A_1117] : memref<819200x64xf32, #tpu.memory_space<hbm>> -> memref<128x64xf32, #tpu.memory_space<hbm>>
      %dma_wait3A_1119 = arith.constant 0 : i32
      %dma_wait3A_1120 = arith.constant 0 : i32
      %dma_wait3A_1121 = tpu.memref_slice %arg6[%dma_wait3A_1108, %dma_wait3A_1119, %dma_wait3A_1120] : memref<8x128x64xf32, #tpu.memory_space<vmem>> -> memref<1x128x64xf32, #tpu.memory_space<vmem>>
      %dma_wait3A_1122 = tpu.memref_squeeze %dma_wait3A_1121 : memref<1x128x64xf32, #tpu.memory_space<vmem>> -> memref<128x64xf32, #tpu.memory_space<vmem>>
      tpu.wait_dma2 semaphore(%arg8 : memref<!tpu.dma_semaphore, #tpu.memory_space<semaphore_mem>>) src(%dma_wait3A_1122 : memref<128x64xf32, #tpu.memory_space<vmem>>) dst(%dma_wait3A_1118 : memref<128x64xf32, #tpu.memory_space<hbm>>)
      %add3A_1123 = arith.constant 4 : i32
      %add3A_1124 = arith.addi %add3A_1076, %add3A_1123 : i32
      %dma_start3A_1125 = arith.constant 6 : i32
      %dma_start3A_1126 = arith.constant 0 : i32
      %dma_start3A_1127 = arith.constant 0 : i32
      %dma_start3A_1128 = tpu.memref_slice %arg6[%dma_start3A_1125, %dma_start3A_1126, %dma_start3A_1127] : memref<8x128x64xf32, #tpu.memory_space<vmem>> -> memref<1x128x64xf32, #tpu.memory_space<vmem>>
      %dma_start3A_1129 = tpu.memref_squeeze %dma_start3A_1128 : memref<1x128x64xf32, #tpu.memory_space<vmem>> -> memref<128x64xf32, #tpu.memory_space<vmem>>
      %dma_start3A_1130 = arith.constant 0 : i32
      %dma_start3A_1131 = tpu.memref_slice %arg5[%add3A_1124, %dma_start3A_1130] : memref<200x128xi32, #tpu.memory_space<vmem>> -> memref<1x128xi32, #tpu.memory_space<vmem>>
      %dma_start3A_1132 = tpu.memref_squeeze %dma_start3A_1131 : memref<1x128xi32, #tpu.memory_space<vmem>> -> memref<128xi32, #tpu.memory_space<vmem>>
      %dma_start3A_1133 = arith.constant 0 : i32
      %dma_start3A_1134 = arith.constant 0 : i32
      %dma_start3A_1135 = tpu.memref_slice %arg3[%dma_start3A_1133, %dma_start3A_1134] : memref<1000000x64xf32, #tpu.memory_space<hbm>> -> memref<1000000x64xf32, #tpu.memory_space<hbm>>
      tpu.enqueue_indirect_dma source(%dma_start3A_1135 : memref<1000000x64xf32, #tpu.memory_space<hbm>>) target(%dma_start3A_1129 : memref<128x64xf32, #tpu.memory_space<vmem>>) offsets(%dma_start3A_1132 : memref<128xi32, #tpu.memory_space<vmem>>) semaphore(%arg7 : memref<!tpu.dma_semaphore, #tpu.memory_space<semaphore_mem>>)
      %add3A_1136 = arith.constant 3 : i32
      %add3A_1137 = arith.addi %mul3A_952, %add3A_1136 : i32
      %dma_wait3A_1138 = arith.constant 3 : i32
      %dma_wait3A_1139 = arith.constant 0 : i32
      %dma_wait3A_1140 = arith.constant 0 : i32
      %dma_wait3A_1141 = tpu.memref_slice %arg6[%dma_wait3A_1138, %dma_wait3A_1139, %dma_wait3A_1140] : memref<8x128x64xf32, #tpu.memory_space<vmem>> -> memref<1x128x64xf32, #tpu.memory_space<vmem>>
      %dma_wait3A_1142 = tpu.memref_squeeze %dma_wait3A_1141 : memref<1x128x64xf32, #tpu.memory_space<vmem>> -> memref<128x64xf32, #tpu.memory_space<vmem>>
      %dma_wait3A_1143 = arith.constant 0 : i32
      %dma_wait3A_1144 = arith.constant 0 : i32
      %dma_wait3A_1145 = tpu.memref_slice %arg3[%dma_wait3A_1143, %dma_wait3A_1144] : memref<1000000x64xf32, #tpu.memory_space<hbm>> -> memref<128x64xf32, #tpu.memory_space<hbm>>
      %dma_wait3A_1146 = arith.constant 0 : i32
      %dma_wait3A_1147 = arith.constant 0 : i32
      %dma_wait3A_1148 = tpu.memref_slice %arg6[%dma_wait3A_1138, %dma_wait3A_1146, %dma_wait3A_1147] : memref<8x128x64xf32, #tpu.memory_space<vmem>> -> memref<1x128x64xf32, #tpu.memory_space<vmem>>
      %dma_wait3A_1149 = tpu.memref_squeeze %dma_wait3A_1148 : memref<1x128x64xf32, #tpu.memory_space<vmem>> -> memref<128x64xf32, #tpu.memory_space<vmem>>
      %dma_wait3A_1150 = arith.constant 0 : i32
      %dma_wait3A_1151 = arith.constant 0 : i32
      %dma_wait3A_1152 = tpu.memref_slice %arg3[%dma_wait3A_1150, %dma_wait3A_1151] : memref<1000000x64xf32, #tpu.memory_space<hbm>> -> memref<128x64xf32, #tpu.memory_space<hbm>>
      tpu.wait_dma2 semaphore(%arg7 : memref<!tpu.dma_semaphore, #tpu.memory_space<semaphore_mem>>) src(%dma_wait3A_1152 : memref<128x64xf32, #tpu.memory_space<hbm>>) dst(%dma_wait3A_1149 : memref<128x64xf32, #tpu.memory_space<vmem>>)
      %add3A_1153 = arith.addi %mul3A_2, %add3A_1137 : i32
      %mul3A_1154 = arith.constant 128 : i32
      %mul3A_1155 = arith.muli %add3A_1153, %mul3A_1154 : i32
      %dma_start3A_1156 = arith.constant 3 : i32
      %dma_start3A_1157 = arith.constant 0 : i32
      %dma_start3A_1158 = arith.constant 0 : i32
      %dma_start3A_1159 = tpu.memref_slice %arg6[%dma_start3A_1156, %dma_start3A_1157, %dma_start3A_1158] : memref<8x128x64xf32, #tpu.memory_space<vmem>> -> memref<1x128x64xf32, #tpu.memory_space<vmem>>
      %dma_start3A_1160 = tpu.memref_squeeze %dma_start3A_1159 : memref<1x128x64xf32, #tpu.memory_space<vmem>> -> memref<128x64xf32, #tpu.memory_space<vmem>>
      %dma_start3A_1161 = arith.constant 0 : i32
      %dma_start3A_1162 = tpu.memref_slice %arg4[%mul3A_1155, %dma_start3A_1161] : memref<819200x64xf32, #tpu.memory_space<hbm>> -> memref<128x64xf32, #tpu.memory_space<hbm>>
      %dma_start3A_1163 = arith.constant 0 : i32
      %dma_start3A_1164 = tpu.memref_slice %arg4[%mul3A_1155, %dma_start3A_1163] : memref<819200x64xf32, #tpu.memory_space<hbm>> -> memref<128x64xf32, #tpu.memory_space<hbm>>
      %dma_start3A_1165 = arith.constant 0 : i32
      %dma_start3A_1166 = arith.constant 0 : i32
      %dma_start3A_1167 = tpu.memref_slice %arg6[%dma_start3A_1156, %dma_start3A_1165, %dma_start3A_1166] : memref<8x128x64xf32, #tpu.memory_space<vmem>> -> memref<1x128x64xf32, #tpu.memory_space<vmem>>
      %dma_start3A_1168 = tpu.memref_squeeze %dma_start3A_1167 : memref<1x128x64xf32, #tpu.memory_space<vmem>> -> memref<128x64xf32, #tpu.memory_space<vmem>>
      tpu.enqueue_dma source(%dma_start3A_1168 : memref<128x64xf32, #tpu.memory_space<vmem>>) target(%dma_start3A_1164 : memref<128x64xf32, #tpu.memory_space<hbm>>) target_semaphore(%arg8 : memref<!tpu.dma_semaphore, #tpu.memory_space<semaphore_mem>>)
      %dma_wait3A_1169 = arith.constant 7 : i32
      %dma_wait3A_1170 = arith.constant 0 : i32
      %dma_wait3A_1171 = arith.constant 0 : i32
      %dma_wait3A_1172 = tpu.memref_slice %arg6[%dma_wait3A_1169, %dma_wait3A_1170, %dma_wait3A_1171] : memref<8x128x64xf32, #tpu.memory_space<vmem>> -> memref<1x128x64xf32, #tpu.memory_space<vmem>>
      %dma_wait3A_1173 = tpu.memref_squeeze %dma_wait3A_1172 : memref<1x128x64xf32, #tpu.memory_space<vmem>> -> memref<128x64xf32, #tpu.memory_space<vmem>>
      %dma_wait3A_1174 = arith.constant 0 : i32
      %dma_wait3A_1175 = arith.constant 0 : i32
      %dma_wait3A_1176 = tpu.memref_slice %arg4[%dma_wait3A_1174, %dma_wait3A_1175] : memref<819200x64xf32, #tpu.memory_space<hbm>> -> memref<128x64xf32, #tpu.memory_space<hbm>>
      %dma_wait3A_1177 = arith.constant 0 : i32
      %dma_wait3A_1178 = arith.constant 0 : i32
      %dma_wait3A_1179 = tpu.memref_slice %arg4[%dma_wait3A_1177, %dma_wait3A_1178] : memref<819200x64xf32, #tpu.memory_space<hbm>> -> memref<128x64xf32, #tpu.memory_space<hbm>>
      %dma_wait3A_1180 = arith.constant 0 : i32
      %dma_wait3A_1181 = arith.constant 0 : i32
      %dma_wait3A_1182 = tpu.memref_slice %arg6[%dma_wait3A_1169, %dma_wait3A_1180, %dma_wait3A_1181] : memref<8x128x64xf32, #tpu.memory_space<vmem>> -> memref<1x128x64xf32, #tpu.memory_space<vmem>>
      %dma_wait3A_1183 = tpu.memref_squeeze %dma_wait3A_1182 : memref<1x128x64xf32, #tpu.memory_space<vmem>> -> memref<128x64xf32, #tpu.memory_space<vmem>>
      tpu.wait_dma2 semaphore(%arg8 : memref<!tpu.dma_semaphore, #tpu.memory_space<semaphore_mem>>) src(%dma_wait3A_1183 : memref<128x64xf32, #tpu.memory_space<vmem>>) dst(%dma_wait3A_1179 : memref<128x64xf32, #tpu.memory_space<hbm>>)
      %add3A_1184 = arith.constant 4 : i32
      %add3A_1185 = arith.addi %add3A_1137, %add3A_1184 : i32
      %dma_start3A_1186 = arith.constant 7 : i32
      %dma_start3A_1187 = arith.constant 0 : i32
      %dma_start3A_1188 = arith.constant 0 : i32
      %dma_start3A_1189 = tpu.memref_slice %arg6[%dma_start3A_1186, %dma_start3A_1187, %dma_start3A_1188] : memref<8x128x64xf32, #tpu.memory_space<vmem>> -> memref<1x128x64xf32, #tpu.memory_space<vmem>>
      %dma_start3A_1190 = tpu.memref_squeeze %dma_start3A_1189 : memref<1x128x64xf32, #tpu.memory_space<vmem>> -> memref<128x64xf32, #tpu.memory_space<vmem>>
      %dma_start3A_1191 = arith.constant 0 : i32
      %dma_start3A_1192 = tpu.memref_slice %arg5[%add3A_1185, %dma_start3A_1191] : memref<200x128xi32, #tpu.memory_space<vmem>> -> memref<1x128xi32, #tpu.memory_space<vmem>>
      %dma_start3A_1193 = tpu.memref_squeeze %dma_start3A_1192 : memref<1x128xi32, #tpu.memory_space<vmem>> -> memref<128xi32, #tpu.memory_space<vmem>>
      %dma_start3A_1194 = arith.constant 0 : i32
      %dma_start3A_1195 = arith.constant 0 : i32
      %dma_start3A_1196 = tpu.memref_slice %arg3[%dma_start3A_1194, %dma_start3A_1195] : memref<1000000x64xf32, #tpu.memory_space<hbm>> -> memref<1000000x64xf32, #tpu.memory_space<hbm>>
      tpu.enqueue_indirect_dma source(%dma_start3A_1196 : memref<1000000x64xf32, #tpu.memory_space<hbm>>) target(%dma_start3A_1190 : memref<128x64xf32, #tpu.memory_space<vmem>>) offsets(%dma_start3A_1193 : memref<128xi32, #tpu.memory_space<vmem>>) semaphore(%arg7 : memref<!tpu.dma_semaphore, #tpu.memory_space<semaphore_mem>>)
      %add3A_1197 = arith.constant 4 : i32
      %add3A_1198 = arith.addi %mul3A_952, %add3A_1197 : i32
      %dma_wait3A_1199 = arith.constant 4 : i32
      %dma_wait3A_1200 = arith.constant 0 : i32
      %dma_wait3A_1201 = arith.constant 0 : i32
      %dma_wait3A_1202 = tpu.memref_slice %arg6[%dma_wait3A_1199, %dma_wait3A_1200, %dma_wait3A_1201] : memref<8x128x64xf32, #tpu.memory_space<vmem>> -> memref<1x128x64xf32, #tpu.memory_space<vmem>>
      %dma_wait3A_1203 = tpu.memref_squeeze %dma_wait3A_1202 : memref<1x128x64xf32, #tpu.memory_space<vmem>> -> memref<128x64xf32, #tpu.memory_space<vmem>>
      %dma_wait3A_1204 = arith.constant 0 : i32
      %dma_wait3A_1205 = arith.constant 0 : i32
      %dma_wait3A_1206 = tpu.memref_slice %arg3[%dma_wait3A_1204, %dma_wait3A_1205] : memref<1000000x64xf32, #tpu.memory_space<hbm>> -> memref<128x64xf32, #tpu.memory_space<hbm>>
      %dma_wait3A_1207 = arith.constant 0 : i32
      %dma_wait3A_1208 = arith.constant 0 : i32
      %dma_wait3A_1209 = tpu.memref_slice %arg6[%dma_wait3A_1199, %dma_wait3A_1207, %dma_wait3A_1208] : memref<8x128x64xf32, #tpu.memory_space<vmem>> -> memref<1x128x64xf32, #tpu.memory_space<vmem>>
      %dma_wait3A_1210 = tpu.memref_squeeze %dma_wait3A_1209 : memref<1x128x64xf32, #tpu.memory_space<vmem>> -> memref<128x64xf32, #tpu.memory_space<vmem>>
      %dma_wait3A_1211 = arith.constant 0 : i32
      %dma_wait3A_1212 = arith.constant 0 : i32
      %dma_wait3A_1213 = tpu.memref_slice %arg3[%dma_wait3A_1211, %dma_wait3A_1212] : memref<1000000x64xf32, #tpu.memory_space<hbm>> -> memref<128x64xf32, #tpu.memory_space<hbm>>
      tpu.wait_dma2 semaphore(%arg7 : memref<!tpu.dma_semaphore, #tpu.memory_space<semaphore_mem>>) src(%dma_wait3A_1213 : memref<128x64xf32, #tpu.memory_space<hbm>>) dst(%dma_wait3A_1210 : memref<128x64xf32, #tpu.memory_space<vmem>>)
      %add3A_1214 = arith.addi %mul3A_2, %add3A_1198 : i32
      %mul3A_1215 = arith.constant 128 : i32
      %mul3A_1216 = arith.muli %add3A_1214, %mul3A_1215 : i32
      %dma_start3A_1217 = arith.constant 4 : i32
      %dma_start3A_1218 = arith.constant 0 : i32
      %dma_start3A_1219 = arith.constant 0 : i32
      %dma_start3A_1220 = tpu.memref_slice %arg6[%dma_start3A_1217, %dma_start3A_1218, %dma_start3A_1219] : memref<8x128x64xf32, #tpu.memory_space<vmem>> -> memref<1x128x64xf32, #tpu.memory_space<vmem>>
      %dma_start3A_1221 = tpu.memref_squeeze %dma_start3A_1220 : memref<1x128x64xf32, #tpu.memory_space<vmem>> -> memref<128x64xf32, #tpu.memory_space<vmem>>
      %dma_start3A_1222 = arith.constant 0 : i32
      %dma_start3A_1223 = tpu.memref_slice %arg4[%mul3A_1216, %dma_start3A_1222] : memref<819200x64xf32, #tpu.memory_space<hbm>> -> memref<128x64xf32, #tpu.memory_space<hbm>>
      %dma_start3A_1224 = arith.constant 0 : i32
      %dma_start3A_1225 = tpu.memref_slice %arg4[%mul3A_1216, %dma_start3A_1224] : memref<819200x64xf32, #tpu.memory_space<hbm>> -> memref<128x64xf32, #tpu.memory_space<hbm>>
      %dma_start3A_1226 = arith.constant 0 : i32
      %dma_start3A_1227 = arith.constant 0 : i32
      %dma_start3A_1228 = tpu.memref_slice %arg6[%dma_start3A_1217, %dma_start3A_1226, %dma_start3A_1227] : memref<8x128x64xf32, #tpu.memory_space<vmem>> -> memref<1x128x64xf32, #tpu.memory_space<vmem>>
      %dma_start3A_1229 = tpu.memref_squeeze %dma_start3A_1228 : memref<1x128x64xf32, #tpu.memory_space<vmem>> -> memref<128x64xf32, #tpu.memory_space<vmem>>
      tpu.enqueue_dma source(%dma_start3A_1229 : memref<128x64xf32, #tpu.memory_space<vmem>>) target(%dma_start3A_1225 : memref<128x64xf32, #tpu.memory_space<hbm>>) target_semaphore(%arg8 : memref<!tpu.dma_semaphore, #tpu.memory_space<semaphore_mem>>)
      %dma_wait3A_1230 = arith.constant 0 : i32
      %dma_wait3A_1231 = arith.constant 0 : i32
      %dma_wait3A_1232 = arith.constant 0 : i32
      %dma_wait3A_1233 = tpu.memref_slice %arg6[%dma_wait3A_1230, %dma_wait3A_1231, %dma_wait3A_1232] : memref<8x128x64xf32, #tpu.memory_space<vmem>> -> memref<1x128x64xf32, #tpu.memory_space<vmem>>
      %dma_wait3A_1234 = tpu.memref_squeeze %dma_wait3A_1233 : memref<1x128x64xf32, #tpu.memory_space<vmem>> -> memref<128x64xf32, #tpu.memory_space<vmem>>
      %dma_wait3A_1235 = arith.constant 0 : i32
      %dma_wait3A_1236 = arith.constant 0 : i32
      %dma_wait3A_1237 = tpu.memref_slice %arg4[%dma_wait3A_1235, %dma_wait3A_1236] : memref<819200x64xf32, #tpu.memory_space<hbm>> -> memref<128x64xf32, #tpu.memory_space<hbm>>
      %dma_wait3A_1238 = arith.constant 0 : i32
      %dma_wait3A_1239 = arith.constant 0 : i32
      %dma_wait3A_1240 = tpu.memref_slice %arg4[%dma_wait3A_1238, %dma_wait3A_1239] : memref<819200x64xf32, #tpu.memory_space<hbm>> -> memref<128x64xf32, #tpu.memory_space<hbm>>
      %dma_wait3A_1241 = arith.constant 0 : i32
      %dma_wait3A_1242 = arith.constant 0 : i32
      %dma_wait3A_1243 = tpu.memref_slice %arg6[%dma_wait3A_1230, %dma_wait3A_1241, %dma_wait3A_1242] : memref<8x128x64xf32, #tpu.memory_space<vmem>> -> memref<1x128x64xf32, #tpu.memory_space<vmem>>
      %dma_wait3A_1244 = tpu.memref_squeeze %dma_wait3A_1243 : memref<1x128x64xf32, #tpu.memory_space<vmem>> -> memref<128x64xf32, #tpu.memory_space<vmem>>
      tpu.wait_dma2 semaphore(%arg8 : memref<!tpu.dma_semaphore, #tpu.memory_space<semaphore_mem>>) src(%dma_wait3A_1244 : memref<128x64xf32, #tpu.memory_space<vmem>>) dst(%dma_wait3A_1240 : memref<128x64xf32, #tpu.memory_space<hbm>>)
      %add3A_1245 = arith.constant 4 : i32
      %add3A_1246 = arith.addi %add3A_1198, %add3A_1245 : i32
      %dma_start3A_1247 = arith.constant 0 : i32
      %dma_start3A_1248 = arith.constant 0 : i32
      %dma_start3A_1249 = arith.constant 0 : i32
      %dma_start3A_1250 = tpu.memref_slice %arg6[%dma_start3A_1247, %dma_start3A_1248, %dma_start3A_1249] : memref<8x128x64xf32, #tpu.memory_space<vmem>> -> memref<1x128x64xf32, #tpu.memory_space<vmem>>
      %dma_start3A_1251 = tpu.memref_squeeze %dma_start3A_1250 : memref<1x128x64xf32, #tpu.memory_space<vmem>> -> memref<128x64xf32, #tpu.memory_space<vmem>>
      %dma_start3A_1252 = arith.constant 0 : i32
      %dma_start3A_1253 = tpu.memref_slice %arg5[%add3A_1246, %dma_start3A_1252] : memref<200x128xi32, #tpu.memory_space<vmem>> -> memref<1x128xi32, #tpu.memory_space<vmem>>
      %dma_start3A_1254 = tpu.memref_squeeze %dma_start3A_1253 : memref<1x128xi32, #tpu.memory_space<vmem>> -> memref<128xi32, #tpu.memory_space<vmem>>
      %dma_start3A_1255 = arith.constant 0 : i32
      %dma_start3A_1256 = arith.constant 0 : i32
      %dma_start3A_1257 = tpu.memref_slice %arg3[%dma_start3A_1255, %dma_start3A_1256] : memref<1000000x64xf32, #tpu.memory_space<hbm>> -> memref<1000000x64xf32, #tpu.memory_space<hbm>>
      tpu.enqueue_indirect_dma source(%dma_start3A_1257 : memref<1000000x64xf32, #tpu.memory_space<hbm>>) target(%dma_start3A_1251 : memref<128x64xf32, #tpu.memory_space<vmem>>) offsets(%dma_start3A_1254 : memref<128xi32, #tpu.memory_space<vmem>>) semaphore(%arg7 : memref<!tpu.dma_semaphore, #tpu.memory_space<semaphore_mem>>)
      %add3A_1258 = arith.constant 5 : i32
      %add3A_1259 = arith.addi %mul3A_952, %add3A_1258 : i32
      %dma_wait3A_1260 = arith.constant 5 : i32
      %dma_wait3A_1261 = arith.constant 0 : i32
      %dma_wait3A_1262 = arith.constant 0 : i32
      %dma_wait3A_1263 = tpu.memref_slice %arg6[%dma_wait3A_1260, %dma_wait3A_1261, %dma_wait3A_1262] : memref<8x128x64xf32, #tpu.memory_space<vmem>> -> memref<1x128x64xf32, #tpu.memory_space<vmem>>
      %dma_wait3A_1264 = tpu.memref_squeeze %dma_wait3A_1263 : memref<1x128x64xf32, #tpu.memory_space<vmem>> -> memref<128x64xf32, #tpu.memory_space<vmem>>
      %dma_wait3A_1265 = arith.constant 0 : i32
      %dma_wait3A_1266 = arith.constant 0 : i32
      %dma_wait3A_1267 = tpu.memref_slice %arg3[%dma_wait3A_1265, %dma_wait3A_1266] : memref<1000000x64xf32, #tpu.memory_space<hbm>> -> memref<128x64xf32, #tpu.memory_space<hbm>>
      %dma_wait3A_1268 = arith.constant 0 : i32
      %dma_wait3A_1269 = arith.constant 0 : i32
      %dma_wait3A_1270 = tpu.memref_slice %arg6[%dma_wait3A_1260, %dma_wait3A_1268, %dma_wait3A_1269] : memref<8x128x64xf32, #tpu.memory_space<vmem>> -> memref<1x128x64xf32, #tpu.memory_space<vmem>>
      %dma_wait3A_1271 = tpu.memref_squeeze %dma_wait3A_1270 : memref<1x128x64xf32, #tpu.memory_space<vmem>> -> memref<128x64xf32, #tpu.memory_space<vmem>>
      %dma_wait3A_1272 = arith.constant 0 : i32
      %dma_wait3A_1273 = arith.constant 0 : i32
      %dma_wait3A_1274 = tpu.memref_slice %arg3[%dma_wait3A_1272, %dma_wait3A_1273] : memref<1000000x64xf32, #tpu.memory_space<hbm>> -> memref<128x64xf32, #tpu.memory_space<hbm>>
      tpu.wait_dma2 semaphore(%arg7 : memref<!tpu.dma_semaphore, #tpu.memory_space<semaphore_mem>>) src(%dma_wait3A_1274 : memref<128x64xf32, #tpu.memory_space<hbm>>) dst(%dma_wait3A_1271 : memref<128x64xf32, #tpu.memory_space<vmem>>)
      %add3A_1275 = arith.addi %mul3A_2, %add3A_1259 : i32
      %mul3A_1276 = arith.constant 128 : i32
      %mul3A_1277 = arith.muli %add3A_1275, %mul3A_1276 : i32
      %dma_start3A_1278 = arith.constant 5 : i32
      %dma_start3A_1279 = arith.constant 0 : i32
      %dma_start3A_1280 = arith.constant 0 : i32
      %dma_start3A_1281 = tpu.memref_slice %arg6[%dma_start3A_1278, %dma_start3A_1279, %dma_start3A_1280] : memref<8x128x64xf32, #tpu.memory_space<vmem>> -> memref<1x128x64xf32, #tpu.memory_space<vmem>>
      %dma_start3A_1282 = tpu.memref_squeeze %dma_start3A_1281 : memref<1x128x64xf32, #tpu.memory_space<vmem>> -> memref<128x64xf32, #tpu.memory_space<vmem>>
      %dma_start3A_1283 = arith.constant 0 : i32
      %dma_start3A_1284 = tpu.memref_slice %arg4[%mul3A_1277, %dma_start3A_1283] : memref<819200x64xf32, #tpu.memory_space<hbm>> -> memref<128x64xf32, #tpu.memory_space<hbm>>
      %dma_start3A_1285 = arith.constant 0 : i32
      %dma_start3A_1286 = tpu.memref_slice %arg4[%mul3A_1277, %dma_start3A_1285] : memref<819200x64xf32, #tpu.memory_space<hbm>> -> memref<128x64xf32, #tpu.memory_space<hbm>>
      %dma_start3A_1287 = arith.constant 0 : i32
      %dma_start3A_1288 = arith.constant 0 : i32
      %dma_start3A_1289 = tpu.memref_slice %arg6[%dma_start3A_1278, %dma_start3A_1287, %dma_start3A_1288] : memref<8x128x64xf32, #tpu.memory_space<vmem>> -> memref<1x128x64xf32, #tpu.memory_space<vmem>>
      %dma_start3A_1290 = tpu.memref_squeeze %dma_start3A_1289 : memref<1x128x64xf32, #tpu.memory_space<vmem>> -> memref<128x64xf32, #tpu.memory_space<vmem>>
      tpu.enqueue_dma source(%dma_start3A_1290 : memref<128x64xf32, #tpu.memory_space<vmem>>) target(%dma_start3A_1286 : memref<128x64xf32, #tpu.memory_space<hbm>>) target_semaphore(%arg8 : memref<!tpu.dma_semaphore, #tpu.memory_space<semaphore_mem>>)
      %dma_wait3A_1291 = arith.constant 1 : i32
      %dma_wait3A_1292 = arith.constant 0 : i32
      %dma_wait3A_1293 = arith.constant 0 : i32
      %dma_wait3A_1294 = tpu.memref_slice %arg6[%dma_wait3A_1291, %dma_wait3A_1292, %dma_wait3A_1293] : memref<8x128x64xf32, #tpu.memory_space<vmem>> -> memref<1x128x64xf32, #tpu.memory_space<vmem>>
      %dma_wait3A_1295 = tpu.memref_squeeze %dma_wait3A_1294 : memref<1x128x64xf32, #tpu.memory_space<vmem>> -> memref<128x64xf32, #tpu.memory_space<vmem>>
      %dma_wait3A_1296 = arith.constant 0 : i32
      %dma_wait3A_1297 = arith.constant 0 : i32
      %dma_wait3A_1298 = tpu.memref_slice %arg4[%dma_wait3A_1296, %dma_wait3A_1297] : memref<819200x64xf32, #tpu.memory_space<hbm>> -> memref<128x64xf32, #tpu.memory_space<hbm>>
      %dma_wait3A_1299 = arith.constant 0 : i32
      %dma_wait3A_1300 = arith.constant 0 : i32
      %dma_wait3A_1301 = tpu.memref_slice %arg4[%dma_wait3A_1299, %dma_wait3A_1300] : memref<819200x64xf32, #tpu.memory_space<hbm>> -> memref<128x64xf32, #tpu.memory_space<hbm>>
      %dma_wait3A_1302 = arith.constant 0 : i32
      %dma_wait3A_1303 = arith.constant 0 : i32
      %dma_wait3A_1304 = tpu.memref_slice %arg6[%dma_wait3A_1291, %dma_wait3A_1302, %dma_wait3A_1303] : memref<8x128x64xf32, #tpu.memory_space<vmem>> -> memref<1x128x64xf32, #tpu.memory_space<vmem>>
      %dma_wait3A_1305 = tpu.memref_squeeze %dma_wait3A_1304 : memref<1x128x64xf32, #tpu.memory_space<vmem>> -> memref<128x64xf32, #tpu.memory_space<vmem>>
      tpu.wait_dma2 semaphore(%arg8 : memref<!tpu.dma_semaphore, #tpu.memory_space<semaphore_mem>>) src(%dma_wait3A_1305 : memref<128x64xf32, #tpu.memory_space<vmem>>) dst(%dma_wait3A_1301 : memref<128x64xf32, #tpu.memory_space<hbm>>)
      %add3A_1306 = arith.constant 4 : i32
      %add3A_1307 = arith.addi %add3A_1259, %add3A_1306 : i32
      %dma_start3A_1308 = arith.constant 1 : i32
      %dma_start3A_1309 = arith.constant 0 : i32
      %dma_start3A_1310 = arith.constant 0 : i32
      %dma_start3A_1311 = tpu.memref_slice %arg6[%dma_start3A_1308, %dma_start3A_1309, %dma_start3A_1310] : memref<8x128x64xf32, #tpu.memory_space<vmem>> -> memref<1x128x64xf32, #tpu.memory_space<vmem>>
      %dma_start3A_1312 = tpu.memref_squeeze %dma_start3A_1311 : memref<1x128x64xf32, #tpu.memory_space<vmem>> -> memref<128x64xf32, #tpu.memory_space<vmem>>
      %dma_start3A_1313 = arith.constant 0 : i32
      %dma_start3A_1314 = tpu.memref_slice %arg5[%add3A_1307, %dma_start3A_1313] : memref<200x128xi32, #tpu.memory_space<vmem>> -> memref<1x128xi32, #tpu.memory_space<vmem>>
      %dma_start3A_1315 = tpu.memref_squeeze %dma_start3A_1314 : memref<1x128xi32, #tpu.memory_space<vmem>> -> memref<128xi32, #tpu.memory_space<vmem>>
      %dma_start3A_1316 = arith.constant 0 : i32
      %dma_start3A_1317 = arith.constant 0 : i32
      %dma_start3A_1318 = tpu.memref_slice %arg3[%dma_start3A_1316, %dma_start3A_1317] : memref<1000000x64xf32, #tpu.memory_space<hbm>> -> memref<1000000x64xf32, #tpu.memory_space<hbm>>
      tpu.enqueue_indirect_dma source(%dma_start3A_1318 : memref<1000000x64xf32, #tpu.memory_space<hbm>>) target(%dma_start3A_1312 : memref<128x64xf32, #tpu.memory_space<vmem>>) offsets(%dma_start3A_1315 : memref<128xi32, #tpu.memory_space<vmem>>) semaphore(%arg7 : memref<!tpu.dma_semaphore, #tpu.memory_space<semaphore_mem>>)
      %add3A_1319 = arith.constant 6 : i32
      %add3A_1320 = arith.addi %mul3A_952, %add3A_1319 : i32
      %dma_wait3A_1321 = arith.constant 6 : i32
      %dma_wait3A_1322 = arith.constant 0 : i32
      %dma_wait3A_1323 = arith.constant 0 : i32
      %dma_wait3A_1324 = tpu.memref_slice %arg6[%dma_wait3A_1321, %dma_wait3A_1322, %dma_wait3A_1323] : memref<8x128x64xf32, #tpu.memory_space<vmem>> -> memref<1x128x64xf32, #tpu.memory_space<vmem>>
      %dma_wait3A_1325 = tpu.memref_squeeze %dma_wait3A_1324 : memref<1x128x64xf32, #tpu.memory_space<vmem>> -> memref<128x64xf32, #tpu.memory_space<vmem>>
      %dma_wait3A_1326 = arith.constant 0 : i32
      %dma_wait3A_1327 = arith.constant 0 : i32
      %dma_wait3A_1328 = tpu.memref_slice %arg3[%dma_wait3A_1326, %dma_wait3A_1327] : memref<1000000x64xf32, #tpu.memory_space<hbm>> -> memref<128x64xf32, #tpu.memory_space<hbm>>
      %dma_wait3A_1329 = arith.constant 0 : i32
      %dma_wait3A_1330 = arith.constant 0 : i32
      %dma_wait3A_1331 = tpu.memref_slice %arg6[%dma_wait3A_1321, %dma_wait3A_1329, %dma_wait3A_1330] : memref<8x128x64xf32, #tpu.memory_space<vmem>> -> memref<1x128x64xf32, #tpu.memory_space<vmem>>
      %dma_wait3A_1332 = tpu.memref_squeeze %dma_wait3A_1331 : memref<1x128x64xf32, #tpu.memory_space<vmem>> -> memref<128x64xf32, #tpu.memory_space<vmem>>
      %dma_wait3A_1333 = arith.constant 0 : i32
      %dma_wait3A_1334 = arith.constant 0 : i32
      %dma_wait3A_1335 = tpu.memref_slice %arg3[%dma_wait3A_1333, %dma_wait3A_1334] : memref<1000000x64xf32, #tpu.memory_space<hbm>> -> memref<128x64xf32, #tpu.memory_space<hbm>>
      tpu.wait_dma2 semaphore(%arg7 : memref<!tpu.dma_semaphore, #tpu.memory_space<semaphore_mem>>) src(%dma_wait3A_1335 : memref<128x64xf32, #tpu.memory_space<hbm>>) dst(%dma_wait3A_1332 : memref<128x64xf32, #tpu.memory_space<vmem>>)
      %add3A_1336 = arith.addi %mul3A_2, %add3A_1320 : i32
      %mul3A_1337 = arith.constant 128 : i32
      %mul3A_1338 = arith.muli %add3A_1336, %mul3A_1337 : i32
      %dma_start3A_1339 = arith.constant 6 : i32
      %dma_start3A_1340 = arith.constant 0 : i32
      %dma_start3A_1341 = arith.constant 0 : i32
      %dma_start3A_1342 = tpu.memref_slice %arg6[%dma_start3A_1339, %dma_start3A_1340, %dma_start3A_1341] : memref<8x128x64xf32, #tpu.memory_space<vmem>> -> memref<1x128x64xf32, #tpu.memory_space<vmem>>
      %dma_start3A_1343 = tpu.memref_squeeze %dma_start3A_1342 : memref<1x128x64xf32, #tpu.memory_space<vmem>> -> memref<128x64xf32, #tpu.memory_space<vmem>>
      %dma_start3A_1344 = arith.constant 0 : i32
      %dma_start3A_1345 = tpu.memref_slice %arg4[%mul3A_1338, %dma_start3A_1344] : memref<819200x64xf32, #tpu.memory_space<hbm>> -> memref<128x64xf32, #tpu.memory_space<hbm>>
      %dma_start3A_1346 = arith.constant 0 : i32
      %dma_start3A_1347 = tpu.memref_slice %arg4[%mul3A_1338, %dma_start3A_1346] : memref<819200x64xf32, #tpu.memory_space<hbm>> -> memref<128x64xf32, #tpu.memory_space<hbm>>
      %dma_start3A_1348 = arith.constant 0 : i32
      %dma_start3A_1349 = arith.constant 0 : i32
      %dma_start3A_1350 = tpu.memref_slice %arg6[%dma_start3A_1339, %dma_start3A_1348, %dma_start3A_1349] : memref<8x128x64xf32, #tpu.memory_space<vmem>> -> memref<1x128x64xf32, #tpu.memory_space<vmem>>
      %dma_start3A_1351 = tpu.memref_squeeze %dma_start3A_1350 : memref<1x128x64xf32, #tpu.memory_space<vmem>> -> memref<128x64xf32, #tpu.memory_space<vmem>>
      tpu.enqueue_dma source(%dma_start3A_1351 : memref<128x64xf32, #tpu.memory_space<vmem>>) target(%dma_start3A_1347 : memref<128x64xf32, #tpu.memory_space<hbm>>) target_semaphore(%arg8 : memref<!tpu.dma_semaphore, #tpu.memory_space<semaphore_mem>>)
      %dma_wait3A_1352 = arith.constant 2 : i32
      %dma_wait3A_1353 = arith.constant 0 : i32
      %dma_wait3A_1354 = arith.constant 0 : i32
      %dma_wait3A_1355 = tpu.memref_slice %arg6[%dma_wait3A_1352, %dma_wait3A_1353, %dma_wait3A_1354] : memref<8x128x64xf32, #tpu.memory_space<vmem>> -> memref<1x128x64xf32, #tpu.memory_space<vmem>>
      %dma_wait3A_1356 = tpu.memref_squeeze %dma_wait3A_1355 : memref<1x128x64xf32, #tpu.memory_space<vmem>> -> memref<128x64xf32, #tpu.memory_space<vmem>>
      %dma_wait3A_1357 = arith.constant 0 : i32
      %dma_wait3A_1358 = arith.constant 0 : i32
      %dma_wait3A_1359 = tpu.memref_slice %arg4[%dma_wait3A_1357, %dma_wait3A_1358] : memref<819200x64xf32, #tpu.memory_space<hbm>> -> memref<128x64xf32, #tpu.memory_space<hbm>>
      %dma_wait3A_1360 = arith.constant 0 : i32
      %dma_wait3A_1361 = arith.constant 0 : i32
      %dma_wait3A_1362 = tpu.memref_slice %arg4[%dma_wait3A_1360, %dma_wait3A_1361] : memref<819200x64xf32, #tpu.memory_space<hbm>> -> memref<128x64xf32, #tpu.memory_space<hbm>>
      %dma_wait3A_1363 = arith.constant 0 : i32
      %dma_wait3A_1364 = arith.constant 0 : i32
      %dma_wait3A_1365 = tpu.memref_slice %arg6[%dma_wait3A_1352, %dma_wait3A_1363, %dma_wait3A_1364] : memref<8x128x64xf32, #tpu.memory_space<vmem>> -> memref<1x128x64xf32, #tpu.memory_space<vmem>>
      %dma_wait3A_1366 = tpu.memref_squeeze %dma_wait3A_1365 : memref<1x128x64xf32, #tpu.memory_space<vmem>> -> memref<128x64xf32, #tpu.memory_space<vmem>>
      tpu.wait_dma2 semaphore(%arg8 : memref<!tpu.dma_semaphore, #tpu.memory_space<semaphore_mem>>) src(%dma_wait3A_1366 : memref<128x64xf32, #tpu.memory_space<vmem>>) dst(%dma_wait3A_1362 : memref<128x64xf32, #tpu.memory_space<hbm>>)
      %add3A_1367 = arith.constant 4 : i32
      %add3A_1368 = arith.addi %add3A_1320, %add3A_1367 : i32
      %dma_start3A_1369 = arith.constant 2 : i32
      %dma_start3A_1370 = arith.constant 0 : i32
      %dma_start3A_1371 = arith.constant 0 : i32
      %dma_start3A_1372 = tpu.memref_slice %arg6[%dma_start3A_1369, %dma_start3A_1370, %dma_start3A_1371] : memref<8x128x64xf32, #tpu.memory_space<vmem>> -> memref<1x128x64xf32, #tpu.memory_space<vmem>>
      %dma_start3A_1373 = tpu.memref_squeeze %dma_start3A_1372 : memref<1x128x64xf32, #tpu.memory_space<vmem>> -> memref<128x64xf32, #tpu.memory_space<vmem>>
      %dma_start3A_1374 = arith.constant 0 : i32
      %dma_start3A_1375 = tpu.memref_slice %arg5[%add3A_1368, %dma_start3A_1374] : memref<200x128xi32, #tpu.memory_space<vmem>> -> memref<1x128xi32, #tpu.memory_space<vmem>>
      %dma_start3A_1376 = tpu.memref_squeeze %dma_start3A_1375 : memref<1x128xi32, #tpu.memory_space<vmem>> -> memref<128xi32, #tpu.memory_space<vmem>>
      %dma_start3A_1377 = arith.constant 0 : i32
      %dma_start3A_1378 = arith.constant 0 : i32
      %dma_start3A_1379 = tpu.memref_slice %arg3[%dma_start3A_1377, %dma_start3A_1378] : memref<1000000x64xf32, #tpu.memory_space<hbm>> -> memref<1000000x64xf32, #tpu.memory_space<hbm>>
      tpu.enqueue_indirect_dma source(%dma_start3A_1379 : memref<1000000x64xf32, #tpu.memory_space<hbm>>) target(%dma_start3A_1373 : memref<128x64xf32, #tpu.memory_space<vmem>>) offsets(%dma_start3A_1376 : memref<128xi32, #tpu.memory_space<vmem>>) semaphore(%arg7 : memref<!tpu.dma_semaphore, #tpu.memory_space<semaphore_mem>>)
      %add3A_1380 = arith.constant 7 : i32
      %add3A_1381 = arith.addi %mul3A_952, %add3A_1380 : i32
      %dma_wait3A_1382 = arith.constant 7 : i32
      %dma_wait3A_1383 = arith.constant 0 : i32
      %dma_wait3A_1384 = arith.constant 0 : i32
      %dma_wait3A_1385 = tpu.memref_slice %arg6[%dma_wait3A_1382, %dma_wait3A_1383, %dma_wait3A_1384] : memref<8x128x64xf32, #tpu.memory_space<vmem>> -> memref<1x128x64xf32, #tpu.memory_space<vmem>>
      %dma_wait3A_1386 = tpu.memref_squeeze %dma_wait3A_1385 : memref<1x128x64xf32, #tpu.memory_space<vmem>> -> memref<128x64xf32, #tpu.memory_space<vmem>>
      %dma_wait3A_1387 = arith.constant 0 : i32
      %dma_wait3A_1388 = arith.constant 0 : i32
      %dma_wait3A_1389 = tpu.memref_slice %arg3[%dma_wait3A_1387, %dma_wait3A_1388] : memref<1000000x64xf32, #tpu.memory_space<hbm>> -> memref<128x64xf32, #tpu.memory_space<hbm>>
      %dma_wait3A_1390 = arith.constant 0 : i32
      %dma_wait3A_1391 = arith.constant 0 : i32
      %dma_wait3A_1392 = tpu.memref_slice %arg6[%dma_wait3A_1382, %dma_wait3A_1390, %dma_wait3A_1391] : memref<8x128x64xf32, #tpu.memory_space<vmem>> -> memref<1x128x64xf32, #tpu.memory_space<vmem>>
      %dma_wait3A_1393 = tpu.memref_squeeze %dma_wait3A_1392 : memref<1x128x64xf32, #tpu.memory_space<vmem>> -> memref<128x64xf32, #tpu.memory_space<vmem>>
      %dma_wait3A_1394 = arith.constant 0 : i32
      %dma_wait3A_1395 = arith.constant 0 : i32
      %dma_wait3A_1396 = tpu.memref_slice %arg3[%dma_wait3A_1394, %dma_wait3A_1395] : memref<1000000x64xf32, #tpu.memory_space<hbm>> -> memref<128x64xf32, #tpu.memory_space<hbm>>
      tpu.wait_dma2 semaphore(%arg7 : memref<!tpu.dma_semaphore, #tpu.memory_space<semaphore_mem>>) src(%dma_wait3A_1396 : memref<128x64xf32, #tpu.memory_space<hbm>>) dst(%dma_wait3A_1393 : memref<128x64xf32, #tpu.memory_space<vmem>>)
      %add3A_1397 = arith.addi %mul3A_2, %add3A_1381 : i32
      %mul3A_1398 = arith.constant 128 : i32
      %mul3A_1399 = arith.muli %add3A_1397, %mul3A_1398 : i32
      %dma_start3A_1400 = arith.constant 7 : i32
      %dma_start3A_1401 = arith.constant 0 : i32
      %dma_start3A_1402 = arith.constant 0 : i32
      %dma_start3A_1403 = tpu.memref_slice %arg6[%dma_start3A_1400, %dma_start3A_1401, %dma_start3A_1402] : memref<8x128x64xf32, #tpu.memory_space<vmem>> -> memref<1x128x64xf32, #tpu.memory_space<vmem>>
      %dma_start3A_1404 = tpu.memref_squeeze %dma_start3A_1403 : memref<1x128x64xf32, #tpu.memory_space<vmem>> -> memref<128x64xf32, #tpu.memory_space<vmem>>
      %dma_start3A_1405 = arith.constant 0 : i32
      %dma_start3A_1406 = tpu.memref_slice %arg4[%mul3A_1399, %dma_start3A_1405] : memref<819200x64xf32, #tpu.memory_space<hbm>> -> memref<128x64xf32, #tpu.memory_space<hbm>>
      %dma_start3A_1407 = arith.constant 0 : i32
      %dma_start3A_1408 = tpu.memref_slice %arg4[%mul3A_1399, %dma_start3A_1407] : memref<819200x64xf32, #tpu.memory_space<hbm>> -> memref<128x64xf32, #tpu.memory_space<hbm>>
      %dma_start3A_1409 = arith.constant 0 : i32
      %dma_start3A_1410 = arith.constant 0 : i32
      %dma_start3A_1411 = tpu.memref_slice %arg6[%dma_start3A_1400, %dma_start3A_1409, %dma_start3A_1410] : memref<8x128x64xf32, #tpu.memory_space<vmem>> -> memref<1x128x64xf32, #tpu.memory_space<vmem>>
      %dma_start3A_1412 = tpu.memref_squeeze %dma_start3A_1411 : memref<1x128x64xf32, #tpu.memory_space<vmem>> -> memref<128x64xf32, #tpu.memory_space<vmem>>
      tpu.enqueue_dma source(%dma_start3A_1412 : memref<128x64xf32, #tpu.memory_space<vmem>>) target(%dma_start3A_1408 : memref<128x64xf32, #tpu.memory_space<hbm>>) target_semaphore(%arg8 : memref<!tpu.dma_semaphore, #tpu.memory_space<semaphore_mem>>)
      %dma_wait3A_1413 = arith.constant 3 : i32
      %dma_wait3A_1414 = arith.constant 0 : i32
      %dma_wait3A_1415 = arith.constant 0 : i32
      %dma_wait3A_1416 = tpu.memref_slice %arg6[%dma_wait3A_1413, %dma_wait3A_1414, %dma_wait3A_1415] : memref<8x128x64xf32, #tpu.memory_space<vmem>> -> memref<1x128x64xf32, #tpu.memory_space<vmem>>
      %dma_wait3A_1417 = tpu.memref_squeeze %dma_wait3A_1416 : memref<1x128x64xf32, #tpu.memory_space<vmem>> -> memref<128x64xf32, #tpu.memory_space<vmem>>
      %dma_wait3A_1418 = arith.constant 0 : i32
      %dma_wait3A_1419 = arith.constant 0 : i32
      %dma_wait3A_1420 = tpu.memref_slice %arg4[%dma_wait3A_1418, %dma_wait3A_1419] : memref<819200x64xf32, #tpu.memory_space<hbm>> -> memref<128x64xf32, #tpu.memory_space<hbm>>
      %dma_wait3A_1421 = arith.constant 0 : i32
      %dma_wait3A_1422 = arith.constant 0 : i32
      %dma_wait3A_1423 = tpu.memref_slice %arg4[%dma_wait3A_1421, %dma_wait3A_1422] : memref<819200x64xf32, #tpu.memory_space<hbm>> -> memref<128x64xf32, #tpu.memory_space<hbm>>
      %dma_wait3A_1424 = arith.constant 0 : i32
      %dma_wait3A_1425 = arith.constant 0 : i32
      %dma_wait3A_1426 = tpu.memref_slice %arg6[%dma_wait3A_1413, %dma_wait3A_1424, %dma_wait3A_1425] : memref<8x128x64xf32, #tpu.memory_space<vmem>> -> memref<1x128x64xf32, #tpu.memory_space<vmem>>
      %dma_wait3A_1427 = tpu.memref_squeeze %dma_wait3A_1426 : memref<1x128x64xf32, #tpu.memory_space<vmem>> -> memref<128x64xf32, #tpu.memory_space<vmem>>
      tpu.wait_dma2 semaphore(%arg8 : memref<!tpu.dma_semaphore, #tpu.memory_space<semaphore_mem>>) src(%dma_wait3A_1427 : memref<128x64xf32, #tpu.memory_space<vmem>>) dst(%dma_wait3A_1423 : memref<128x64xf32, #tpu.memory_space<hbm>>)
      %add3A_1428 = arith.constant 4 : i32
      %add3A_1429 = arith.addi %add3A_1381, %add3A_1428 : i32
      %dma_start3A_1430 = arith.constant 3 : i32
      %dma_start3A_1431 = arith.constant 0 : i32
      %dma_start3A_1432 = arith.constant 0 : i32
      %dma_start3A_1433 = tpu.memref_slice %arg6[%dma_start3A_1430, %dma_start3A_1431, %dma_start3A_1432] : memref<8x128x64xf32, #tpu.memory_space<vmem>> -> memref<1x128x64xf32, #tpu.memory_space<vmem>>
      %dma_start3A_1434 = tpu.memref_squeeze %dma_start3A_1433 : memref<1x128x64xf32, #tpu.memory_space<vmem>> -> memref<128x64xf32, #tpu.memory_space<vmem>>
      %dma_start3A_1435 = arith.constant 0 : i32
      %dma_start3A_1436 = tpu.memref_slice %arg5[%add3A_1429, %dma_start3A_1435] : memref<200x128xi32, #tpu.memory_space<vmem>> -> memref<1x128xi32, #tpu.memory_space<vmem>>
      %dma_start3A_1437 = tpu.memref_squeeze %dma_start3A_1436 : memref<1x128xi32, #tpu.memory_space<vmem>> -> memref<128xi32, #tpu.memory_space<vmem>>
      %dma_start3A_1438 = arith.constant 0 : i32
      %dma_start3A_1439 = arith.constant 0 : i32
      %dma_start3A_1440 = tpu.memref_slice %arg3[%dma_start3A_1438, %dma_start3A_1439] : memref<1000000x64xf32, #tpu.memory_space<hbm>> -> memref<1000000x64xf32, #tpu.memory_space<hbm>>
      tpu.enqueue_indirect_dma source(%dma_start3A_1440 : memref<1000000x64xf32, #tpu.memory_space<hbm>>) target(%dma_start3A_1434 : memref<128x64xf32, #tpu.memory_space<vmem>>) offsets(%dma_start3A_1437 : memref<128xi32, #tpu.memory_space<vmem>>) semaphore(%arg7 : memref<!tpu.dma_semaphore, #tpu.memory_space<semaphore_mem>>)
    }
    %scan3A_465 = arith.constant 23 : i32
    %dma_wait3A_466 = arith.constant 0 : i32
    %dma_wait3A_467 = arith.constant 0 : i32
    %dma_wait3A_468 = arith.constant 0 : i32
    %dma_wait3A_469 = tpu.memref_slice %arg6[%dma_wait3A_466, %dma_wait3A_467, %dma_wait3A_468] : memref<8x128x64xf32, #tpu.memory_space<vmem>> -> memref<1x128x64xf32, #tpu.memory_space<vmem>>
    %dma_wait3A_470 = tpu.memref_squeeze %dma_wait3A_469 : memref<1x128x64xf32, #tpu.memory_space<vmem>> -> memref<128x64xf32, #tpu.memory_space<vmem>>
    %dma_wait3A_471 = arith.constant 0 : i32
    %dma_wait3A_472 = arith.constant 0 : i32
    %dma_wait3A_473 = tpu.memref_slice %arg3[%dma_wait3A_471, %dma_wait3A_472] : memref<1000000x64xf32, #tpu.memory_space<hbm>> -> memref<128x64xf32, #tpu.memory_space<hbm>>
    %dma_wait3A_474 = arith.constant 0 : i32
    %dma_wait3A_475 = arith.constant 0 : i32
    %dma_wait3A_476 = tpu.memref_slice %arg6[%dma_wait3A_466, %dma_wait3A_474, %dma_wait3A_475] : memref<8x128x64xf32, #tpu.memory_space<vmem>> -> memref<1x128x64xf32, #tpu.memory_space<vmem>>
    %dma_wait3A_477 = tpu.memref_squeeze %dma_wait3A_476 : memref<1x128x64xf32, #tpu.memory_space<vmem>> -> memref<128x64xf32, #tpu.memory_space<vmem>>
    %dma_wait3A_478 = arith.constant 0 : i32
    %dma_wait3A_479 = arith.constant 0 : i32
    %dma_wait3A_480 = tpu.memref_slice %arg3[%dma_wait3A_478, %dma_wait3A_479] : memref<1000000x64xf32, #tpu.memory_space<hbm>> -> memref<128x64xf32, #tpu.memory_space<hbm>>
    tpu.wait_dma2 semaphore(%arg7 : memref<!tpu.dma_semaphore, #tpu.memory_space<semaphore_mem>>) src(%dma_wait3A_480 : memref<128x64xf32, #tpu.memory_space<hbm>>) dst(%dma_wait3A_477 : memref<128x64xf32, #tpu.memory_space<vmem>>)
    %add3A_481 = arith.constant 192 : i32
    %add3A_482 = arith.addi %mul3A_2, %add3A_481 : i32
    %mul3A_483 = arith.constant 128 : i32
    %mul3A_484 = arith.muli %add3A_482, %mul3A_483 : i32
    %dma_start3A_485 = arith.constant 0 : i32
    %dma_start3A_486 = arith.constant 0 : i32
    %dma_start3A_487 = arith.constant 0 : i32
    %dma_start3A_488 = tpu.memref_slice %arg6[%dma_start3A_485, %dma_start3A_486, %dma_start3A_487] : memref<8x128x64xf32, #tpu.memory_space<vmem>> -> memref<1x128x64xf32, #tpu.memory_space<vmem>>
    %dma_start3A_489 = tpu.memref_squeeze %dma_start3A_488 : memref<1x128x64xf32, #tpu.memory_space<vmem>> -> memref<128x64xf32, #tpu.memory_space<vmem>>
    %dma_start3A_490 = arith.constant 0 : i32
    %dma_start3A_491 = tpu.memref_slice %arg4[%mul3A_484, %dma_start3A_490] : memref<819200x64xf32, #tpu.memory_space<hbm>> -> memref<128x64xf32, #tpu.memory_space<hbm>>
    %dma_start3A_492 = arith.constant 0 : i32
    %dma_start3A_493 = tpu.memref_slice %arg4[%mul3A_484, %dma_start3A_492] : memref<819200x64xf32, #tpu.memory_space<hbm>> -> memref<128x64xf32, #tpu.memory_space<hbm>>
    %dma_start3A_494 = arith.constant 0 : i32
    %dma_start3A_495 = arith.constant 0 : i32
    %dma_start3A_496 = tpu.memref_slice %arg6[%dma_start3A_485, %dma_start3A_494, %dma_start3A_495] : memref<8x128x64xf32, #tpu.memory_space<vmem>> -> memref<1x128x64xf32, #tpu.memory_space<vmem>>
    %dma_start3A_497 = tpu.memref_squeeze %dma_start3A_496 : memref<1x128x64xf32, #tpu.memory_space<vmem>> -> memref<128x64xf32, #tpu.memory_space<vmem>>
    tpu.enqueue_dma source(%dma_start3A_497 : memref<128x64xf32, #tpu.memory_space<vmem>>) target(%dma_start3A_493 : memref<128x64xf32, #tpu.memory_space<hbm>>) target_semaphore(%arg8 : memref<!tpu.dma_semaphore, #tpu.memory_space<semaphore_mem>>)
    %dma_wait3A_498 = arith.constant 4 : i32
    %dma_wait3A_499 = arith.constant 0 : i32
    %dma_wait3A_500 = arith.constant 0 : i32
    %dma_wait3A_501 = tpu.memref_slice %arg6[%dma_wait3A_498, %dma_wait3A_499, %dma_wait3A_500] : memref<8x128x64xf32, #tpu.memory_space<vmem>> -> memref<1x128x64xf32, #tpu.memory_space<vmem>>
    %dma_wait3A_502 = tpu.memref_squeeze %dma_wait3A_501 : memref<1x128x64xf32, #tpu.memory_space<vmem>> -> memref<128x64xf32, #tpu.memory_space<vmem>>
    %dma_wait3A_503 = arith.constant 0 : i32
    %dma_wait3A_504 = arith.constant 0 : i32
    %dma_wait3A_505 = tpu.memref_slice %arg4[%dma_wait3A_503, %dma_wait3A_504] : memref<819200x64xf32, #tpu.memory_space<hbm>> -> memref<128x64xf32, #tpu.memory_space<hbm>>
    %dma_wait3A_506 = arith.constant 0 : i32
    %dma_wait3A_507 = arith.constant 0 : i32
    %dma_wait3A_508 = tpu.memref_slice %arg4[%dma_wait3A_506, %dma_wait3A_507] : memref<819200x64xf32, #tpu.memory_space<hbm>> -> memref<128x64xf32, #tpu.memory_space<hbm>>
    %dma_wait3A_509 = arith.constant 0 : i32
    %dma_wait3A_510 = arith.constant 0 : i32
    %dma_wait3A_511 = tpu.memref_slice %arg6[%dma_wait3A_498, %dma_wait3A_509, %dma_wait3A_510] : memref<8x128x64xf32, #tpu.memory_space<vmem>> -> memref<1x128x64xf32, #tpu.memory_space<vmem>>
    %dma_wait3A_512 = tpu.memref_squeeze %dma_wait3A_511 : memref<1x128x64xf32, #tpu.memory_space<vmem>> -> memref<128x64xf32, #tpu.memory_space<vmem>>
    tpu.wait_dma2 semaphore(%arg8 : memref<!tpu.dma_semaphore, #tpu.memory_space<semaphore_mem>>) src(%dma_wait3A_512 : memref<128x64xf32, #tpu.memory_space<vmem>>) dst(%dma_wait3A_508 : memref<128x64xf32, #tpu.memory_space<hbm>>)
    %dma_start3A_513 = arith.constant 196 : i32
    %dma_start3A_514 = arith.constant 4 : i32
    %dma_start3A_515 = arith.constant 0 : i32
    %dma_start3A_516 = arith.constant 0 : i32
    %dma_start3A_517 = tpu.memref_slice %arg6[%dma_start3A_514, %dma_start3A_515, %dma_start3A_516] : memref<8x128x64xf32, #tpu.memory_space<vmem>> -> memref<1x128x64xf32, #tpu.memory_space<vmem>>
    %dma_start3A_518 = tpu.memref_squeeze %dma_start3A_517 : memref<1x128x64xf32, #tpu.memory_space<vmem>> -> memref<128x64xf32, #tpu.memory_space<vmem>>
    %dma_start3A_519 = arith.constant 0 : i32
    %dma_start3A_520 = tpu.memref_slice %arg5[%dma_start3A_513, %dma_start3A_519] : memref<200x128xi32, #tpu.memory_space<vmem>> -> memref<1x128xi32, #tpu.memory_space<vmem>>
    %dma_start3A_521 = tpu.memref_squeeze %dma_start3A_520 : memref<1x128xi32, #tpu.memory_space<vmem>> -> memref<128xi32, #tpu.memory_space<vmem>>
    %dma_start3A_522 = arith.constant 0 : i32
    %dma_start3A_523 = arith.constant 0 : i32
    %dma_start3A_524 = tpu.memref_slice %arg3[%dma_start3A_522, %dma_start3A_523] : memref<1000000x64xf32, #tpu.memory_space<hbm>> -> memref<1000000x64xf32, #tpu.memory_space<hbm>>
    tpu.enqueue_indirect_dma source(%dma_start3A_524 : memref<1000000x64xf32, #tpu.memory_space<hbm>>) target(%dma_start3A_518 : memref<128x64xf32, #tpu.memory_space<vmem>>) offsets(%dma_start3A_521 : memref<128xi32, #tpu.memory_space<vmem>>) semaphore(%arg7 : memref<!tpu.dma_semaphore, #tpu.memory_space<semaphore_mem>>)
    %dma_wait3A_525 = arith.constant 1 : i32
    %dma_wait3A_526 = arith.constant 0 : i32
    %dma_wait3A_527 = arith.constant 0 : i32
    %dma_wait3A_528 = tpu.memref_slice %arg6[%dma_wait3A_525, %dma_wait3A_526, %dma_wait3A_527] : memref<8x128x64xf32, #tpu.memory_space<vmem>> -> memref<1x128x64xf32, #tpu.memory_space<vmem>>
    %dma_wait3A_529 = tpu.memref_squeeze %dma_wait3A_528 : memref<1x128x64xf32, #tpu.memory_space<vmem>> -> memref<128x64xf32, #tpu.memory_space<vmem>>
    %dma_wait3A_530 = arith.constant 0 : i32
    %dma_wait3A_531 = arith.constant 0 : i32
    %dma_wait3A_532 = tpu.memref_slice %arg3[%dma_wait3A_530, %dma_wait3A_531] : memref<1000000x64xf32, #tpu.memory_space<hbm>> -> memref<128x64xf32, #tpu.memory_space<hbm>>
    %dma_wait3A_533 = arith.constant 0 : i32
    %dma_wait3A_534 = arith.constant 0 : i32
    %dma_wait3A_535 = tpu.memref_slice %arg6[%dma_wait3A_525, %dma_wait3A_533, %dma_wait3A_534] : memref<8x128x64xf32, #tpu.memory_space<vmem>> -> memref<1x128x64xf32, #tpu.memory_space<vmem>>
    %dma_wait3A_536 = tpu.memref_squeeze %dma_wait3A_535 : memref<1x128x64xf32, #tpu.memory_space<vmem>> -> memref<128x64xf32, #tpu.memory_space<vmem>>
    %dma_wait3A_537 = arith.constant 0 : i32
    %dma_wait3A_538 = arith.constant 0 : i32
    %dma_wait3A_539 = tpu.memref_slice %arg3[%dma_wait3A_537, %dma_wait3A_538] : memref<1000000x64xf32, #tpu.memory_space<hbm>> -> memref<128x64xf32, #tpu.memory_space<hbm>>
    tpu.wait_dma2 semaphore(%arg7 : memref<!tpu.dma_semaphore, #tpu.memory_space<semaphore_mem>>) src(%dma_wait3A_539 : memref<128x64xf32, #tpu.memory_space<hbm>>) dst(%dma_wait3A_536 : memref<128x64xf32, #tpu.memory_space<vmem>>)
    %add3A_540 = arith.constant 193 : i32
    %add3A_541 = arith.addi %mul3A_2, %add3A_540 : i32
    %mul3A_542 = arith.constant 128 : i32
    %mul3A_543 = arith.muli %add3A_541, %mul3A_542 : i32
    %dma_start3A_544 = arith.constant 1 : i32
    %dma_start3A_545 = arith.constant 0 : i32
    %dma_start3A_546 = arith.constant 0 : i32
    %dma_start3A_547 = tpu.memref_slice %arg6[%dma_start3A_544, %dma_start3A_545, %dma_start3A_546] : memref<8x128x64xf32, #tpu.memory_space<vmem>> -> memref<1x128x64xf32, #tpu.memory_space<vmem>>
    %dma_start3A_548 = tpu.memref_squeeze %dma_start3A_547 : memref<1x128x64xf32, #tpu.memory_space<vmem>> -> memref<128x64xf32, #tpu.memory_space<vmem>>
    %dma_start3A_549 = arith.constant 0 : i32
    %dma_start3A_550 = tpu.memref_slice %arg4[%mul3A_543, %dma_start3A_549] : memref<819200x64xf32, #tpu.memory_space<hbm>> -> memref<128x64xf32, #tpu.memory_space<hbm>>
    %dma_start3A_551 = arith.constant 0 : i32
    %dma_start3A_552 = tpu.memref_slice %arg4[%mul3A_543, %dma_start3A_551] : memref<819200x64xf32, #tpu.memory_space<hbm>> -> memref<128x64xf32, #tpu.memory_space<hbm>>
    %dma_start3A_553 = arith.constant 0 : i32
    %dma_start3A_554 = arith.constant 0 : i32
    %dma_start3A_555 = tpu.memref_slice %arg6[%dma_start3A_544, %dma_start3A_553, %dma_start3A_554] : memref<8x128x64xf32, #tpu.memory_space<vmem>> -> memref<1x128x64xf32, #tpu.memory_space<vmem>>
    %dma_start3A_556 = tpu.memref_squeeze %dma_start3A_555 : memref<1x128x64xf32, #tpu.memory_space<vmem>> -> memref<128x64xf32, #tpu.memory_space<vmem>>
    tpu.enqueue_dma source(%dma_start3A_556 : memref<128x64xf32, #tpu.memory_space<vmem>>) target(%dma_start3A_552 : memref<128x64xf32, #tpu.memory_space<hbm>>) target_semaphore(%arg8 : memref<!tpu.dma_semaphore, #tpu.memory_space<semaphore_mem>>)
    %dma_wait3A_557 = arith.constant 5 : i32
    %dma_wait3A_558 = arith.constant 0 : i32
    %dma_wait3A_559 = arith.constant 0 : i32
    %dma_wait3A_560 = tpu.memref_slice %arg6[%dma_wait3A_557, %dma_wait3A_558, %dma_wait3A_559] : memref<8x128x64xf32, #tpu.memory_space<vmem>> -> memref<1x128x64xf32, #tpu.memory_space<vmem>>
    %dma_wait3A_561 = tpu.memref_squeeze %dma_wait3A_560 : memref<1x128x64xf32, #tpu.memory_space<vmem>> -> memref<128x64xf32, #tpu.memory_space<vmem>>
    %dma_wait3A_562 = arith.constant 0 : i32
    %dma_wait3A_563 = arith.constant 0 : i32
    %dma_wait3A_564 = tpu.memref_slice %arg4[%dma_wait3A_562, %dma_wait3A_563] : memref<819200x64xf32, #tpu.memory_space<hbm>> -> memref<128x64xf32, #tpu.memory_space<hbm>>
    %dma_wait3A_565 = arith.constant 0 : i32
    %dma_wait3A_566 = arith.constant 0 : i32
    %dma_wait3A_567 = tpu.memref_slice %arg4[%dma_wait3A_565, %dma_wait3A_566] : memref<819200x64xf32, #tpu.memory_space<hbm>> -> memref<128x64xf32, #tpu.memory_space<hbm>>
    %dma_wait3A_568 = arith.constant 0 : i32
    %dma_wait3A_569 = arith.constant 0 : i32
    %dma_wait3A_570 = tpu.memref_slice %arg6[%dma_wait3A_557, %dma_wait3A_568, %dma_wait3A_569] : memref<8x128x64xf32, #tpu.memory_space<vmem>> -> memref<1x128x64xf32, #tpu.memory_space<vmem>>
    %dma_wait3A_571 = tpu.memref_squeeze %dma_wait3A_570 : memref<1x128x64xf32, #tpu.memory_space<vmem>> -> memref<128x64xf32, #tpu.memory_space<vmem>>
    tpu.wait_dma2 semaphore(%arg8 : memref<!tpu.dma_semaphore, #tpu.memory_space<semaphore_mem>>) src(%dma_wait3A_571 : memref<128x64xf32, #tpu.memory_space<vmem>>) dst(%dma_wait3A_567 : memref<128x64xf32, #tpu.memory_space<hbm>>)
    %dma_start3A_572 = arith.constant 197 : i32
    %dma_start3A_573 = arith.constant 5 : i32
    %dma_start3A_574 = arith.constant 0 : i32
    %dma_start3A_575 = arith.constant 0 : i32
    %dma_start3A_576 = tpu.memref_slice %arg6[%dma_start3A_573, %dma_start3A_574, %dma_start3A_575] : memref<8x128x64xf32, #tpu.memory_space<vmem>> -> memref<1x128x64xf32, #tpu.memory_space<vmem>>
    %dma_start3A_577 = tpu.memref_squeeze %dma_start3A_576 : memref<1x128x64xf32, #tpu.memory_space<vmem>> -> memref<128x64xf32, #tpu.memory_space<vmem>>
    %dma_start3A_578 = arith.constant 0 : i32
    %dma_start3A_579 = tpu.memref_slice %arg5[%dma_start3A_572, %dma_start3A_578] : memref<200x128xi32, #tpu.memory_space<vmem>> -> memref<1x128xi32, #tpu.memory_space<vmem>>
    %dma_start3A_580 = tpu.memref_squeeze %dma_start3A_579 : memref<1x128xi32, #tpu.memory_space<vmem>> -> memref<128xi32, #tpu.memory_space<vmem>>
    %dma_start3A_581 = arith.constant 0 : i32
    %dma_start3A_582 = arith.constant 0 : i32
    %dma_start3A_583 = tpu.memref_slice %arg3[%dma_start3A_581, %dma_start3A_582] : memref<1000000x64xf32, #tpu.memory_space<hbm>> -> memref<1000000x64xf32, #tpu.memory_space<hbm>>
    tpu.enqueue_indirect_dma source(%dma_start3A_583 : memref<1000000x64xf32, #tpu.memory_space<hbm>>) target(%dma_start3A_577 : memref<128x64xf32, #tpu.memory_space<vmem>>) offsets(%dma_start3A_580 : memref<128xi32, #tpu.memory_space<vmem>>) semaphore(%arg7 : memref<!tpu.dma_semaphore, #tpu.memory_space<semaphore_mem>>)
    %dma_wait3A_584 = arith.constant 2 : i32
    %dma_wait3A_585 = arith.constant 0 : i32
    %dma_wait3A_586 = arith.constant 0 : i32
    %dma_wait3A_587 = tpu.memref_slice %arg6[%dma_wait3A_584, %dma_wait3A_585, %dma_wait3A_586] : memref<8x128x64xf32, #tpu.memory_space<vmem>> -> memref<1x128x64xf32, #tpu.memory_space<vmem>>
    %dma_wait3A_588 = tpu.memref_squeeze %dma_wait3A_587 : memref<1x128x64xf32, #tpu.memory_space<vmem>> -> memref<128x64xf32, #tpu.memory_space<vmem>>
    %dma_wait3A_589 = arith.constant 0 : i32
    %dma_wait3A_590 = arith.constant 0 : i32
    %dma_wait3A_591 = tpu.memref_slice %arg3[%dma_wait3A_589, %dma_wait3A_590] : memref<1000000x64xf32, #tpu.memory_space<hbm>> -> memref<128x64xf32, #tpu.memory_space<hbm>>
    %dma_wait3A_592 = arith.constant 0 : i32
    %dma_wait3A_593 = arith.constant 0 : i32
    %dma_wait3A_594 = tpu.memref_slice %arg6[%dma_wait3A_584, %dma_wait3A_592, %dma_wait3A_593] : memref<8x128x64xf32, #tpu.memory_space<vmem>> -> memref<1x128x64xf32, #tpu.memory_space<vmem>>
    %dma_wait3A_595 = tpu.memref_squeeze %dma_wait3A_594 : memref<1x128x64xf32, #tpu.memory_space<vmem>> -> memref<128x64xf32, #tpu.memory_space<vmem>>
    %dma_wait3A_596 = arith.constant 0 : i32
    %dma_wait3A_597 = arith.constant 0 : i32
    %dma_wait3A_598 = tpu.memref_slice %arg3[%dma_wait3A_596, %dma_wait3A_597] : memref<1000000x64xf32, #tpu.memory_space<hbm>> -> memref<128x64xf32, #tpu.memory_space<hbm>>
    tpu.wait_dma2 semaphore(%arg7 : memref<!tpu.dma_semaphore, #tpu.memory_space<semaphore_mem>>) src(%dma_wait3A_598 : memref<128x64xf32, #tpu.memory_space<hbm>>) dst(%dma_wait3A_595 : memref<128x64xf32, #tpu.memory_space<vmem>>)
    %add3A_599 = arith.constant 194 : i32
    %add3A_600 = arith.addi %mul3A_2, %add3A_599 : i32
    %mul3A_601 = arith.constant 128 : i32
    %mul3A_602 = arith.muli %add3A_600, %mul3A_601 : i32
    %dma_start3A_603 = arith.constant 2 : i32
    %dma_start3A_604 = arith.constant 0 : i32
    %dma_start3A_605 = arith.constant 0 : i32
    %dma_start3A_606 = tpu.memref_slice %arg6[%dma_start3A_603, %dma_start3A_604, %dma_start3A_605] : memref<8x128x64xf32, #tpu.memory_space<vmem>> -> memref<1x128x64xf32, #tpu.memory_space<vmem>>
    %dma_start3A_607 = tpu.memref_squeeze %dma_start3A_606 : memref<1x128x64xf32, #tpu.memory_space<vmem>> -> memref<128x64xf32, #tpu.memory_space<vmem>>
    %dma_start3A_608 = arith.constant 0 : i32
    %dma_start3A_609 = tpu.memref_slice %arg4[%mul3A_602, %dma_start3A_608] : memref<819200x64xf32, #tpu.memory_space<hbm>> -> memref<128x64xf32, #tpu.memory_space<hbm>>
    %dma_start3A_610 = arith.constant 0 : i32
    %dma_start3A_611 = tpu.memref_slice %arg4[%mul3A_602, %dma_start3A_610] : memref<819200x64xf32, #tpu.memory_space<hbm>> -> memref<128x64xf32, #tpu.memory_space<hbm>>
    %dma_start3A_612 = arith.constant 0 : i32
    %dma_start3A_613 = arith.constant 0 : i32
    %dma_start3A_614 = tpu.memref_slice %arg6[%dma_start3A_603, %dma_start3A_612, %dma_start3A_613] : memref<8x128x64xf32, #tpu.memory_space<vmem>> -> memref<1x128x64xf32, #tpu.memory_space<vmem>>
    %dma_start3A_615 = tpu.memref_squeeze %dma_start3A_614 : memref<1x128x64xf32, #tpu.memory_space<vmem>> -> memref<128x64xf32, #tpu.memory_space<vmem>>
    tpu.enqueue_dma source(%dma_start3A_615 : memref<128x64xf32, #tpu.memory_space<vmem>>) target(%dma_start3A_611 : memref<128x64xf32, #tpu.memory_space<hbm>>) target_semaphore(%arg8 : memref<!tpu.dma_semaphore, #tpu.memory_space<semaphore_mem>>)
    %dma_wait3A_616 = arith.constant 6 : i32
    %dma_wait3A_617 = arith.constant 0 : i32
    %dma_wait3A_618 = arith.constant 0 : i32
    %dma_wait3A_619 = tpu.memref_slice %arg6[%dma_wait3A_616, %dma_wait3A_617, %dma_wait3A_618] : memref<8x128x64xf32, #tpu.memory_space<vmem>> -> memref<1x128x64xf32, #tpu.memory_space<vmem>>
    %dma_wait3A_620 = tpu.memref_squeeze %dma_wait3A_619 : memref<1x128x64xf32, #tpu.memory_space<vmem>> -> memref<128x64xf32, #tpu.memory_space<vmem>>
    %dma_wait3A_621 = arith.constant 0 : i32
    %dma_wait3A_622 = arith.constant 0 : i32
    %dma_wait3A_623 = tpu.memref_slice %arg4[%dma_wait3A_621, %dma_wait3A_622] : memref<819200x64xf32, #tpu.memory_space<hbm>> -> memref<128x64xf32, #tpu.memory_space<hbm>>
    %dma_wait3A_624 = arith.constant 0 : i32
    %dma_wait3A_625 = arith.constant 0 : i32
    %dma_wait3A_626 = tpu.memref_slice %arg4[%dma_wait3A_624, %dma_wait3A_625] : memref<819200x64xf32, #tpu.memory_space<hbm>> -> memref<128x64xf32, #tpu.memory_space<hbm>>
    %dma_wait3A_627 = arith.constant 0 : i32
    %dma_wait3A_628 = arith.constant 0 : i32
    %dma_wait3A_629 = tpu.memref_slice %arg6[%dma_wait3A_616, %dma_wait3A_627, %dma_wait3A_628] : memref<8x128x64xf32, #tpu.memory_space<vmem>> -> memref<1x128x64xf32, #tpu.memory_space<vmem>>
    %dma_wait3A_630 = tpu.memref_squeeze %dma_wait3A_629 : memref<1x128x64xf32, #tpu.memory_space<vmem>> -> memref<128x64xf32, #tpu.memory_space<vmem>>
    tpu.wait_dma2 semaphore(%arg8 : memref<!tpu.dma_semaphore, #tpu.memory_space<semaphore_mem>>) src(%dma_wait3A_630 : memref<128x64xf32, #tpu.memory_space<vmem>>) dst(%dma_wait3A_626 : memref<128x64xf32, #tpu.memory_space<hbm>>)
    %dma_start3A_631 = arith.constant 198 : i32
    %dma_start3A_632 = arith.constant 6 : i32
    %dma_start3A_633 = arith.constant 0 : i32
    %dma_start3A_634 = arith.constant 0 : i32
    %dma_start3A_635 = tpu.memref_slice %arg6[%dma_start3A_632, %dma_start3A_633, %dma_start3A_634] : memref<8x128x64xf32, #tpu.memory_space<vmem>> -> memref<1x128x64xf32, #tpu.memory_space<vmem>>
    %dma_start3A_636 = tpu.memref_squeeze %dma_start3A_635 : memref<1x128x64xf32, #tpu.memory_space<vmem>> -> memref<128x64xf32, #tpu.memory_space<vmem>>
    %dma_start3A_637 = arith.constant 0 : i32
    %dma_start3A_638 = tpu.memref_slice %arg5[%dma_start3A_631, %dma_start3A_637] : memref<200x128xi32, #tpu.memory_space<vmem>> -> memref<1x128xi32, #tpu.memory_space<vmem>>
    %dma_start3A_639 = tpu.memref_squeeze %dma_start3A_638 : memref<1x128xi32, #tpu.memory_space<vmem>> -> memref<128xi32, #tpu.memory_space<vmem>>
    %dma_start3A_640 = arith.constant 0 : i32
    %dma_start3A_641 = arith.constant 0 : i32
    %dma_start3A_642 = tpu.memref_slice %arg3[%dma_start3A_640, %dma_start3A_641] : memref<1000000x64xf32, #tpu.memory_space<hbm>> -> memref<1000000x64xf32, #tpu.memory_space<hbm>>
    tpu.enqueue_indirect_dma source(%dma_start3A_642 : memref<1000000x64xf32, #tpu.memory_space<hbm>>) target(%dma_start3A_636 : memref<128x64xf32, #tpu.memory_space<vmem>>) offsets(%dma_start3A_639 : memref<128xi32, #tpu.memory_space<vmem>>) semaphore(%arg7 : memref<!tpu.dma_semaphore, #tpu.memory_space<semaphore_mem>>)
    %dma_wait3A_643 = arith.constant 3 : i32
    %dma_wait3A_644 = arith.constant 0 : i32
    %dma_wait3A_645 = arith.constant 0 : i32
    %dma_wait3A_646 = tpu.memref_slice %arg6[%dma_wait3A_643, %dma_wait3A_644, %dma_wait3A_645] : memref<8x128x64xf32, #tpu.memory_space<vmem>> -> memref<1x128x64xf32, #tpu.memory_space<vmem>>
    %dma_wait3A_647 = tpu.memref_squeeze %dma_wait3A_646 : memref<1x128x64xf32, #tpu.memory_space<vmem>> -> memref<128x64xf32, #tpu.memory_space<vmem>>
    %dma_wait3A_648 = arith.constant 0 : i32
    %dma_wait3A_649 = arith.constant 0 : i32
    %dma_wait3A_650 = tpu.memref_slice %arg3[%dma_wait3A_648, %dma_wait3A_649] : memref<1000000x64xf32, #tpu.memory_space<hbm>> -> memref<128x64xf32, #tpu.memory_space<hbm>>
    %dma_wait3A_651 = arith.constant 0 : i32
    %dma_wait3A_652 = arith.constant 0 : i32
    %dma_wait3A_653 = tpu.memref_slice %arg6[%dma_wait3A_643, %dma_wait3A_651, %dma_wait3A_652] : memref<8x128x64xf32, #tpu.memory_space<vmem>> -> memref<1x128x64xf32, #tpu.memory_space<vmem>>
    %dma_wait3A_654 = tpu.memref_squeeze %dma_wait3A_653 : memref<1x128x64xf32, #tpu.memory_space<vmem>> -> memref<128x64xf32, #tpu.memory_space<vmem>>
    %dma_wait3A_655 = arith.constant 0 : i32
    %dma_wait3A_656 = arith.constant 0 : i32
    %dma_wait3A_657 = tpu.memref_slice %arg3[%dma_wait3A_655, %dma_wait3A_656] : memref<1000000x64xf32, #tpu.memory_space<hbm>> -> memref<128x64xf32, #tpu.memory_space<hbm>>
    tpu.wait_dma2 semaphore(%arg7 : memref<!tpu.dma_semaphore, #tpu.memory_space<semaphore_mem>>) src(%dma_wait3A_657 : memref<128x64xf32, #tpu.memory_space<hbm>>) dst(%dma_wait3A_654 : memref<128x64xf32, #tpu.memory_space<vmem>>)
    %add3A_658 = arith.constant 195 : i32
    %add3A_659 = arith.addi %mul3A_2, %add3A_658 : i32
    %mul3A_660 = arith.constant 128 : i32
    %mul3A_661 = arith.muli %add3A_659, %mul3A_660 : i32
    %dma_start3A_662 = arith.constant 3 : i32
    %dma_start3A_663 = arith.constant 0 : i32
    %dma_start3A_664 = arith.constant 0 : i32
    %dma_start3A_665 = tpu.memref_slice %arg6[%dma_start3A_662, %dma_start3A_663, %dma_start3A_664] : memref<8x128x64xf32, #tpu.memory_space<vmem>> -> memref<1x128x64xf32, #tpu.memory_space<vmem>>
    %dma_start3A_666 = tpu.memref_squeeze %dma_start3A_665 : memref<1x128x64xf32, #tpu.memory_space<vmem>> -> memref<128x64xf32, #tpu.memory_space<vmem>>
    %dma_start3A_667 = arith.constant 0 : i32
    %dma_start3A_668 = tpu.memref_slice %arg4[%mul3A_661, %dma_start3A_667] : memref<819200x64xf32, #tpu.memory_space<hbm>> -> memref<128x64xf32, #tpu.memory_space<hbm>>
    %dma_start3A_669 = arith.constant 0 : i32
    %dma_start3A_670 = tpu.memref_slice %arg4[%mul3A_661, %dma_start3A_669] : memref<819200x64xf32, #tpu.memory_space<hbm>> -> memref<128x64xf32, #tpu.memory_space<hbm>>
    %dma_start3A_671 = arith.constant 0 : i32
    %dma_start3A_672 = arith.constant 0 : i32
    %dma_start3A_673 = tpu.memref_slice %arg6[%dma_start3A_662, %dma_start3A_671, %dma_start3A_672] : memref<8x128x64xf32, #tpu.memory_space<vmem>> -> memref<1x128x64xf32, #tpu.memory_space<vmem>>
    %dma_start3A_674 = tpu.memref_squeeze %dma_start3A_673 : memref<1x128x64xf32, #tpu.memory_space<vmem>> -> memref<128x64xf32, #tpu.memory_space<vmem>>
    tpu.enqueue_dma source(%dma_start3A_674 : memref<128x64xf32, #tpu.memory_space<vmem>>) target(%dma_start3A_670 : memref<128x64xf32, #tpu.memory_space<hbm>>) target_semaphore(%arg8 : memref<!tpu.dma_semaphore, #tpu.memory_space<semaphore_mem>>)
    %dma_wait3A_675 = arith.constant 7 : i32
    %dma_wait3A_676 = arith.constant 0 : i32
    %dma_wait3A_677 = arith.constant 0 : i32
    %dma_wait3A_678 = tpu.memref_slice %arg6[%dma_wait3A_675, %dma_wait3A_676, %dma_wait3A_677] : memref<8x128x64xf32, #tpu.memory_space<vmem>> -> memref<1x128x64xf32, #tpu.memory_space<vmem>>
    %dma_wait3A_679 = tpu.memref_squeeze %dma_wait3A_678 : memref<1x128x64xf32, #tpu.memory_space<vmem>> -> memref<128x64xf32, #tpu.memory_space<vmem>>
    %dma_wait3A_680 = arith.constant 0 : i32
    %dma_wait3A_681 = arith.constant 0 : i32
    %dma_wait3A_682 = tpu.memref_slice %arg4[%dma_wait3A_680, %dma_wait3A_681] : memref<819200x64xf32, #tpu.memory_space<hbm>> -> memref<128x64xf32, #tpu.memory_space<hbm>>
    %dma_wait3A_683 = arith.constant 0 : i32
    %dma_wait3A_684 = arith.constant 0 : i32
    %dma_wait3A_685 = tpu.memref_slice %arg4[%dma_wait3A_683, %dma_wait3A_684] : memref<819200x64xf32, #tpu.memory_space<hbm>> -> memref<128x64xf32, #tpu.memory_space<hbm>>
    %dma_wait3A_686 = arith.constant 0 : i32
    %dma_wait3A_687 = arith.constant 0 : i32
    %dma_wait3A_688 = tpu.memref_slice %arg6[%dma_wait3A_675, %dma_wait3A_686, %dma_wait3A_687] : memref<8x128x64xf32, #tpu.memory_space<vmem>> -> memref<1x128x64xf32, #tpu.memory_space<vmem>>
    %dma_wait3A_689 = tpu.memref_squeeze %dma_wait3A_688 : memref<1x128x64xf32, #tpu.memory_space<vmem>> -> memref<128x64xf32, #tpu.memory_space<vmem>>
    tpu.wait_dma2 semaphore(%arg8 : memref<!tpu.dma_semaphore, #tpu.memory_space<semaphore_mem>>) src(%dma_wait3A_689 : memref<128x64xf32, #tpu.memory_space<vmem>>) dst(%dma_wait3A_685 : memref<128x64xf32, #tpu.memory_space<hbm>>)
    %dma_start3A_690 = arith.constant 199 : i32
    %dma_start3A_691 = arith.constant 7 : i32
    %dma_start3A_692 = arith.constant 0 : i32
    %dma_start3A_693 = arith.constant 0 : i32
    %dma_start3A_694 = tpu.memref_slice %arg6[%dma_start3A_691, %dma_start3A_692, %dma_start3A_693] : memref<8x128x64xf32, #tpu.memory_space<vmem>> -> memref<1x128x64xf32, #tpu.memory_space<vmem>>
    %dma_start3A_695 = tpu.memref_squeeze %dma_start3A_694 : memref<1x128x64xf32, #tpu.memory_space<vmem>> -> memref<128x64xf32, #tpu.memory_space<vmem>>
    %dma_start3A_696 = arith.constant 0 : i32
    %dma_start3A_697 = tpu.memref_slice %arg5[%dma_start3A_690, %dma_start3A_696] : memref<200x128xi32, #tpu.memory_space<vmem>> -> memref<1x128xi32, #tpu.memory_space<vmem>>
    %dma_start3A_698 = tpu.memref_squeeze %dma_start3A_697 : memref<1x128xi32, #tpu.memory_space<vmem>> -> memref<128xi32, #tpu.memory_space<vmem>>
    %dma_start3A_699 = arith.constant 0 : i32
    %dma_start3A_700 = arith.constant 0 : i32
    %dma_start3A_701 = tpu.memref_slice %arg3[%dma_start3A_699, %dma_start3A_700] : memref<1000000x64xf32, #tpu.memory_space<hbm>> -> memref<1000000x64xf32, #tpu.memory_space<hbm>>
    tpu.enqueue_indirect_dma source(%dma_start3A_701 : memref<1000000x64xf32, #tpu.memory_space<hbm>>) target(%dma_start3A_695 : memref<128x64xf32, #tpu.memory_space<vmem>>) offsets(%dma_start3A_698 : memref<128xi32, #tpu.memory_space<vmem>>) semaphore(%arg7 : memref<!tpu.dma_semaphore, #tpu.memory_space<semaphore_mem>>)
    %dma_wait3A_702 = arith.constant 4 : i32
    %dma_wait3A_703 = arith.constant 0 : i32
    %dma_wait3A_704 = arith.constant 0 : i32
    %dma_wait3A_705 = tpu.memref_slice %arg6[%dma_wait3A_702, %dma_wait3A_703, %dma_wait3A_704] : memref<8x128x64xf32, #tpu.memory_space<vmem>> -> memref<1x128x64xf32, #tpu.memory_space<vmem>>
    %dma_wait3A_706 = tpu.memref_squeeze %dma_wait3A_705 : memref<1x128x64xf32, #tpu.memory_space<vmem>> -> memref<128x64xf32, #tpu.memory_space<vmem>>
    %dma_wait3A_707 = arith.constant 0 : i32
    %dma_wait3A_708 = arith.constant 0 : i32
    %dma_wait3A_709 = tpu.memref_slice %arg3[%dma_wait3A_707, %dma_wait3A_708] : memref<1000000x64xf32, #tpu.memory_space<hbm>> -> memref<128x64xf32, #tpu.memory_space<hbm>>
    %dma_wait3A_710 = arith.constant 0 : i32
    %dma_wait3A_711 = arith.constant 0 : i32
    %dma_wait3A_712 = tpu.memref_slice %arg6[%dma_wait3A_702, %dma_wait3A_710, %dma_wait3A_711] : memref<8x128x64xf32, #tpu.memory_space<vmem>> -> memref<1x128x64xf32, #tpu.memory_space<vmem>>
    %dma_wait3A_713 = tpu.memref_squeeze %dma_wait3A_712 : memref<1x128x64xf32, #tpu.memory_space<vmem>> -> memref<128x64xf32, #tpu.memory_space<vmem>>
    %dma_wait3A_714 = arith.constant 0 : i32
    %dma_wait3A_715 = arith.constant 0 : i32
    %dma_wait3A_716 = tpu.memref_slice %arg3[%dma_wait3A_714, %dma_wait3A_715] : memref<1000000x64xf32, #tpu.memory_space<hbm>> -> memref<128x64xf32, #tpu.memory_space<hbm>>
    tpu.wait_dma2 semaphore(%arg7 : memref<!tpu.dma_semaphore, #tpu.memory_space<semaphore_mem>>) src(%dma_wait3A_716 : memref<128x64xf32, #tpu.memory_space<hbm>>) dst(%dma_wait3A_713 : memref<128x64xf32, #tpu.memory_space<vmem>>)
    %add3A_717 = arith.constant 196 : i32
    %add3A_718 = arith.addi %mul3A_2, %add3A_717 : i32
    %mul3A_719 = arith.constant 128 : i32
    %mul3A_720 = arith.muli %add3A_718, %mul3A_719 : i32
    %dma_start3A_721 = arith.constant 4 : i32
    %dma_start3A_722 = arith.constant 0 : i32
    %dma_start3A_723 = arith.constant 0 : i32
    %dma_start3A_724 = tpu.memref_slice %arg6[%dma_start3A_721, %dma_start3A_722, %dma_start3A_723] : memref<8x128x64xf32, #tpu.memory_space<vmem>> -> memref<1x128x64xf32, #tpu.memory_space<vmem>>
    %dma_start3A_725 = tpu.memref_squeeze %dma_start3A_724 : memref<1x128x64xf32, #tpu.memory_space<vmem>> -> memref<128x64xf32, #tpu.memory_space<vmem>>
    %dma_start3A_726 = arith.constant 0 : i32
    %dma_start3A_727 = tpu.memref_slice %arg4[%mul3A_720, %dma_start3A_726] : memref<819200x64xf32, #tpu.memory_space<hbm>> -> memref<128x64xf32, #tpu.memory_space<hbm>>
    %dma_start3A_728 = arith.constant 0 : i32
    %dma_start3A_729 = tpu.memref_slice %arg4[%mul3A_720, %dma_start3A_728] : memref<819200x64xf32, #tpu.memory_space<hbm>> -> memref<128x64xf32, #tpu.memory_space<hbm>>
    %dma_start3A_730 = arith.constant 0 : i32
    %dma_start3A_731 = arith.constant 0 : i32
    %dma_start3A_732 = tpu.memref_slice %arg6[%dma_start3A_721, %dma_start3A_730, %dma_start3A_731] : memref<8x128x64xf32, #tpu.memory_space<vmem>> -> memref<1x128x64xf32, #tpu.memory_space<vmem>>
    %dma_start3A_733 = tpu.memref_squeeze %dma_start3A_732 : memref<1x128x64xf32, #tpu.memory_space<vmem>> -> memref<128x64xf32, #tpu.memory_space<vmem>>
    tpu.enqueue_dma source(%dma_start3A_733 : memref<128x64xf32, #tpu.memory_space<vmem>>) target(%dma_start3A_729 : memref<128x64xf32, #tpu.memory_space<hbm>>) target_semaphore(%arg8 : memref<!tpu.dma_semaphore, #tpu.memory_space<semaphore_mem>>)
    %dma_wait3A_734 = arith.constant 0 : i32
    %dma_wait3A_735 = arith.constant 0 : i32
    %dma_wait3A_736 = arith.constant 0 : i32
    %dma_wait3A_737 = tpu.memref_slice %arg6[%dma_wait3A_734, %dma_wait3A_735, %dma_wait3A_736] : memref<8x128x64xf32, #tpu.memory_space<vmem>> -> memref<1x128x64xf32, #tpu.memory_space<vmem>>
    %dma_wait3A_738 = tpu.memref_squeeze %dma_wait3A_737 : memref<1x128x64xf32, #tpu.memory_space<vmem>> -> memref<128x64xf32, #tpu.memory_space<vmem>>
    %dma_wait3A_739 = arith.constant 0 : i32
    %dma_wait3A_740 = arith.constant 0 : i32
    %dma_wait3A_741 = tpu.memref_slice %arg4[%dma_wait3A_739, %dma_wait3A_740] : memref<819200x64xf32, #tpu.memory_space<hbm>> -> memref<128x64xf32, #tpu.memory_space<hbm>>
    %dma_wait3A_742 = arith.constant 0 : i32
    %dma_wait3A_743 = arith.constant 0 : i32
    %dma_wait3A_744 = tpu.memref_slice %arg4[%dma_wait3A_742, %dma_wait3A_743] : memref<819200x64xf32, #tpu.memory_space<hbm>> -> memref<128x64xf32, #tpu.memory_space<hbm>>
    %dma_wait3A_745 = arith.constant 0 : i32
    %dma_wait3A_746 = arith.constant 0 : i32
    %dma_wait3A_747 = tpu.memref_slice %arg6[%dma_wait3A_734, %dma_wait3A_745, %dma_wait3A_746] : memref<8x128x64xf32, #tpu.memory_space<vmem>> -> memref<1x128x64xf32, #tpu.memory_space<vmem>>
    %dma_wait3A_748 = tpu.memref_squeeze %dma_wait3A_747 : memref<1x128x64xf32, #tpu.memory_space<vmem>> -> memref<128x64xf32, #tpu.memory_space<vmem>>
    tpu.wait_dma2 semaphore(%arg8 : memref<!tpu.dma_semaphore, #tpu.memory_space<semaphore_mem>>) src(%dma_wait3A_748 : memref<128x64xf32, #tpu.memory_space<vmem>>) dst(%dma_wait3A_744 : memref<128x64xf32, #tpu.memory_space<hbm>>)
    %dma_wait3A_749 = arith.constant 5 : i32
    %dma_wait3A_750 = arith.constant 0 : i32
    %dma_wait3A_751 = arith.constant 0 : i32
    %dma_wait3A_752 = tpu.memref_slice %arg6[%dma_wait3A_749, %dma_wait3A_750, %dma_wait3A_751] : memref<8x128x64xf32, #tpu.memory_space<vmem>> -> memref<1x128x64xf32, #tpu.memory_space<vmem>>
    %dma_wait3A_753 = tpu.memref_squeeze %dma_wait3A_752 : memref<1x128x64xf32, #tpu.memory_space<vmem>> -> memref<128x64xf32, #tpu.memory_space<vmem>>
    %dma_wait3A_754 = arith.constant 0 : i32
    %dma_wait3A_755 = arith.constant 0 : i32
    %dma_wait3A_756 = tpu.memref_slice %arg3[%dma_wait3A_754, %dma_wait3A_755] : memref<1000000x64xf32, #tpu.memory_space<hbm>> -> memref<128x64xf32, #tpu.memory_space<hbm>>
    %dma_wait3A_757 = arith.constant 0 : i32
    %dma_wait3A_758 = arith.constant 0 : i32
    %dma_wait3A_759 = tpu.memref_slice %arg6[%dma_wait3A_749, %dma_wait3A_757, %dma_wait3A_758] : memref<8x128x64xf32, #tpu.memory_space<vmem>> -> memref<1x128x64xf32, #tpu.memory_space<vmem>>
    %dma_wait3A_760 = tpu.memref_squeeze %dma_wait3A_759 : memref<1x128x64xf32, #tpu.memory_space<vmem>> -> memref<128x64xf32, #tpu.memory_space<vmem>>
    %dma_wait3A_761 = arith.constant 0 : i32
    %dma_wait3A_762 = arith.constant 0 : i32
    %dma_wait3A_763 = tpu.memref_slice %arg3[%dma_wait3A_761, %dma_wait3A_762] : memref<1000000x64xf32, #tpu.memory_space<hbm>> -> memref<128x64xf32, #tpu.memory_space<hbm>>
    tpu.wait_dma2 semaphore(%arg7 : memref<!tpu.dma_semaphore, #tpu.memory_space<semaphore_mem>>) src(%dma_wait3A_763 : memref<128x64xf32, #tpu.memory_space<hbm>>) dst(%dma_wait3A_760 : memref<128x64xf32, #tpu.memory_space<vmem>>)
    %add3A_764 = arith.constant 197 : i32
    %add3A_765 = arith.addi %mul3A_2, %add3A_764 : i32
    %mul3A_766 = arith.constant 128 : i32
    %mul3A_767 = arith.muli %add3A_765, %mul3A_766 : i32
    %dma_start3A_768 = arith.constant 5 : i32
    %dma_start3A_769 = arith.constant 0 : i32
    %dma_start3A_770 = arith.constant 0 : i32
    %dma_start3A_771 = tpu.memref_slice %arg6[%dma_start3A_768, %dma_start3A_769, %dma_start3A_770] : memref<8x128x64xf32, #tpu.memory_space<vmem>> -> memref<1x128x64xf32, #tpu.memory_space<vmem>>
    %dma_start3A_772 = tpu.memref_squeeze %dma_start3A_771 : memref<1x128x64xf32, #tpu.memory_space<vmem>> -> memref<128x64xf32, #tpu.memory_space<vmem>>
    %dma_start3A_773 = arith.constant 0 : i32
    %dma_start3A_774 = tpu.memref_slice %arg4[%mul3A_767, %dma_start3A_773] : memref<819200x64xf32, #tpu.memory_space<hbm>> -> memref<128x64xf32, #tpu.memory_space<hbm>>
    %dma_start3A_775 = arith.constant 0 : i32
    %dma_start3A_776 = tpu.memref_slice %arg4[%mul3A_767, %dma_start3A_775] : memref<819200x64xf32, #tpu.memory_space<hbm>> -> memref<128x64xf32, #tpu.memory_space<hbm>>
    %dma_start3A_777 = arith.constant 0 : i32
    %dma_start3A_778 = arith.constant 0 : i32
    %dma_start3A_779 = tpu.memref_slice %arg6[%dma_start3A_768, %dma_start3A_777, %dma_start3A_778] : memref<8x128x64xf32, #tpu.memory_space<vmem>> -> memref<1x128x64xf32, #tpu.memory_space<vmem>>
    %dma_start3A_780 = tpu.memref_squeeze %dma_start3A_779 : memref<1x128x64xf32, #tpu.memory_space<vmem>> -> memref<128x64xf32, #tpu.memory_space<vmem>>
    tpu.enqueue_dma source(%dma_start3A_780 : memref<128x64xf32, #tpu.memory_space<vmem>>) target(%dma_start3A_776 : memref<128x64xf32, #tpu.memory_space<hbm>>) target_semaphore(%arg8 : memref<!tpu.dma_semaphore, #tpu.memory_space<semaphore_mem>>)
    %dma_wait3A_781 = arith.constant 1 : i32
    %dma_wait3A_782 = arith.constant 0 : i32
    %dma_wait3A_783 = arith.constant 0 : i32
    %dma_wait3A_784 = tpu.memref_slice %arg6[%dma_wait3A_781, %dma_wait3A_782, %dma_wait3A_783] : memref<8x128x64xf32, #tpu.memory_space<vmem>> -> memref<1x128x64xf32, #tpu.memory_space<vmem>>
    %dma_wait3A_785 = tpu.memref_squeeze %dma_wait3A_784 : memref<1x128x64xf32, #tpu.memory_space<vmem>> -> memref<128x64xf32, #tpu.memory_space<vmem>>
    %dma_wait3A_786 = arith.constant 0 : i32
    %dma_wait3A_787 = arith.constant 0 : i32
    %dma_wait3A_788 = tpu.memref_slice %arg4[%dma_wait3A_786, %dma_wait3A_787] : memref<819200x64xf32, #tpu.memory_space<hbm>> -> memref<128x64xf32, #tpu.memory_space<hbm>>
    %dma_wait3A_789 = arith.constant 0 : i32
    %dma_wait3A_790 = arith.constant 0 : i32
    %dma_wait3A_791 = tpu.memref_slice %arg4[%dma_wait3A_789, %dma_wait3A_790] : memref<819200x64xf32, #tpu.memory_space<hbm>> -> memref<128x64xf32, #tpu.memory_space<hbm>>
    %dma_wait3A_792 = arith.constant 0 : i32
    %dma_wait3A_793 = arith.constant 0 : i32
    %dma_wait3A_794 = tpu.memref_slice %arg6[%dma_wait3A_781, %dma_wait3A_792, %dma_wait3A_793] : memref<8x128x64xf32, #tpu.memory_space<vmem>> -> memref<1x128x64xf32, #tpu.memory_space<vmem>>
    %dma_wait3A_795 = tpu.memref_squeeze %dma_wait3A_794 : memref<1x128x64xf32, #tpu.memory_space<vmem>> -> memref<128x64xf32, #tpu.memory_space<vmem>>
    tpu.wait_dma2 semaphore(%arg8 : memref<!tpu.dma_semaphore, #tpu.memory_space<semaphore_mem>>) src(%dma_wait3A_795 : memref<128x64xf32, #tpu.memory_space<vmem>>) dst(%dma_wait3A_791 : memref<128x64xf32, #tpu.memory_space<hbm>>)
    %dma_wait3A_796 = arith.constant 6 : i32
    %dma_wait3A_797 = arith.constant 0 : i32
    %dma_wait3A_798 = arith.constant 0 : i32
    %dma_wait3A_799 = tpu.memref_slice %arg6[%dma_wait3A_796, %dma_wait3A_797, %dma_wait3A_798] : memref<8x128x64xf32, #tpu.memory_space<vmem>> -> memref<1x128x64xf32, #tpu.memory_space<vmem>>
    %dma_wait3A_800 = tpu.memref_squeeze %dma_wait3A_799 : memref<1x128x64xf32, #tpu.memory_space<vmem>> -> memref<128x64xf32, #tpu.memory_space<vmem>>
    %dma_wait3A_801 = arith.constant 0 : i32
    %dma_wait3A_802 = arith.constant 0 : i32
    %dma_wait3A_803 = tpu.memref_slice %arg3[%dma_wait3A_801, %dma_wait3A_802] : memref<1000000x64xf32, #tpu.memory_space<hbm>> -> memref<128x64xf32, #tpu.memory_space<hbm>>
    %dma_wait3A_804 = arith.constant 0 : i32
    %dma_wait3A_805 = arith.constant 0 : i32
    %dma_wait3A_806 = tpu.memref_slice %arg6[%dma_wait3A_796, %dma_wait3A_804, %dma_wait3A_805] : memref<8x128x64xf32, #tpu.memory_space<vmem>> -> memref<1x128x64xf32, #tpu.memory_space<vmem>>
    %dma_wait3A_807 = tpu.memref_squeeze %dma_wait3A_806 : memref<1x128x64xf32, #tpu.memory_space<vmem>> -> memref<128x64xf32, #tpu.memory_space<vmem>>
    %dma_wait3A_808 = arith.constant 0 : i32
    %dma_wait3A_809 = arith.constant 0 : i32
    %dma_wait3A_810 = tpu.memref_slice %arg3[%dma_wait3A_808, %dma_wait3A_809] : memref<1000000x64xf32, #tpu.memory_space<hbm>> -> memref<128x64xf32, #tpu.memory_space<hbm>>
    tpu.wait_dma2 semaphore(%arg7 : memref<!tpu.dma_semaphore, #tpu.memory_space<semaphore_mem>>) src(%dma_wait3A_810 : memref<128x64xf32, #tpu.memory_space<hbm>>) dst(%dma_wait3A_807 : memref<128x64xf32, #tpu.memory_space<vmem>>)
    %add3A_811 = arith.constant 198 : i32
    %add3A_812 = arith.addi %mul3A_2, %add3A_811 : i32
    %mul3A_813 = arith.constant 128 : i32
    %mul3A_814 = arith.muli %add3A_812, %mul3A_813 : i32
    %dma_start3A_815 = arith.constant 6 : i32
    %dma_start3A_816 = arith.constant 0 : i32
    %dma_start3A_817 = arith.constant 0 : i32
    %dma_start3A_818 = tpu.memref_slice %arg6[%dma_start3A_815, %dma_start3A_816, %dma_start3A_817] : memref<8x128x64xf32, #tpu.memory_space<vmem>> -> memref<1x128x64xf32, #tpu.memory_space<vmem>>
    %dma_start3A_819 = tpu.memref_squeeze %dma_start3A_818 : memref<1x128x64xf32, #tpu.memory_space<vmem>> -> memref<128x64xf32, #tpu.memory_space<vmem>>
    %dma_start3A_820 = arith.constant 0 : i32
    %dma_start3A_821 = tpu.memref_slice %arg4[%mul3A_814, %dma_start3A_820] : memref<819200x64xf32, #tpu.memory_space<hbm>> -> memref<128x64xf32, #tpu.memory_space<hbm>>
    %dma_start3A_822 = arith.constant 0 : i32
    %dma_start3A_823 = tpu.memref_slice %arg4[%mul3A_814, %dma_start3A_822] : memref<819200x64xf32, #tpu.memory_space<hbm>> -> memref<128x64xf32, #tpu.memory_space<hbm>>
    %dma_start3A_824 = arith.constant 0 : i32
    %dma_start3A_825 = arith.constant 0 : i32
    %dma_start3A_826 = tpu.memref_slice %arg6[%dma_start3A_815, %dma_start3A_824, %dma_start3A_825] : memref<8x128x64xf32, #tpu.memory_space<vmem>> -> memref<1x128x64xf32, #tpu.memory_space<vmem>>
    %dma_start3A_827 = tpu.memref_squeeze %dma_start3A_826 : memref<1x128x64xf32, #tpu.memory_space<vmem>> -> memref<128x64xf32, #tpu.memory_space<vmem>>
    tpu.enqueue_dma source(%dma_start3A_827 : memref<128x64xf32, #tpu.memory_space<vmem>>) target(%dma_start3A_823 : memref<128x64xf32, #tpu.memory_space<hbm>>) target_semaphore(%arg8 : memref<!tpu.dma_semaphore, #tpu.memory_space<semaphore_mem>>)
    %dma_wait3A_828 = arith.constant 2 : i32
    %dma_wait3A_829 = arith.constant 0 : i32
    %dma_wait3A_830 = arith.constant 0 : i32
    %dma_wait3A_831 = tpu.memref_slice %arg6[%dma_wait3A_828, %dma_wait3A_829, %dma_wait3A_830] : memref<8x128x64xf32, #tpu.memory_space<vmem>> -> memref<1x128x64xf32, #tpu.memory_space<vmem>>
    %dma_wait3A_832 = tpu.memref_squeeze %dma_wait3A_831 : memref<1x128x64xf32, #tpu.memory_space<vmem>> -> memref<128x64xf32, #tpu.memory_space<vmem>>
    %dma_wait3A_833 = arith.constant 0 : i32
    %dma_wait3A_834 = arith.constant 0 : i32
    %dma_wait3A_835 = tpu.memref_slice %arg4[%dma_wait3A_833, %dma_wait3A_834] : memref<819200x64xf32, #tpu.memory_space<hbm>> -> memref<128x64xf32, #tpu.memory_space<hbm>>
    %dma_wait3A_836 = arith.constant 0 : i32
    %dma_wait3A_837 = arith.constant 0 : i32
    %dma_wait3A_838 = tpu.memref_slice %arg4[%dma_wait3A_836, %dma_wait3A_837] : memref<819200x64xf32, #tpu.memory_space<hbm>> -> memref<128x64xf32, #tpu.memory_space<hbm>>
    %dma_wait3A_839 = arith.constant 0 : i32
    %dma_wait3A_840 = arith.constant 0 : i32
    %dma_wait3A_841 = tpu.memref_slice %arg6[%dma_wait3A_828, %dma_wait3A_839, %dma_wait3A_840] : memref<8x128x64xf32, #tpu.memory_space<vmem>> -> memref<1x128x64xf32, #tpu.memory_space<vmem>>
    %dma_wait3A_842 = tpu.memref_squeeze %dma_wait3A_841 : memref<1x128x64xf32, #tpu.memory_space<vmem>> -> memref<128x64xf32, #tpu.memory_space<vmem>>
    tpu.wait_dma2 semaphore(%arg8 : memref<!tpu.dma_semaphore, #tpu.memory_space<semaphore_mem>>) src(%dma_wait3A_842 : memref<128x64xf32, #tpu.memory_space<vmem>>) dst(%dma_wait3A_838 : memref<128x64xf32, #tpu.memory_space<hbm>>)
    %dma_wait3A_843 = arith.constant 7 : i32
    %dma_wait3A_844 = arith.constant 0 : i32
    %dma_wait3A_845 = arith.constant 0 : i32
    %dma_wait3A_846 = tpu.memref_slice %arg6[%dma_wait3A_843, %dma_wait3A_844, %dma_wait3A_845] : memref<8x128x64xf32, #tpu.memory_space<vmem>> -> memref<1x128x64xf32, #tpu.memory_space<vmem>>
    %dma_wait3A_847 = tpu.memref_squeeze %dma_wait3A_846 : memref<1x128x64xf32, #tpu.memory_space<vmem>> -> memref<128x64xf32, #tpu.memory_space<vmem>>
    %dma_wait3A_848 = arith.constant 0 : i32
    %dma_wait3A_849 = arith.constant 0 : i32
    %dma_wait3A_850 = tpu.memref_slice %arg3[%dma_wait3A_848, %dma_wait3A_849] : memref<1000000x64xf32, #tpu.memory_space<hbm>> -> memref<128x64xf32, #tpu.memory_space<hbm>>
    %dma_wait3A_851 = arith.constant 0 : i32
    %dma_wait3A_852 = arith.constant 0 : i32
    %dma_wait3A_853 = tpu.memref_slice %arg6[%dma_wait3A_843, %dma_wait3A_851, %dma_wait3A_852] : memref<8x128x64xf32, #tpu.memory_space<vmem>> -> memref<1x128x64xf32, #tpu.memory_space<vmem>>
    %dma_wait3A_854 = tpu.memref_squeeze %dma_wait3A_853 : memref<1x128x64xf32, #tpu.memory_space<vmem>> -> memref<128x64xf32, #tpu.memory_space<vmem>>
    %dma_wait3A_855 = arith.constant 0 : i32
    %dma_wait3A_856 = arith.constant 0 : i32
    %dma_wait3A_857 = tpu.memref_slice %arg3[%dma_wait3A_855, %dma_wait3A_856] : memref<1000000x64xf32, #tpu.memory_space<hbm>> -> memref<128x64xf32, #tpu.memory_space<hbm>>
    tpu.wait_dma2 semaphore(%arg7 : memref<!tpu.dma_semaphore, #tpu.memory_space<semaphore_mem>>) src(%dma_wait3A_857 : memref<128x64xf32, #tpu.memory_space<hbm>>) dst(%dma_wait3A_854 : memref<128x64xf32, #tpu.memory_space<vmem>>)
    %add3A_858 = arith.constant 199 : i32
    %add3A_859 = arith.addi %mul3A_2, %add3A_858 : i32
    %mul3A_860 = arith.constant 128 : i32
    %mul3A_861 = arith.muli %add3A_859, %mul3A_860 : i32
    %dma_start3A_862 = arith.constant 7 : i32
    %dma_start3A_863 = arith.constant 0 : i32
    %dma_start3A_864 = arith.constant 0 : i32
    %dma_start3A_865 = tpu.memref_slice %arg6[%dma_start3A_862, %dma_start3A_863, %dma_start3A_864] : memref<8x128x64xf32, #tpu.memory_space<vmem>> -> memref<1x128x64xf32, #tpu.memory_space<vmem>>
    %dma_start3A_866 = tpu.memref_squeeze %dma_start3A_865 : memref<1x128x64xf32, #tpu.memory_space<vmem>> -> memref<128x64xf32, #tpu.memory_space<vmem>>
    %dma_start3A_867 = arith.constant 0 : i32
    %dma_start3A_868 = tpu.memref_slice %arg4[%mul3A_861, %dma_start3A_867] : memref<819200x64xf32, #tpu.memory_space<hbm>> -> memref<128x64xf32, #tpu.memory_space<hbm>>
    %dma_start3A_869 = arith.constant 0 : i32
    %dma_start3A_870 = tpu.memref_slice %arg4[%mul3A_861, %dma_start3A_869] : memref<819200x64xf32, #tpu.memory_space<hbm>> -> memref<128x64xf32, #tpu.memory_space<hbm>>
    %dma_start3A_871 = arith.constant 0 : i32
    %dma_start3A_872 = arith.constant 0 : i32
    %dma_start3A_873 = tpu.memref_slice %arg6[%dma_start3A_862, %dma_start3A_871, %dma_start3A_872] : memref<8x128x64xf32, #tpu.memory_space<vmem>> -> memref<1x128x64xf32, #tpu.memory_space<vmem>>
    %dma_start3A_874 = tpu.memref_squeeze %dma_start3A_873 : memref<1x128x64xf32, #tpu.memory_space<vmem>> -> memref<128x64xf32, #tpu.memory_space<vmem>>
    tpu.enqueue_dma source(%dma_start3A_874 : memref<128x64xf32, #tpu.memory_space<vmem>>) target(%dma_start3A_870 : memref<128x64xf32, #tpu.memory_space<hbm>>) target_semaphore(%arg8 : memref<!tpu.dma_semaphore, #tpu.memory_space<semaphore_mem>>)
    %dma_wait3A_875 = arith.constant 3 : i32
    %dma_wait3A_876 = arith.constant 0 : i32
    %dma_wait3A_877 = arith.constant 0 : i32
    %dma_wait3A_878 = tpu.memref_slice %arg6[%dma_wait3A_875, %dma_wait3A_876, %dma_wait3A_877] : memref<8x128x64xf32, #tpu.memory_space<vmem>> -> memref<1x128x64xf32, #tpu.memory_space<vmem>>
    %dma_wait3A_879 = tpu.memref_squeeze %dma_wait3A_878 : memref<1x128x64xf32, #tpu.memory_space<vmem>> -> memref<128x64xf32, #tpu.memory_space<vmem>>
    %dma_wait3A_880 = arith.constant 0 : i32
    %dma_wait3A_881 = arith.constant 0 : i32
    %dma_wait3A_882 = tpu.memref_slice %arg4[%dma_wait3A_880, %dma_wait3A_881] : memref<819200x64xf32, #tpu.memory_space<hbm>> -> memref<128x64xf32, #tpu.memory_space<hbm>>
    %dma_wait3A_883 = arith.constant 0 : i32
    %dma_wait3A_884 = arith.constant 0 : i32
    %dma_wait3A_885 = tpu.memref_slice %arg4[%dma_wait3A_883, %dma_wait3A_884] : memref<819200x64xf32, #tpu.memory_space<hbm>> -> memref<128x64xf32, #tpu.memory_space<hbm>>
    %dma_wait3A_886 = arith.constant 0 : i32
    %dma_wait3A_887 = arith.constant 0 : i32
    %dma_wait3A_888 = tpu.memref_slice %arg6[%dma_wait3A_875, %dma_wait3A_886, %dma_wait3A_887] : memref<8x128x64xf32, #tpu.memory_space<vmem>> -> memref<1x128x64xf32, #tpu.memory_space<vmem>>
    %dma_wait3A_889 = tpu.memref_squeeze %dma_wait3A_888 : memref<1x128x64xf32, #tpu.memory_space<vmem>> -> memref<128x64xf32, #tpu.memory_space<vmem>>
    tpu.wait_dma2 semaphore(%arg8 : memref<!tpu.dma_semaphore, #tpu.memory_space<semaphore_mem>>) src(%dma_wait3A_889 : memref<128x64xf32, #tpu.memory_space<vmem>>) dst(%dma_wait3A_885 : memref<128x64xf32, #tpu.memory_space<hbm>>)
    %dma_wait3A_890 = arith.constant 0 : i32
    %dma_wait3A_891 = arith.constant 0 : i32
    %dma_wait3A_892 = arith.constant 0 : i32
    %dma_wait3A_893 = tpu.memref_slice %arg6[%dma_wait3A_890, %dma_wait3A_891, %dma_wait3A_892] : memref<8x128x64xf32, #tpu.memory_space<vmem>> -> memref<1x128x64xf32, #tpu.memory_space<vmem>>
    %dma_wait3A_894 = tpu.memref_squeeze %dma_wait3A_893 : memref<1x128x64xf32, #tpu.memory_space<vmem>> -> memref<128x64xf32, #tpu.memory_space<vmem>>
    %dma_wait3A_895 = arith.constant 0 : i32
    %dma_wait3A_896 = arith.constant 0 : i32
    %dma_wait3A_897 = tpu.memref_slice %arg4[%dma_wait3A_895, %dma_wait3A_896] : memref<819200x64xf32, #tpu.memory_space<hbm>> -> memref<128x64xf32, #tpu.memory_space<hbm>>
    %dma_wait3A_898 = arith.constant 0 : i32
    %dma_wait3A_899 = arith.constant 0 : i32
    %dma_wait3A_900 = tpu.memref_slice %arg4[%dma_wait3A_898, %dma_wait3A_899] : memref<819200x64xf32, #tpu.memory_space<hbm>> -> memref<128x64xf32, #tpu.memory_space<hbm>>
    %dma_wait3A_901 = arith.constant 0 : i32
    %dma_wait3A_902 = arith.constant 0 : i32
    %dma_wait3A_903 = tpu.memref_slice %arg6[%dma_wait3A_890, %dma_wait3A_901, %dma_wait3A_902] : memref<8x128x64xf32, #tpu.memory_space<vmem>> -> memref<1x128x64xf32, #tpu.memory_space<vmem>>
    %dma_wait3A_904 = tpu.memref_squeeze %dma_wait3A_903 : memref<1x128x64xf32, #tpu.memory_space<vmem>> -> memref<128x64xf32, #tpu.memory_space<vmem>>
    tpu.wait_dma2 semaphore(%arg8 : memref<!tpu.dma_semaphore, #tpu.memory_space<semaphore_mem>>) src(%dma_wait3A_904 : memref<128x64xf32, #tpu.memory_space<vmem>>) dst(%dma_wait3A_900 : memref<128x64xf32, #tpu.memory_space<hbm>>)
    %dma_wait3A_905 = arith.constant 1 : i32
    %dma_wait3A_906 = arith.constant 0 : i32
    %dma_wait3A_907 = arith.constant 0 : i32
    %dma_wait3A_908 = tpu.memref_slice %arg6[%dma_wait3A_905, %dma_wait3A_906, %dma_wait3A_907] : memref<8x128x64xf32, #tpu.memory_space<vmem>> -> memref<1x128x64xf32, #tpu.memory_space<vmem>>
    %dma_wait3A_909 = tpu.memref_squeeze %dma_wait3A_908 : memref<1x128x64xf32, #tpu.memory_space<vmem>> -> memref<128x64xf32, #tpu.memory_space<vmem>>
    %dma_wait3A_910 = arith.constant 0 : i32
    %dma_wait3A_911 = arith.constant 0 : i32
    %dma_wait3A_912 = tpu.memref_slice %arg4[%dma_wait3A_910, %dma_wait3A_911] : memref<819200x64xf32, #tpu.memory_space<hbm>> -> memref<128x64xf32, #tpu.memory_space<hbm>>
    %dma_wait3A_913 = arith.constant 0 : i32
    %dma_wait3A_914 = arith.constant 0 : i32
    %dma_wait3A_915 = tpu.memref_slice %arg4[%dma_wait3A_913, %dma_wait3A_914] : memref<819200x64xf32, #tpu.memory_space<hbm>> -> memref<128x64xf32, #tpu.memory_space<hbm>>
    %dma_wait3A_916 = arith.constant 0 : i32
    %dma_wait3A_917 = arith.constant 0 : i32
    %dma_wait3A_918 = tpu.memref_slice %arg6[%dma_wait3A_905, %dma_wait3A_916, %dma_wait3A_917] : memref<8x128x64xf32, #tpu.memory_space<vmem>> -> memref<1x128x64xf32, #tpu.memory_space<vmem>>
    %dma_wait3A_919 = tpu.memref_squeeze %dma_wait3A_918 : memref<1x128x64xf32, #tpu.memory_space<vmem>> -> memref<128x64xf32, #tpu.memory_space<vmem>>
    tpu.wait_dma2 semaphore(%arg8 : memref<!tpu.dma_semaphore, #tpu.memory_space<semaphore_mem>>) src(%dma_wait3A_919 : memref<128x64xf32, #tpu.memory_space<vmem>>) dst(%dma_wait3A_915 : memref<128x64xf32, #tpu.memory_space<hbm>>)
    %dma_wait3A_920 = arith.constant 2 : i32
    %dma_wait3A_921 = arith.constant 0 : i32
    %dma_wait3A_922 = arith.constant 0 : i32
    %dma_wait3A_923 = tpu.memref_slice %arg6[%dma_wait3A_920, %dma_wait3A_921, %dma_wait3A_922] : memref<8x128x64xf32, #tpu.memory_space<vmem>> -> memref<1x128x64xf32, #tpu.memory_space<vmem>>
    %dma_wait3A_924 = tpu.memref_squeeze %dma_wait3A_923 : memref<1x128x64xf32, #tpu.memory_space<vmem>> -> memref<128x64xf32, #tpu.memory_space<vmem>>
    %dma_wait3A_925 = arith.constant 0 : i32
    %dma_wait3A_926 = arith.constant 0 : i32
    %dma_wait3A_927 = tpu.memref_slice %arg4[%dma_wait3A_925, %dma_wait3A_926] : memref<819200x64xf32, #tpu.memory_space<hbm>> -> memref<128x64xf32, #tpu.memory_space<hbm>>
    %dma_wait3A_928 = arith.constant 0 : i32
    %dma_wait3A_929 = arith.constant 0 : i32
    %dma_wait3A_930 = tpu.memref_slice %arg4[%dma_wait3A_928, %dma_wait3A_929] : memref<819200x64xf32, #tpu.memory_space<hbm>> -> memref<128x64xf32, #tpu.memory_space<hbm>>
    %dma_wait3A_931 = arith.constant 0 : i32
    %dma_wait3A_932 = arith.constant 0 : i32
    %dma_wait3A_933 = tpu.memref_slice %arg6[%dma_wait3A_920, %dma_wait3A_931, %dma_wait3A_932] : memref<8x128x64xf32, #tpu.memory_space<vmem>> -> memref<1x128x64xf32, #tpu.memory_space<vmem>>
    %dma_wait3A_934 = tpu.memref_squeeze %dma_wait3A_933 : memref<1x128x64xf32, #tpu.memory_space<vmem>> -> memref<128x64xf32, #tpu.memory_space<vmem>>
    tpu.wait_dma2 semaphore(%arg8 : memref<!tpu.dma_semaphore, #tpu.memory_space<semaphore_mem>>) src(%dma_wait3A_934 : memref<128x64xf32, #tpu.memory_space<vmem>>) dst(%dma_wait3A_930 : memref<128x64xf32, #tpu.memory_space<hbm>>)
    %dma_wait3A_935 = arith.constant 3 : i32
    %dma_wait3A_936 = arith.constant 0 : i32
    %dma_wait3A_937 = arith.constant 0 : i32
    %dma_wait3A_938 = tpu.memref_slice %arg6[%dma_wait3A_935, %dma_wait3A_936, %dma_wait3A_937] : memref<8x128x64xf32, #tpu.memory_space<vmem>> -> memref<1x128x64xf32, #tpu.memory_space<vmem>>
    %dma_wait3A_939 = tpu.memref_squeeze %dma_wait3A_938 : memref<1x128x64xf32, #tpu.memory_space<vmem>> -> memref<128x64xf32, #tpu.memory_space<vmem>>
    %dma_wait3A_940 = arith.constant 0 : i32
    %dma_wait3A_941 = arith.constant 0 : i32
    %dma_wait3A_942 = tpu.memref_slice %arg4[%dma_wait3A_940, %dma_wait3A_941] : memref<819200x64xf32, #tpu.memory_space<hbm>> -> memref<128x64xf32, #tpu.memory_space<hbm>>
    %dma_wait3A_943 = arith.constant 0 : i32
    %dma_wait3A_944 = arith.constant 0 : i32
    %dma_wait3A_945 = tpu.memref_slice %arg4[%dma_wait3A_943, %dma_wait3A_944] : memref<819200x64xf32, #tpu.memory_space<hbm>> -> memref<128x64xf32, #tpu.memory_space<hbm>>
    %dma_wait3A_946 = arith.constant 0 : i32
    %dma_wait3A_947 = arith.constant 0 : i32
    %dma_wait3A_948 = tpu.memref_slice %arg6[%dma_wait3A_935, %dma_wait3A_946, %dma_wait3A_947] : memref<8x128x64xf32, #tpu.memory_space<vmem>> -> memref<1x128x64xf32, #tpu.memory_space<vmem>>
    %dma_wait3A_949 = tpu.memref_squeeze %dma_wait3A_948 : memref<1x128x64xf32, #tpu.memory_space<vmem>> -> memref<128x64xf32, #tpu.memory_space<vmem>>
    tpu.wait_dma2 semaphore(%arg8 : memref<!tpu.dma_semaphore, #tpu.memory_space<semaphore_mem>>) src(%dma_wait3A_949 : memref<128x64xf32, #tpu.memory_space<vmem>>) dst(%dma_wait3A_945 : memref<128x64xf32, #tpu.memory_space<hbm>>)
    return
  }
}

</mosaic_0001>

<sc_bundles>
// kernel: kernel.3.cloned.1.call-start
scs
__scs_entry_jumppad:
0x0: {  	(pc) =	sbr.rel $0x88, $3  }
0x1: {  	(tag) =	ssettag $0x0;
	lr =	simm.s32 $0x1  }
0x2: {  	[smem:$0x3F9F] =	sst lr;
	_ =	strace $0xD0000000  }
0x3: {  	_ = 	snop  }
0x4: {  	_ = 	snop  }
0x5: {  	_ = 	snop  }
0x6: {  	_ = 	snop  }
0x7: {  	_ = 	snop  }
__scs_overlays_trampoline_lowered:
0x8: {  	[smem:$0x3FAE] =	sst s0  }
0x9: {  	[smem:$0x3FAF] =	sst s1  }
0xa: {  	[smem:$0x3FB0] =	sst s2  }
0xb: {  	[smem:$0x3FB1] =	sst s3  }
0xc: {  	[smem:$0x3FB2] =	sst s4  }
0xd: {  	[smem:$0x3FB3] =	sst s5  }
0xe: {  	[smem:$0x3FB4] =	sst s6  }
0xf: {  	[smem:$0x3FB5] =	sst s7  }
0x10: {  	[smem:$0x3FB6] =	sst s8  }
0x11: {  	[smem:$0x3FB7] =	sst s9;
	s0 =	simm.s32 @!p0 $0x0  }
0x12: {  	s1 =	sld [smem:$0x3F9D];
	s0 =	simm.s32 @p0 $0x1  }
0x13: {  	[smem:$0x3FB8] =	sst s0;
	s0 =	simm.s32 @!p1 $0x0  }
0x14: {  	s2 =	sld [smem:$0x3F9C];
	s0 =	simm.s32 @p1 $0x1  }
0x15: {  	[smem:$0x3FB9] =	sst s0;
	s0 =	simm.s32 @!p2 $0x0  }
0x16: {  	s3 =	sld [smem:$0x3FDB];
	s0 =	simm.s32 @p2 $0x1  }
0x17: {  	s4 =	simm.s32 $0x1BF5;
	[smem:$0x3FBB] =	sst s0  }
0x18: {  	s0 =	sld [smem:$0x3F9E];
	_ =	swait.ge [sflag:s4], $0x0  }
0x19: {  	s7 =	sld [smem:$0x3F9F]  }
0x1a: {  	s8 =	sadd.s32 $0xFFFFE003, lr  }
0x1b: {  	s9 =	sadd.s32 $0xFFFFFEF7, lr;
	s5 =	simm.s32 $0xFFFFFFFF;
	p2 =	slt.u32 s8, $0xFFFFF086  }
0x1c: {  	p1 =	slt.u32 s9, $0xF7A;
	s5 =	simm.s32 @!p2 $0x0  }
0x1d: {  	s5 =	simm.s32 @p1 $0x1;
	p0 =	seq.s32 s7, s2  }
0x1e: {  	s7 =	smul.u32 @!p0 $0xF7A, s2;
	p2 =	seq.s32 @!p0 s5, $0x0  }
0x1f: {  	s9 =	smul.u32 $0xF7A, s1;
	s8 =	simm.s32 @!p0 $0x1BF5;
	p2 =	por !p2, p0  }
0x20: {  	[sflag:s8] =	ssyncset.s32 @!p0 $0xFFFFF086;
	s6 =	sadd.s32 @!p0 s3, s7;
	s7 =	simm.s32 @!p0 $0x108  }
0x21: {  	s3 =	sadd.s32 s3, s9;
	s6 =	sadd.s32 @!p0 $0x88, s6;
	s7 =	simm.s32 @p2 $0x1082  }
0x22: {  	[simem:s7], [sflag:s8] =	dma.local @!p0 [hbm:s6], $0xF7A  }
0x23: {  	s9 =	sor.u32 $0xD0000000, s2;
	s6 =	simm.s32 $0x108;
	_ =	swait.ge @!p0 [sflag:s8], $0x0  }
0x24: {  	s3 =	sadd.s32 $0x88, s3;
	s6 =	simm.s32 @!p1 $0x1082;
	[sflag:s4] =	ssyncset.s32 $0xFFFFF086  }
0x25: {  	[simem:s6], [sflag:s4] =	dma.local [hbm:s3], $0xF7A  }
0x26: {  	[smem:$0x3F9F] =	sst s1;
	(tag) =	ssettag s2;
	_ =	strace s9  }
0x27: {  	s1 =	sld [smem:$0x3FAF]  }
0x28: {  	s2 =	sld [smem:$0x3FB0]  }
0x29: {  	s4 =	sld [smem:$0x3FB2]  }
0x2a: {  	p0 =	seq.s32 s5, $0x0;
	s5 =	sld [smem:$0x3FB3]  }
0x2b: {  	s6 =	sld [smem:$0x3FB4]  }
0x2c: {  	s7 =	sld [smem:$0x3FB5]  }
0x2d: {  	s3 =	simm.s32 $0x108;
	s8 =	sld [smem:$0x3FB6]  }
0x2e: {  	s3 =	simm.s32 @!p0 $0x1082;
	s9 =	sld [smem:$0x3FB7]  }
0x2f: {  	lr =	sadd.s32 s0, s3;
	s0 =	sld [smem:$0x3FAE]  }
0x30: {  	s3 =	sld [smem:$0x3FB1]  }
0x31: {  	[smem:$0x3FBA] =	sst s10  }
0x32: {  	s10 =	sld [smem:$0x3FB8];
	_ =	sdelay $0x3  }
0x33: {  	p0 =	seq.s32 s10, $0x1;
	s10 =	sld [smem:$0x3FBA];
	_ =	sdelay $0x3  }
0x34: {  	[smem:$0x3FBA] =	sst s10  }
0x35: {  	s10 =	sld [smem:$0x3FB9];
	_ =	sdelay $0x3  }
0x36: {  	p1 =	seq.s32 s10, $0x1;
	s10 =	sld [smem:$0x3FBA];
	_ =	sdelay $0x3  }
0x37: {  	[smem:$0x3FBA] =	sst s10  }
0x38: {  	s10 =	sld [smem:$0x3FBB]  }
0x39: {  	_ = 	snop;
	(pc) =	sbr.ind lr, $3  }
0x3a: {  	_ = 	snop  }
0x3b: {  	_ = 	snop  }
0x3c: {  	p2 =	seq.s32 s10, $0x1;
	s10 =	sld [smem:$0x3FBA]  }
0x3d: {  	_ =	shalt  }
0x3e: {  	_ =	shalt  }
0x3f: {  	_ =	shalt  }
0x40: {  	_ =	shalt  }
0x41: {  	_ =	shalt  }
0x42: {  	_ =	shalt  }
0x43: {  	_ =	shalt  }
0x44: {  	_ =	shalt  }
0x45: {  	_ =	shalt  }
0x46: {  	_ =	shalt  }
0x47: {  	_ =	shalt  }
0x48: {  	_ =	shalt  }
0x49: {  	_ =	shalt  }
0x4a: {  	_ =	shalt  }
0x4b: {  	_ =	shalt  }
0x4c: {  	_ =	shalt  }
0x4d: {  	_ =	shalt  }
0x4e: {  	_ =	shalt  }
0x4f: {  	_ =	shalt  }
0x50: {  	_ =	shalt  }
0x51: {  	_ =	shalt  }
0x52: {  	_ =	shalt  }
0x53: {  	_ =	shalt  }
0x54: {  	_ =	shalt  }
0x55: {  	_ =	shalt  }
0x56: {  	_ =	shalt  }
0x57: {  	_ =	shalt  }
0x58: {  	_ =	shalt  }
0x59: {  	_ =	shalt  }
0x5a: {  	_ =	shalt  }
0x5b: {  	_ =	shalt  }
0x5c: {  	_ =	shalt  }
0x5d: {  	_ =	shalt  }
0x5e: {  	_ =	shalt  }
0x5f: {  	_ =	shalt  }
0x60: {  	_ =	shalt  }
0x61: {  	_ =	shalt  }
0x62: {  	_ =	shalt  }
0x63: {  	_ =	shalt  }
0x64: {  	_ =	shalt  }
0x65: {  	_ =	shalt  }
0x66: {  	_ =	shalt  }
0x67: {  	_ =	shalt  }
0x68: {  	_ =	shalt  }
0x69: {  	_ =	shalt  }
0x6a: {  	_ =	shalt  }
0x6b: {  	_ =	shalt  }
0x6c: {  	_ =	shalt  }
0x6d: {  	_ =	shalt  }
0x6e: {  	_ =	shalt  }
0x6f: {  	_ =	shalt  }
0x70: {  	_ =	shalt  }
0x71: {  	_ =	shalt  }
0x72: {  	_ =	shalt  }
0x73: {  	_ =	shalt  }
0x74: {  	_ =	shalt  }
0x75: {  	_ =	shalt  }
0x76: {  	_ =	shalt  }
0x77: {  	_ =	shalt  }
0x78: {  	_ =	shalt  }
0x79: {  	_ =	shalt  }
0x7a: {  	_ =	shalt  }
0x7b: {  	_ =	shalt  }
0x7c: {  	_ =	shalt  }
0x7d: {  	_ =	shalt  }
0x7e: {  	_ =	shalt  }
0x7f: {  	_ =	shalt  }
0x80: {  	_ =	shalt  }
0x81: {  	_ =	shalt  }
0x82: {  	_ =	shalt  }
0x83: {  	_ =	shalt  }
0x84: {  	_ =	shalt  }
0x85: {  	_ =	shalt  }
0x86: {  	_ =	shalt  }
0x87: {  	_ =	shalt  }
.Lfunc_end0:
.L_simem_size_0:
called_computation.1_lowered:
.L_overlay_start_0:
0x88: {  	s2 =	sld [smem:$0x3FD9]  }
0x89: {  	s3 =	sld [smem:$0x3FFE];
	_ =	sdelay $0x1  }
0x8a: {  	s1 =	srdreg.scid  }
0x8b: {  	s0 =	sand.u32 $0x1, s1  }
0x8c: {  	s17 =	sshll.u32 s0, $0xA;
	s2 =	sadd.s32 s3, s2  }
0x8d: {  	s2 =	sadd.s32 s2, s17  }
0x8e: {  	[smem:$0x3FC6] =	sst s2  }
0x8f: {  	_ = 	snop  }
0x90: {  	s2 =	sld [smem:$0x3FD0];
	(tm) =	ssettm $0x1  }
0x91: {  	s18 =	sld [smem:$0x3FFB];
	_ =	sdelay $0x3  }
0x92: {  	_ =	strace s18  }
0x93: {  	s3 =	sld [smem:$0x3FFC];
	_ =	sdelay $0x3  }
0x94: {  	_ =	strace s3  }
0x95: {  	s3 =	sld [smem:$0x3FFD];
	_ =	sdelay $0x3  }
0x96: {  	_ =	strace s3  }
0x97: {  	_ =	strace $0x8FFFFFFF  }
0x98: {  	s19 =	sld [smem:$0x3FDB];
	_ =	sdelay $0x1  }
0x99: {  	s4 =	simm.s32 $_scs_section_size  }
0x9a: {  	s5 =	simm.s32 $_size__tile_overlayer_lowered;
	s6 =	simm.s32 $_tile_overlayer_lowered  }
0x9b: {  	s22 =	simm.s32 $0x1BFF;
	s21 =	sshll.u32 s6, $0x1;
	s3 =	sadd.s32 s4, s19  }
0x9c: {  	s7 =	simm.s32 $0x0;
	s20 =	sshll.u32 s5, $0x1;
	s5 =	sadd.s32 s21, s3  }
0x9d: {  	[timem:s7], [sflag:s22] =	dma.local [hbm:s5], s20  }
0x9e: {  	_ =	swait.ge [sflag:s22], s20  }
0x9f: {  	s4 =	ssub.s32 $0x0, s20;
	[sflag:s22] =	ssyncset.done $0x0  }
0xa0: {  	[sflag:s22] =	ssyncadd.s32 s4;
	_ =	sdelay $0x1  }
0xa1: {  	s23 =	simm.s32 $0x1B8B  }
0xa2: {  	_ =	swait.ge [sflag:s23], $0x1  }
0xa3: {  	[sflag:s23] =	ssyncset.done $0x0  }
0xa4: {  	s25 =	simm.s32 $0x1B8E;
	s24 =	sld [smem:$0x3FFE];
	[sflag:s23] =	ssyncadd.s32 $0xFFFFFFFF  }
0xa5: {  	s26 =	simm.s32 $execute0_lowered;
	[smem:$0x3FD2] =	sst s25  }
0xa6: {  	s5 =	sshll.u32 s26, $0x1;
	_ =	strace $0x80000046;
	[dreg:$0x1] =	wrdreg $0xFFFFFFFF  }
0xa7: {  	s28 =	simm.s32 $_size_execute0_lowered;
	s3 =	sadd.s32 s3, s5;
	[dreg:$0x0] =	wrdreg $0x0  }
0xa8: {  	s5 =	sshll.u32 s28, $0x1;
	[dreg:$0x2] =	wrdreg s3  }
0xa9: {  	[dreg:$0x3] =	wrdreg s5  }
0xaa: {  	[dreg:$0x4] =	wrdreg $0xC0  }
0xab: {  	_ =	task [dreg:s7], $0x5FFFF  }
0xac: {  	[dreg:$0x1] =	wrdreg $0xFFFFFFFF  }
0xad: {  	[dreg:$0x0] =	wrdreg $0x60  }
0xae: {  	[dreg:$0x2] =	wrdreg s24  }
0xaf: {  	[dreg:$0x3] =	wrdreg s2  }
0xb0: {  	[dreg:$0x4] =	wrdreg $0x9  }
0xb1: {  	_ =	task.clear_ibuf [dreg:s7], $0x5FFFF;
	_ =	strace $0x90000046  }
0xb2: {  	s29 =	simm.s32 $0x9;
	_ =	strace $0x80000048  }
0xb3: {  	_ =	swait.ge [sflag:s29], $0x1  }
0xb4: {  	[sflag:s29] =	ssyncadd.s32 $0xFFFFFFFF  }
0xb5: {  	_ =	strace $0x90000048  }
0xb6: {  	_ =	sfence  }
0xb7: {  	s30 =	sld [smem:$0x0];
	_ =	sdelay $0x2  }
0xb8: {  	s31 =	sshll.u32 s1, $0xD;
	s1 =	sshrl.u32 s1, $0x2  }
0xb9: {  	s3 =	sand.u32 $0x4000, s31;
	s1 =	sadd.s32 s1, s30  }
0xba: {  	s0 =	sor.u32 s3, s0;
	s1 =	sshll.u32 s1, $0x11  }
0xbb: {  	s0 =	sor.u32 s1, s0  }
0xbc: {  	s0 =	sadd.s32 $0x8F2B, s0  }
0xbd: {  	[sflag:s0] =	ssyncadd.remote.s32 $0x1  }
0xbe: {  	_ =	sfence.sel $0xFFFF  }
0xbf: {  	[dreg:$0x0] =	wrdreg $0xFFFFFFFF;
	(pc) =	sbr.abs _section_cstart, $3  }
0xc0: {  	[dreg:$0x1] =	wrdreg $0xFFFFFFFF  }
0xc1: {  	_ =	task.clear_ibuf [dreg:s7], $0x2FFFF;
	_ =	strace $0x9FFFFFFF  }
0xc2: {  	(tm) =	ssettm $0x7FFFFFFF  }
0xc3: {  	_ =	shalt  }
tec
execute0_lowered:
.L_overlay_start_1:
0x0: {  	(tag) =	ssettag $0x1  }
0x1: {  	s0 =	rddreg [dreg:$0x0];
	s1 =	srdreg.scid  }
0x2: {  	s10 =	stileid.u32;
	s2 =	rddreg [dreg:$0x1];
	s3 =	simm.s32 $0x0  }
0x3: {  	s29 =	simm.s32 $0xA400;
	s31 =	simm.s32 $0xC400;
	s30 =	simm.s32 $0x10400  }
0x4: {  	s1 =	sand.u32 $0x1, s1;
	s4 =	sshll.u32 s10, $0x1;
	s19 =	smul.u32 $0x190, s10  }
0x5: {  	s5 =	sor.u32 s1, s4;
	s6 =	ssub.s32 $0x2, s1;
	s1 =	smul.u32 $0xC8, s1  }
0x6: {  	s28 =	simm.s32 $0x12400;
	[smem:$0x7FF] =	sst s3;
	s4 =	smul.u32 $0xC80, s5  }
0x7: {  	_ =	strace $0x80000047;
	s7 =	sshrl.u32 s6, $0x1;
	s8 =	smul.u32 $0x32000, s5  }
0x8: {  	s5 =	smul.u32 $0x190000, s5;
	s13 =	ssub.s32 s6, s7;
	s1 =	sadd.s32 s1, s19  }
0x9: {  	s7 =	simm.s32 $0x2;
	s9 =	sadd.s32 s4, s0;
	s4 =	sadd.s32 $0xF42E00, s0  }
0xa: {  	s6 =	sadd.s32 s2, s8;
	s5 =	sshrl.u32 s5, $0x3;
	s16 =	sadd.s32 $0xA00, s9  }
0xb: {  	s1 =	sshll.u32 s1, $0xA;
	s17 =	sadd.s32 $0x400, s6;
	[dreg:$0x7] =	wrdreg s16  }
0xc: {  	s0 =	simm.s32 $0xE400;
	s18 =	sadd.s32 $0x800, s6;
	[dreg:$0x8] =	wrdreg s17  }
0xd: {  	s8 =	sadd.s32 $0xC00, s6;
	s20 =	sadd.s32 $0x1000, s6;
	[dreg:$0x9] =	wrdreg s18  }
0xe: {  	s21 =	sadd.s32 $0x1400, s6;
	s22 =	sadd.s32 $0x1800, s6;
	[dreg:$0xa] =	wrdreg s8  }
0xf: {  	s23 =	sadd.s32 $0x1C00, s6;
	s5 =	sadd.s32 s2, s5;
	[dreg:$0xb] =	wrdreg s20  }
0x10: {  	s24 =	sadd.s32 $0x2000, s1;
	s25 =	sadd.s32 $0x2800, s1;
	[dreg:$0xc] =	wrdreg s21  }
0x11: {  	s26 =	sadd.s32 $0x3800, s1;
	s1 =	sadd.s32 $0x3000, s1;
	[dreg:$0xd] =	wrdreg s22  }
0x12: {  	[dreg:$0xe] =	wrdreg s23;
	s14 =	sadd.s32 $0x30000, s5;
	s15 =	sadd.s32 $0x30400, s5  }
0x13: {  	s16 =	sadd.s32 $0x30800, s5;
	s17 =	sadd.s32 $0x30C00, s5;
	[dreg:$0x3] =	wrdreg s24  }
0x14: {  	s18 =	sadd.s32 $0x31000, s5;
	s19 =	sadd.s32 $0x31400, s5;
	[dreg:$0x4] =	wrdreg s25  }
0x15: {  	s20 =	sadd.s32 $0x31800, s5;
	[dreg:$0x5] =	wrdreg s26;
	s21 =	sadd.s32 $0x31C00, s5  }
0x16: {  	s22 =	smax.u32 s13, $0x1;
	[dreg:$0x6] =	wrdreg s1;
	s23 =	simm.s32 $0x3  }
0x17: {  	s24 =	simm.s32 $0x80;
	s25 =	simm.s32 $0x6400;
	s26 =	simm.s32 $0x8400  }
0x18: {  	s1 =	simm.s32 $0x14400;
	s5 =	simm.s32 $0x1;
	s8 =	simm.s32 $0x0  }
.LBB2_1:
0x19: {  	s9 =	rddreg [dreg:$0x7]  }
0x1a: {  	[tilespmem:s3], [sflag:$0x3] =	stream.linear.gather [hbm4b:s9+s3], $0x6400, $0x38;
	[tilespmem:$0x16400] =	vst v63  }
0x1b: {  	_ =	swait.ge [sflag:s23], $0x6400  }
0x1c: {  	[sflag:s23] =	ssyncset.done $0x0  }
0x1d: {  	[sflag:s23] =	ssyncadd.s32 $0xFFFF9C00  }
0x1e: {  	[tilespmem:s25], [sflag:$0x1] =	stream.indirect.gather [hbm4b:s4+s24], $0x40, s3, s24, $0xb8;
	[tilespmem:$0x16400] =	vst v63  }
0x1f: {  	_ = 	snop  }
0x20: {  	[tilespmem:s26], [sflag:$0x1] =	stream.indirect.gather [hbm4b:s4+s24], $0x40, s24, s24, $0xb8;
	[tilespmem:$0x16400] =	vst v63  }
0x21: {  	s13 =	simm.s32 $0x100  }
0x22: {  	[tilespmem:s29], [sflag:$0x1] =	stream.indirect.gather [hbm4b:s4+s24], $0x40, s13, s24, $0xb8;
	[tilespmem:$0x16400] =	vst v63  }
0x23: {  	s10 =	simm.s32 $0x180  }
0x24: {  	[tilespmem:s31], [sflag:$0x1] =	stream.indirect.gather [hbm4b:s4+s24], $0x40, s10, s24, $0xb8;
	[tilespmem:$0x16400] =	vst v63  }
0x25: {  	s11 =	simm.s32 $0x200  }
0x26: {  	[tilespmem:s0], [sflag:$0x1] =	stream.indirect.gather [hbm4b:s4+s24], $0x40, s11, s24, $0xb8;
	[tilespmem:$0x16400] =	vst v63  }
0x27: {  	s12 =	simm.s32 $0x280  }
0x28: {  	[tilespmem:s30], [sflag:$0x1] =	stream.indirect.gather [hbm4b:s4+s24], $0x40, s12, s24, $0xb8;
	[tilespmem:$0x16400] =	vst v63  }
0x29: {  	s13 =	simm.s32 $0x300  }
0x2a: {  	[tilespmem:s28], [sflag:$0x1] =	stream.indirect.gather [hbm4b:s4+s24], $0x40, s13, s24, $0xb8;
	[tilespmem:$0x16400] =	vst v63  }
0x2b: {  	s10 =	simm.s32 $0x380  }
0x2c: {  	[tilespmem:s1], [sflag:$0x1] =	stream.indirect.gather [hbm4b:s4+s24], $0x40, s10, s24, $0xb8;
	[tilespmem:$0x16400] =	vst v63  }
0x2d: {  	_ =	swait.ge [sflag:s5], $0x2000  }
0x2e: {  	[sflag:s5] =	ssyncset.done $0x0  }
0x2f: {  	[sflag:s5] =	ssyncadd.s32 $0xFFFFE000  }
0x30: {  	[hbm4b:s6+s3] =	stream.linear.scatter [tilespmem:s25], [sflag:$0x2], $0x2000, $0x38;
	[tilespmem:$0x16400] =	vst v63  }
0x31: {  	_ =	swait.ge [sflag:s5], $0x2000  }
0x32: {  	[sflag:s5] =	ssyncset.done $0x0  }
0x33: {  	s11 =	rddreg [dreg:$0x8];
	[sflag:s5] =	ssyncadd.s32 $0xFFFFE000  }
0x34: {  	[hbm4b:s11+s3] =	stream.linear.scatter [tilespmem:s26], [sflag:$0x2], $0x2000, $0x38;
	[tilespmem:$0x16400] =	vst v63  }
0x35: {  	_ =	swait.ge [sflag:s5], $0x2000  }
0x36: {  	[sflag:s5] =	ssyncset.done $0x0  }
0x37: {  	s12 =	rddreg [dreg:$0x9];
	[sflag:s5] =	ssyncadd.s32 $0xFFFFE000  }
0x38: {  	[hbm4b:s12+s3] =	stream.linear.scatter [tilespmem:s29], [sflag:$0x2], $0x2000, $0x38;
	[tilespmem:$0x16400] =	vst v63  }
0x39: {  	_ =	swait.ge [sflag:s5], $0x2000  }
0x3a: {  	[sflag:s5] =	ssyncset.done $0x0  }
0x3b: {  	s13 =	rddreg [dreg:$0xa];
	[sflag:s5] =	ssyncadd.s32 $0xFFFFE000  }
0x3c: {  	[hbm4b:s13+s3] =	stream.linear.scatter [tilespmem:s31], [sflag:$0x2], $0x2000, $0x38;
	[tilespmem:$0x16400] =	vst v63  }
0x3d: {  	_ =	swait.ge [sflag:s5], $0x2000  }
0x3e: {  	[sflag:s5] =	ssyncset.done $0x0  }
0x3f: {  	s10 =	rddreg [dreg:$0xb];
	[sflag:s5] =	ssyncadd.s32 $0xFFFFE000  }
0x40: {  	[hbm4b:s10+s3] =	stream.linear.scatter [tilespmem:s0], [sflag:$0x2], $0x2000, $0x38;
	[tilespmem:$0x16400] =	vst v63  }
0x41: {  	_ =	swait.ge [sflag:s7], $0x2000  }
0x42: {  	[sflag:s7] =	ssyncset.done $0x0  }
0x43: {  	s11 =	simm.s32 $0x400;
	[sflag:s7] =	ssyncadd.s32 $0xFFFFE000  }
0x44: {  	[tilespmem:s25], [sflag:$0x1] =	stream.indirect.gather [hbm4b:s4+s24], $0x40, s11, s24, $0xb8;
	[tilespmem:$0x16400] =	vst v63  }
0x45: {  	_ =	swait.ge [sflag:s5], $0x2000  }
0x46: {  	[sflag:s5] =	ssyncset.done $0x0  }
0x47: {  	s12 =	rddreg [dreg:$0xc];
	[sflag:s5] =	ssyncadd.s32 $0xFFFFE000  }
0x48: {  	[hbm4b:s12+s3] =	stream.linear.scatter [tilespmem:s30], [sflag:$0x2], $0x2000, $0x38;
	[tilespmem:$0x16400] =	vst v63  }
0x49: {  	_ =	swait.ge [sflag:s7], $0x2000  }
0x4a: {  	[sflag:s7] =	ssyncset.done $0x0  }
0x4b: {  	s13 =	simm.s32 $0x480;
	[sflag:s7] =	ssyncadd.s32 $0xFFFFE000  }
0x4c: {  	[tilespmem:s26], [sflag:$0x1] =	stream.indirect.gather [hbm4b:s4+s24], $0x40, s13, s24, $0xb8;
	[tilespmem:$0x16400] =	vst v63  }
0x4d: {  	_ =	swait.ge [sflag:s5], $0x2000  }
0x4e: {  	[sflag:s5] =	ssyncset.done $0x0  }
0x4f: {  	s10 =	rddreg [dreg:$0xd];
	[sflag:s5] =	ssyncadd.s32 $0xFFFFE000  }
0x50: {  	[hbm4b:s10+s3] =	stream.linear.scatter [tilespmem:s28], [sflag:$0x2], $0x2000, $0x38;
	[tilespmem:$0x16400] =	vst v63  }
0x51: {  	_ =	swait.ge [sflag:s7], $0x2000  }
0x52: {  	[sflag:s7] =	ssyncset.done $0x0  }
0x53: {  	s11 =	simm.s32 $0x500;
	[sflag:s7] =	ssyncadd.s32 $0xFFFFE000  }
0x54: {  	[tilespmem:s29], [sflag:$0x1] =	stream.indirect.gather [hbm4b:s4+s24], $0x40, s11, s24, $0xb8;
	[tilespmem:$0x16400] =	vst v63  }
0x55: {  	_ =	swait.ge [sflag:s5], $0x2000  }
0x56: {  	[sflag:s5] =	ssyncset.done $0x0  }
0x57: {  	s12 =	rddreg [dreg:$0xe];
	[sflag:s5] =	ssyncadd.s32 $0xFFFFE000  }
0x58: {  	[hbm4b:s12+s3] =	stream.linear.scatter [tilespmem:s1], [sflag:$0x2], $0x2000, $0x38;
	[tilespmem:$0x16400] =	vst v63  }
0x59: {  	_ =	swait.ge [sflag:s7], $0x2000  }
0x5a: {  	[sflag:s7] =	ssyncset.done $0x0  }
0x5b: {  	s13 =	simm.s32 $0x580;
	[sflag:s7] =	ssyncadd.s32 $0xFFFFE000  }
0x5c: {  	[tilespmem:s31], [sflag:$0x1] =	stream.indirect.gather [hbm4b:s4+s24], $0x40, s13, s24, $0xb8;
	[tilespmem:$0x16400] =	vst v63  }
0x5d: {  	_ =	swait.ge [sflag:s5], $0x2000  }
0x5e: {  	s10 =	rddreg [dreg:$0x3];
	[sflag:s5] =	ssyncset.done $0x0  }
0x5f: {  	[sflag:s5] =	ssyncadd.s32 $0xFFFFE000;
	s9 =	sadd.s32 s2, s10  }
0x60: {  	[hbm4b:s9+s3] =	stream.linear.scatter [tilespmem:s25], [sflag:$0x2], $0x2000, $0x38;
	[tilespmem:$0x16400] =	vst v63  }
0x61: {  	_ =	swait.ge [sflag:s7], $0x2000  }
0x62: {  	[sflag:s7] =	ssyncset.done $0x0  }
0x63: {  	s10 =	simm.s32 $0x600;
	[sflag:s7] =	ssyncadd.s32 $0xFFFFE000  }
0x64: {  	[tilespmem:s0], [sflag:$0x1] =	stream.indirect.gather [hbm4b:s4+s24], $0x40, s10, s24, $0xb8;
	[tilespmem:$0x16400] =	vst v63  }
0x65: {  	_ =	swait.ge [sflag:s5], $0x2000  }
0x66: {  	[sflag:s5] =	ssyncset.done $0x0  }
0x67: {  	s11 =	sadd.s32 $0x400, s9;
	[sflag:s5] =	ssyncadd.s32 $0xFFFFE000  }
0x68: {  	[hbm4b:s11+s3] =	stream.linear.scatter [tilespmem:s26], [sflag:$0x2], $0x2000, $0x38;
	[tilespmem:$0x16400] =	vst v63  }
0x69: {  	_ =	swait.ge [sflag:s7], $0x2000  }
0x6a: {  	[sflag:s7] =	ssyncset.done $0x0  }
0x6b: {  	s12 =	simm.s32 $0x680;
	[sflag:s7] =	ssyncadd.s32 $0xFFFFE000  }
0x6c: {  	[tilespmem:s30], [sflag:$0x1] =	stream.indirect.gather [hbm4b:s4+s24], $0x40, s12, s24, $0xb8;
	[tilespmem:$0x16400] =	vst v63  }
0x6d: {  	_ =	swait.ge [sflag:s5], $0x2000  }
0x6e: {  	s13 =	rddreg [dreg:$0x4];
	[sflag:s5] =	ssyncset.done $0x0  }
0x6f: {  	[sflag:s5] =	ssyncadd.s32 $0xFFFFE000;
	s10 =	sadd.s32 s2, s13  }
0x70: {  	[hbm4b:s10+s3] =	stream.linear.scatter [tilespmem:s29], [sflag:$0x2], $0x2000, $0x38;
	[tilespmem:$0x16400] =	vst v63  }
0x71: {  	_ =	swait.ge [sflag:s7], $0x2000  }
0x72: {  	[sflag:s7] =	ssyncset.done $0x0  }
0x73: {  	s11 =	simm.s32 $0x700;
	[sflag:s7] =	ssyncadd.s32 $0xFFFFE000  }
0x74: {  	[tilespmem:s28], [sflag:$0x1] =	stream.indirect.gather [hbm4b:s4+s24], $0x40, s11, s24, $0xb8;
	[tilespmem:$0x16400] =	vst v63  }
0x75: {  	_ =	swait.ge [sflag:s5], $0x2000  }
0x76: {  	[sflag:s5] =	ssyncset.done $0x0  }
0x77: {  	s12 =	sadd.s32 $0xC00, s9;
	[sflag:s5] =	ssyncadd.s32 $0xFFFFE000  }
0x78: {  	[hbm4b:s12+s3] =	stream.linear.scatter [tilespmem:s31], [sflag:$0x2], $0x2000, $0x38;
	[tilespmem:$0x16400] =	vst v63  }
0x79: {  	_ =	swait.ge [sflag:s7], $0x2000  }
0x7a: {  	[sflag:s7] =	ssyncset.done $0x0  }
0x7b: {  	s13 =	simm.s32 $0x780;
	[sflag:s7] =	ssyncadd.s32 $0xFFFFE000  }
0x7c: {  	[tilespmem:s1], [sflag:$0x1] =	stream.indirect.gather [hbm4b:s4+s24], $0x40, s13, s24, $0xb8;
	[tilespmem:$0x16400] =	vst v63  }
0x7d: {  	_ =	swait.ge [sflag:s5], $0x2000  }
0x7e: {  	s11 =	rddreg [dreg:$0x6];
	[sflag:s5] =	ssyncset.done $0x0  }
0x7f: {  	[sflag:s5] =	ssyncadd.s32 $0xFFFFE000;
	s10 =	sadd.s32 s2, s11  }
0x80: {  	[hbm4b:s10+s3] =	stream.linear.scatter [tilespmem:s0], [sflag:$0x2], $0x2000, $0x38;
	[tilespmem:$0x16400] =	vst v63  }
0x81: {  	_ =	swait.ge [sflag:s7], $0x2000  }
0x82: {  	[sflag:s7] =	ssyncset.done $0x0  }
0x83: {  	s12 =	simm.s32 $0x800;
	[sflag:s7] =	ssyncadd.s32 $0xFFFFE000  }
0x84: {  	[tilespmem:s25], [sflag:$0x1] =	stream.indirect.gather [hbm4b:s4+s24], $0x40, s12, s24, $0xb8;
	[tilespmem:$0x16400] =	vst v63  }
0x85: {  	_ =	swait.ge [sflag:s5], $0x2000  }
0x86: {  	[sflag:s5] =	ssyncset.done $0x0  }
0x87: {  	s13 =	sadd.s32 $0x1400, s9;
	[sflag:s5] =	ssyncadd.s32 $0xFFFFE000  }
0x88: {  	[hbm4b:s13+s3] =	stream.linear.scatter [tilespmem:s30], [sflag:$0x2], $0x2000, $0x38;
	[tilespmem:$0x16400] =	vst v63  }
0x89: {  	_ =	swait.ge [sflag:s7], $0x2000  }
0x8a: {  	[sflag:s7] =	ssyncset.done $0x0  }
0x8b: {  	s11 =	simm.s32 $0x880;
	[sflag:s7] =	ssyncadd.s32 $0xFFFFE000  }
0x8c: {  	[tilespmem:s26], [sflag:$0x1] =	stream.indirect.gather [hbm4b:s4+s24], $0x40, s11, s24, $0xb8;
	[tilespmem:$0x16400] =	vst v63  }
0x8d: {  	_ =	swait.ge [sflag:s5], $0x2000  }
0x8e: {  	s12 =	rddreg [dreg:$0x5];
	[sflag:s5] =	ssyncset.done $0x0  }
0x8f: {  	[sflag:s5] =	ssyncadd.s32 $0xFFFFE000;
	s10 =	sadd.s32 s2, s12  }
0x90: {  	[hbm4b:s10+s3] =	stream.linear.scatter [tilespmem:s28], [sflag:$0x2], $0x2000, $0x38;
	[tilespmem:$0x16400] =	vst v63  }
0x91: {  	_ =	swait.ge [sflag:s7], $0x2000  }
0x92: {  	[sflag:s7] =	ssyncset.done $0x0  }
0x93: {  	s13 =	simm.s32 $0x900;
	[sflag:s7] =	ssyncadd.s32 $0xFFFFE000  }
0x94: {  	[tilespmem:s29], [sflag:$0x1] =	stream.indirect.gather [hbm4b:s4+s24], $0x40, s13, s24, $0xb8;
	[tilespmem:$0x16400] =	vst v63  }
0x95: {  	_ =	swait.ge [sflag:s5], $0x2000  }
0x96: {  	[sflag:s5] =	ssyncset.done $0x0  }
0x97: {  	s9 =	sadd.s32 $0x1C00, s9;
	[sflag:s5] =	ssyncadd.s32 $0xFFFFE000  }
0x98: {  	[hbm4b:s9+s3] =	stream.linear.scatter [tilespmem:s1], [sflag:$0x2], $0x2000, $0x38;
	[tilespmem:$0x16400] =	vst v63  }
0x99: {  	_ =	swait.ge [sflag:s7], $0x2000  }
0x9a: {  	s11 =	simm.s32 $0x980;
	[sflag:s7] =	ssyncset.done $0x0  }
0x9b: {  	s10 =	sadd.s32 $0x2000, s2;
	s9 =	simm.s32 $0x1000;
	[sflag:s7] =	ssyncadd.s32 $0xFFFFE000  }
.LBB2_2:
0x9c: {  	[tilespmem:s31], [sflag:$0x1] =	stream.indirect.gather [hbm4b:s4+s24], $0x40, s11, s24, $0xb8;
	[tilespmem:$0x16400] =	vst v63  }
0x9d: {  	_ =	swait.ge [sflag:s5], $0x2000  }
0x9e: {  	s12 =	rddreg [dreg:$0x3];
	[sflag:s5] =	ssyncset.done $0x0  }
0x9f: {  	[sflag:s5] =	ssyncadd.s32 $0xFFFFE000;
	s12 =	sadd.s32 s10, s12  }
0xa0: {  	[hbm4b:s12+s3] =	stream.linear.scatter [tilespmem:s25], [sflag:$0x2], $0x2000, $0x38;
	[tilespmem:$0x16400] =	vst v63  }
0xa1: {  	s13 =	smov.u32 s9;
	_ =	swait.ge [sflag:s7], $0x2000  }
0xa2: {  	s11 =	sshra.s32 s13, $0x2;
	[sflag:s7] =	ssyncset.done $0x0  }
0xa3: {  	s13 =	sadd.s32 $0x600, s11;
	[sflag:s7] =	ssyncadd.s32 $0xFFFFE000  }
0xa4: {  	[tilespmem:s0], [sflag:$0x1] =	stream.indirect.gather [hbm4b:s4+s24], $0x40, s13, s24, $0xb8;
	[tilespmem:$0x16400] =	vst v63  }
0xa5: {  	_ =	swait.ge [sflag:s5], $0x2000  }
0xa6: {  	[sflag:s5] =	ssyncset.done $0x0  }
0xa7: {  	s13 =	sadd.s32 $0x400, s12;
	[sflag:s5] =	ssyncadd.s32 $0xFFFFE000  }
0xa8: {  	[hbm4b:s13+s3] =	stream.linear.scatter [tilespmem:s26], [sflag:$0x2], $0x2000, $0x38;
	[tilespmem:$0x16400] =	vst v63  }
0xa9: {  	_ =	swait.ge [sflag:s7], $0x2000  }
0xaa: {  	[sflag:s7] =	ssyncset.done $0x0  }
0xab: {  	s13 =	sadd.s32 $0x680, s11;
	[sflag:s7] =	ssyncadd.s32 $0xFFFFE000  }
0xac: {  	[tilespmem:s30], [sflag:$0x1] =	stream.indirect.gather [hbm4b:s4+s24], $0x40, s13, s24, $0xb8;
	[tilespmem:$0x16400] =	vst v63  }
0xad: {  	_ =	swait.ge [sflag:s5], $0x2000  }
0xae: {  	s13 =	rddreg [dreg:$0x4];
	[sflag:s5] =	ssyncset.done $0x0  }
0xaf: {  	[sflag:s5] =	ssyncadd.s32 $0xFFFFE000;
	s13 =	sadd.s32 s10, s13  }
0xb0: {  	[hbm4b:s13+s3] =	stream.linear.scatter [tilespmem:s29], [sflag:$0x2], $0x2000, $0x38;
	[tilespmem:$0x16400] =	vst v63  }
0xb1: {  	_ =	swait.ge [sflag:s7], $0x2000  }
0xb2: {  	[sflag:s7] =	ssyncset.done $0x0  }
0xb3: {  	s13 =	sadd.s32 $0x700, s11;
	[sflag:s7] =	ssyncadd.s32 $0xFFFFE000  }
0xb4: {  	[tilespmem:s28], [sflag:$0x1] =	stream.indirect.gather [hbm4b:s4+s24], $0x40, s13, s24, $0xb8;
	[tilespmem:$0x16400] =	vst v63  }
0xb5: {  	_ =	swait.ge [sflag:s5], $0x2000  }
0xb6: {  	[sflag:s5] =	ssyncset.done $0x0  }
0xb7: {  	s13 =	sadd.s32 $0xC00, s12;
	[sflag:s5] =	ssyncadd.s32 $0xFFFFE000  }
0xb8: {  	[hbm4b:s13+s3] =	stream.linear.scatter [tilespmem:s31], [sflag:$0x2], $0x2000, $0x38;
	[tilespmem:$0x16400] =	vst v63  }
0xb9: {  	_ =	swait.ge [sflag:s7], $0x2000  }
0xba: {  	[sflag:s7] =	ssyncset.done $0x0  }
0xbb: {  	s13 =	sadd.s32 $0x780, s11;
	[sflag:s7] =	ssyncadd.s32 $0xFFFFE000  }
0xbc: {  	[tilespmem:s1], [sflag:$0x1] =	stream.indirect.gather [hbm4b:s4+s24], $0x40, s13, s24, $0xb8;
	[tilespmem:$0x16400] =	vst v63  }
0xbd: {  	_ =	swait.ge [sflag:s5], $0x2000  }
0xbe: {  	s13 =	rddreg [dreg:$0x6];
	[sflag:s5] =	ssyncset.done $0x0  }
0xbf: {  	[sflag:s5] =	ssyncadd.s32 $0xFFFFE000;
	s13 =	sadd.s32 s10, s13  }
0xc0: {  	[hbm4b:s13+s3] =	stream.linear.scatter [tilespmem:s0], [sflag:$0x2], $0x2000, $0x38;
	[tilespmem:$0x16400] =	vst v63  }
0xc1: {  	_ =	swait.ge [sflag:s7], $0x2000  }
0xc2: {  	[sflag:s7] =	ssyncset.done $0x0  }
0xc3: {  	s13 =	sadd.s32 $0x800, s11;
	[sflag:s7] =	ssyncadd.s32 $0xFFFFE000  }
0xc4: {  	[tilespmem:s25], [sflag:$0x1] =	stream.indirect.gather [hbm4b:s4+s24], $0x40, s13, s24, $0xb8;
	[tilespmem:$0x16400] =	vst v63  }
0xc5: {  	_ =	swait.ge [sflag:s5], $0x2000  }
0xc6: {  	[sflag:s5] =	ssyncset.done $0x0  }
0xc7: {  	s13 =	sadd.s32 $0x1400, s12;
	[sflag:s5] =	ssyncadd.s32 $0xFFFFE000  }
0xc8: {  	[hbm4b:s13+s3] =	stream.linear.scatter [tilespmem:s30], [sflag:$0x2], $0x2000, $0x38;
	[tilespmem:$0x16400] =	vst v63  }
0xc9: {  	_ =	swait.ge [sflag:s7], $0x2000  }
0xca: {  	[sflag:s7] =	ssyncset.done $0x0  }
0xcb: {  	s13 =	sadd.s32 $0x880, s11;
	[sflag:s7] =	ssyncadd.s32 $0xFFFFE000  }
0xcc: {  	[tilespmem:s26], [sflag:$0x1] =	stream.indirect.gather [hbm4b:s4+s24], $0x40, s13, s24, $0xb8;
	[tilespmem:$0x16400] =	vst v63  }
0xcd: {  	_ =	swait.ge [sflag:s5], $0x2000  }
0xce: {  	s13 =	rddreg [dreg:$0x5];
	[sflag:s5] =	ssyncset.done $0x0  }
0xcf: {  	[sflag:s5] =	ssyncadd.s32 $0xFFFFE000;
	s13 =	sadd.s32 s10, s13  }
0xd0: {  	[hbm4b:s13+s3] =	stream.linear.scatter [tilespmem:s28], [sflag:$0x2], $0x2000, $0x38;
	[tilespmem:$0x16400] =	vst v63  }
0xd1: {  	_ =	swait.ge [sflag:s7], $0x2000  }
0xd2: {  	[sflag:s7] =	ssyncset.done $0x0  }
0xd3: {  	s13 =	sadd.s32 $0x900, s11;
	[sflag:s7] =	ssyncadd.s32 $0xFFFFE000  }
0xd4: {  	[tilespmem:s29], [sflag:$0x1] =	stream.indirect.gather [hbm4b:s4+s24], $0x40, s13, s24, $0xb8;
	[tilespmem:$0x16400] =	vst v63  }
0xd5: {  	_ =	swait.ge [sflag:s5], $0x2000  }
0xd6: {  	p0 =	sne.s32 s9, $0x16000;
	[sflag:s5] =	ssyncset.done $0x0  }
.Ltmp0:
0xd7: {  	s12 =	sadd.s32 $0x1C00, s12;
	[sflag:s5] =	ssyncadd.s32 $0xFFFFE000;
	(pc) =	sbr.rel @p0 .LBB2_2-.Ltmp0, $4  }
0xd8: {  	[hbm4b:s12+s3] =	stream.linear.scatter [tilespmem:s1], [sflag:$0x2], $0x2000, $0x38;
	[tilespmem:$0x16400] =	vst v63  }
0xd9: {  	_ =	swait.ge [sflag:s7], $0x2000  }
0xda: {  	s9 =	sadd.s32 $0x1000, s9;
	[sflag:s7] =	ssyncset.done $0x0  }
0xdb: {  	s10 =	sadd.s32 $0x2000, s10;
	s11 =	sadd.s32 $0x980, s11;
	[sflag:s7] =	ssyncadd.s32 $0xFFFFE000  }
0xdc: {  	[tilespmem:s31], [sflag:$0x1] =	stream.indirect.gather [hbm4b:s4+s24], $0x40, s11, s24, $0xb8;
	[tilespmem:$0x16400] =	vst v63  }
0xdd: {  	_ =	swait.ge [sflag:s5], $0x2000  }
0xde: {  	[sflag:s5] =	ssyncset.done $0x0  }
0xdf: {  	[sflag:s5] =	ssyncadd.s32 $0xFFFFE000  }
0xe0: {  	[hbm4b:s14+s3] =	stream.linear.scatter [tilespmem:s25], [sflag:$0x2], $0x2000, $0x38;
	[tilespmem:$0x16400] =	vst v63  }
0xe1: {  	_ =	swait.ge [sflag:s7], $0x2000  }
0xe2: {  	[sflag:s7] =	ssyncset.done $0x0  }
0xe3: {  	s9 =	simm.s32 $0x6200;
	[sflag:s7] =	ssyncadd.s32 $0xFFFFE000  }
0xe4: {  	[tilespmem:s0], [sflag:$0x1] =	stream.indirect.gather [hbm4b:s4+s24], $0x40, s9, s24, $0xb8;
	[tilespmem:$0x16400] =	vst v63  }
0xe5: {  	_ =	swait.ge [sflag:s5], $0x2000  }
0xe6: {  	[sflag:s5] =	ssyncset.done $0x0  }
0xe7: {  	[sflag:s5] =	ssyncadd.s32 $0xFFFFE000  }
0xe8: {  	[hbm4b:s15+s3] =	stream.linear.scatter [tilespmem:s26], [sflag:$0x2], $0x2000, $0x38;
	[tilespmem:$0x16400] =	vst v63  }
0xe9: {  	_ =	swait.ge [sflag:s7], $0x2000  }
0xea: {  	[sflag:s7] =	ssyncset.done $0x0  }
0xeb: {  	s11 =	simm.s32 $0x6280;
	[sflag:s7] =	ssyncadd.s32 $0xFFFFE000  }
0xec: {  	[tilespmem:s30], [sflag:$0x1] =	stream.indirect.gather [hbm4b:s4+s24], $0x40, s11, s24, $0xb8;
	[tilespmem:$0x16400] =	vst v63  }
0xed: {  	_ =	swait.ge [sflag:s5], $0x2000  }
0xee: {  	[sflag:s5] =	ssyncset.done $0x0  }
0xef: {  	[sflag:s5] =	ssyncadd.s32 $0xFFFFE000  }
0xf0: {  	[hbm4b:s16+s3] =	stream.linear.scatter [tilespmem:s29], [sflag:$0x2], $0x2000, $0x38;
	[tilespmem:$0x16400] =	vst v63  }
0xf1: {  	_ =	swait.ge [sflag:s7], $0x2000  }
0xf2: {  	[sflag:s7] =	ssyncset.done $0x0  }
0xf3: {  	s12 =	simm.s32 $0x6300;
	[sflag:s7] =	ssyncadd.s32 $0xFFFFE000  }
0xf4: {  	[tilespmem:s28], [sflag:$0x1] =	stream.indirect.gather [hbm4b:s4+s24], $0x40, s12, s24, $0xb8;
	[tilespmem:$0x16400] =	vst v63  }
0xf5: {  	_ =	swait.ge [sflag:s5], $0x2000  }
0xf6: {  	[sflag:s5] =	ssyncset.done $0x0  }
0xf7: {  	[sflag:s5] =	ssyncadd.s32 $0xFFFFE000  }
0xf8: {  	[hbm4b:s17+s3] =	stream.linear.scatter [tilespmem:s31], [sflag:$0x2], $0x2000, $0x38;
	[tilespmem:$0x16400] =	vst v63  }
0xf9: {  	_ =	swait.ge [sflag:s7], $0x2000  }
0xfa: {  	[sflag:s7] =	ssyncset.done $0x0  }
0xfb: {  	s13 =	simm.s32 $0x6380;
	[sflag:s7] =	ssyncadd.s32 $0xFFFFE000  }
0xfc: {  	[tilespmem:s1], [sflag:$0x1] =	stream.indirect.gather [hbm4b:s4+s24], $0x40, s13, s24, $0xb8;
	[tilespmem:$0x16400] =	vst v63  }
0xfd: {  	_ =	swait.ge [sflag:s5], $0x2000  }
0xfe: {  	[sflag:s5] =	ssyncset.done $0x0  }
0xff: {  	[sflag:s5] =	ssyncadd.s32 $0xFFFFE000  }
0x100: {  	[hbm4b:s18+s3] =	stream.linear.scatter [tilespmem:s0], [sflag:$0x2], $0x2000, $0x38;
	[tilespmem:$0x16400] =	vst v63  }
0x101: {  	_ =	swait.ge [sflag:s7], $0x2000  }
0x102: {  	[sflag:s7] =	ssyncset.done $0x0  }
0x103: {  	[sflag:s7] =	ssyncadd.s32 $0xFFFFE000  }
0x104: {  	_ =	swait.ge [sflag:s5], $0x2000  }
0x105: {  	[sflag:s5] =	ssyncset.done $0x0  }
0x106: {  	[sflag:s5] =	ssyncadd.s32 $0xFFFFE000  }
0x107: {  	[hbm4b:s19+s3] =	stream.linear.scatter [tilespmem:s30], [sflag:$0x2], $0x2000, $0x38;
	[tilespmem:$0x16400] =	vst v63  }
0x108: {  	_ =	swait.ge [sflag:s7], $0x2000  }
0x109: {  	[sflag:s7] =	ssyncset.done $0x0  }
0x10a: {  	[sflag:s7] =	ssyncadd.s32 $0xFFFFE000  }
0x10b: {  	_ =	swait.ge [sflag:s5], $0x2000  }
0x10c: {  	[sflag:s5] =	ssyncset.done $0x0  }
0x10d: {  	[sflag:s5] =	ssyncadd.s32 $0xFFFFE000  }
0x10e: {  	[hbm4b:s20+s3] =	stream.linear.scatter [tilespmem:s28], [sflag:$0x2], $0x2000, $0x38;
	[tilespmem:$0x16400] =	vst v63  }
0x10f: {  	_ =	swait.ge [sflag:s7], $0x2000  }
0x110: {  	[sflag:s7] =	ssyncset.done $0x0  }
0x111: {  	[sflag:s7] =	ssyncadd.s32 $0xFFFFE000  }
0x112: {  	_ =	swait.ge [sflag:s5], $0x2000  }
0x113: {  	[sflag:s5] =	ssyncset.done $0x0  }
0x114: {  	[sflag:s5] =	ssyncadd.s32 $0xFFFFE000  }
0x115: {  	[hbm4b:s21+s3] =	stream.linear.scatter [tilespmem:s1], [sflag:$0x2], $0x2000, $0x38;
	[tilespmem:$0x16400] =	vst v63  }
0x116: {  	_ =	swait.ge [sflag:s7], $0x2000  }
0x117: {  	[sflag:s7] =	ssyncset.done $0x0  }
0x118: {  	[sflag:s7] =	ssyncadd.s32 $0xFFFFE000  }
0x119: {  	_ =	swait.ge [sflag:s7], $0x2000  }
0x11a: {  	[sflag:s7] =	ssyncset.done $0x0  }
0x11b: {  	[sflag:s7] =	ssyncadd.s32 $0xFFFFE000  }
0x11c: {  	_ =	swait.ge [sflag:s7], $0x2000  }
0x11d: {  	[sflag:s7] =	ssyncset.done $0x0  }
0x11e: {  	s8 =	sadd.s32 $0x1, s8;
	[sflag:s7] =	ssyncadd.s32 $0xFFFFE000  }
0x11f: {  	p0 =	sne.s32 s8, s22;
	_ =	swait.ge [sflag:s7], $0x2000  }
.Ltmp1:
0x120: {  	[sflag:s7] =	ssyncset.done $0x0;
	(pc) =	sbr.rel @p0 .LBB2_1-.Ltmp1, $4  }
0x121: {  	[sflag:s7] =	ssyncadd.s32 $0xFFFFE000  }
0x122: {  	_ =	swait.ge [sflag:s7], $0x2000  }
0x123: {  	[sflag:s7] =	ssyncset.done $0x0  }
0x124: {  	[sflag:s7] =	ssyncadd.s32 $0xFFFFE000  }
0x125: {  	_ =	sfence.sel $0x180000  }
0x126: {  	[bflag:$0x0] =	sbarrier.arrive $0xFFFF  }
0x127: {  	_ =	strace $0x90000047  }
0x128: {  	s0 =	stileid.u32;
	[bflag:$0x2] =	sbarrier.arrive $0xFFFF  }
0x129: {  	p0 =	sne.s32 s0, $0x0;
	s0 =	rddreg [dreg:$0x2]  }
0x12a: {  	s0 =	sadd.s32 @!p0 $0x100000, s0  }
0x12b: {  	[sflag:s0] =	ssyncadd.tile.s32 @!p0 $0x1;
	_ =	shalt  }
.Lfunc_end2:
_tile_overlayer_lowered:
.L_overlay_start_2:
0x12c: {  	(tag) =	ssettag $0x2  }
0x12d: {  	s0 =	rddreg [dreg:$0x0];
	s2 =	stileid.u32  }
0x12e: {  	s1 =	rddreg [dreg:$0x1];
	p0 =	sne.s32 s2, $0x0  }
0x12f: {  	s3 =	rddreg [dreg:$0x2];
	[bflag:$0x3] =	sbarrier.arrive $0xFFFF;
	s2 =	simm.s32 @!p0 $0x1C03  }
0x130: {  	[timem:s3], [sflag:s2] =	dma.local @!p0 [hbm:s0], s1  }
0x131: {  	s0 =	simm.s32 @!p0 $0x3  }
0x132: {  	_ =	swait.ge @!p0 [sflag:s0], s1  }
0x133: {  	s1 =	ssub.s32 @!p0 $0x0, s1;
	[sflag:s0] =	ssyncset.done @!p0 $0x0  }
0x134: {  	[sflag:s0] =	ssyncadd.s32 @!p0 s1  }
0x135: {  	[bflag:$0x3] =	sbarrier.arrive $0xFFFF  }
0x136: {  	_ =	shalt  }

// kernel: sparse-core-data-format-call.cloned.1.call-start
scs
called_computation_lowered:
.L_overlay_start_0:
0x0: {  	s2 =	sld [smem:$0x3FD9]  }
0x1: {  	s3 =	sld [smem:$0x3FFE];
	_ =	sdelay $0x1  }
0x2: {  	s1 =	srdreg.scid  }
0x3: {  	s0 =	sand.u32 $0x1, s1  }
0x4: {  	s18 =	sshll.u32 s0, $0xA;
	s2 =	sadd.s32 s3, s2  }
0x5: {  	s2 =	sadd.s32 s2, s18  }
0x6: {  	[smem:$0x3FC6] =	sst s2  }
0x7: {  	_ = 	snop  }
0x8: {  	s2 =	sld [smem:$0x3FD0];
	(tm) =	ssettm $0x1  }
0x9: {  	s19 =	sld [smem:$0x3FFB];
	_ =	sdelay $0x3  }
0xa: {  	_ =	strace s19  }
0xb: {  	s3 =	sld [smem:$0x3FFC];
	_ =	sdelay $0x3  }
0xc: {  	_ =	strace s3  }
0xd: {  	s3 =	sld [smem:$0x3FFD];
	_ =	sdelay $0x3  }
0xe: {  	_ =	strace s3  }
0xf: {  	_ =	strace $0x8FFFFFFF  }
0x10: {  	s20 =	sld [smem:$0x3FDB];
	_ =	sdelay $0x1  }
0x11: {  	s4 =	simm.s32 $_scs_section_size  }
0x12: {  	s5 =	simm.s32 $_size__tile_overlayer_lowered;
	s6 =	simm.s32 $_tile_overlayer_lowered  }
0x13: {  	s23 =	simm.s32 $0x1BFF;
	s22 =	sshll.u32 s6, $0x1;
	s3 =	sadd.s32 s4, s20  }
0x14: {  	s7 =	simm.s32 $0x0;
	s21 =	sshll.u32 s5, $0x1;
	s5 =	sadd.s32 s22, s3  }
0x15: {  	[timem:s7], [sflag:s23] =	dma.local [hbm:s5], s21  }
0x16: {  	_ =	swait.ge [sflag:s23], s21  }
0x17: {  	s4 =	ssub.s32 $0x0, s21;
	[sflag:s23] =	ssyncset.done $0x0  }
0x18: {  	[sflag:s23] =	ssyncadd.s32 s4;
	_ =	sdelay $0x1  }
0x19: {  	s24 =	simm.s32 $0x1B8B  }
0x1a: {  	_ =	swait.ge [sflag:s24], $0x1  }
0x1b: {  	[sflag:s24] =	ssyncset.done $0x0  }
0x1c: {  	s26 =	simm.s32 $0x1B8E;
	s25 =	sld [smem:$0x3FFE];
	[sflag:s24] =	ssyncadd.s32 $0xFFFFFFFF  }
0x1d: {  	s27 =	simm.s32 $execute0_lowered;
	[smem:$0x3FD2] =	sst s26  }
0x1e: {  	s5 =	sshll.u32 s27, $0x1;
	_ =	strace $0x80000049;
	[dreg:$0x1] =	wrdreg $0xFFFFFFFF  }
0x1f: {  	s28 =	simm.s32 $_size_execute0_lowered;
	s3 =	sadd.s32 s3, s5;
	[dreg:$0x0] =	wrdreg $0x0  }
0x20: {  	s5 =	sshll.u32 s28, $0x1;
	[dreg:$0x2] =	wrdreg s3  }
0x21: {  	[dreg:$0x3] =	wrdreg s5  }
0x22: {  	[dreg:$0x4] =	wrdreg $0xC0  }
0x23: {  	_ =	task [dreg:s7], $0x5FFFF  }
0x24: {  	[dreg:$0x1] =	wrdreg $0xFFFFFFFF  }
0x25: {  	[dreg:$0x0] =	wrdreg $0x60  }
0x26: {  	[dreg:$0x2] =	wrdreg s25  }
0x27: {  	[dreg:$0x3] =	wrdreg s2  }
0x28: {  	[dreg:$0x4] =	wrdreg $0x9  }
0x29: {  	_ =	task.clear_ibuf [dreg:s7], $0x5FFFF;
	_ =	strace $0x90000049  }
0x2a: {  	s29 =	simm.s32 $0x9;
	_ =	strace $0x8000004B  }
0x2b: {  	_ =	swait.ge [sflag:s29], $0x1  }
0x2c: {  	[sflag:s29] =	ssyncadd.s32 $0xFFFFFFFF  }
0x2d: {  	_ =	strace $0x9000004B  }
0x2e: {  	_ =	sfence  }
0x2f: {  	s30 =	sld [smem:$0x0];
	_ =	sdelay $0x2  }
0x30: {  	s31 =	sshll.u32 s1, $0xD;
	s1 =	sshrl.u32 s1, $0x2  }
0x31: {  	s3 =	sand.u32 $0x4000, s31;
	s1 =	sadd.s32 s1, s30  }
0x32: {  	s0 =	sor.u32 s3, s0;
	s1 =	sshll.u32 s1, $0x11  }
0x33: {  	s0 =	sor.u32 s1, s0  }
0x34: {  	s0 =	sadd.s32 $0x8F2B, s0  }
0x35: {  	[sflag:s0] =	ssyncadd.remote.s32 $0x1  }
0x36: {  	_ =	sfence.sel $0xFFFF  }
0x37: {  	[dreg:$0x0] =	wrdreg $0xFFFFFFFF;
	(pc) =	sbr.abs _section_cstart, $3  }
0x38: {  	[dreg:$0x1] =	wrdreg $0xFFFFFFFF  }
0x39: {  	_ =	task.clear_ibuf [dreg:s7], $0x2FFFF;
	_ =	strace $0x9FFFFFFF  }
0x3a: {  	(tm) =	ssettm $0x7FFFFFFF  }
0x3b: {  	_ =	shalt  }
tec
execute0_lowered:
.L_overlay_start_1:
0x0: {  	(tag) =	ssettag $0x1  }
0x1: {  	s0 =	srdreg.scid  }
0x2: {  	s1 =	sshll.u32 s0, $0x4  }
0x3: {  	s0 =	stileid.u32;
	s1 =	sand.u32 $0x10, s1  }
0x4: {  	s1 =	sor.u32 s0, s1  }
0x5: {  	s6 =	rddreg [dreg:$0x0];
	s4 =	simm.s32 $0x1;
	s2 =	sshll.u32 s1, $0x7  }
0x6: {  	s7 =	simm.s32 $0x2;
	s12 =	simm.s32 $0x0;
	s1 =	ssub.s32 $0x1000, s2  }
0x7: {  	s8 =	simm.s32 $0x8000;
	s13 =	simm.s32 $0x0;
	s3 =	sand.u32 $0xF80, s1  }
0x8: {  	s9 =	simm.s32 $0x0;
	s5 =	sshrl.u32 s1, $0xC;
	p0 =	sne.s32 s3, $0x0  }
.Ltmp0:
0x9: {  	s1 =	rddreg [dreg:$0x2];
	s4 =	simm.s32 @!p0 $0x0;
	(pc) =	sbr.rel .LBB1_1-.Ltmp0, $4  }
0xa: {  	s11 =	simm.s32 $0x0;
	s3 =	rddreg [dreg:$0x1];
	s5 =	sadd.s32 s4, s5  }
0xb: {  	_ =	strace $0x8000004A;
	s4 =	simm.s32 $0x1;
	s5 =	smul.u32 $0xC8, s5  }
0xc: {  	s6 =	sadd.s32 $0xA00, s6;
	s10 =	smov.u32 s2;
	[sflag:s4] =	ssyncpa.u1 $0x0  }
0xd: {  	p0 =	por $0x0, $0x0;
	[sflag:s7] =	ssyncpa.u1 $0x0;
	s7 =	sor.u32 $0x1, s5  }
.LBB1_4:
0xe: {  	s16 =	sshll.u32 s13, $0x3;
	s17 =	sand.u32 $0x78, s13  }
0xf: {  	s30 =	sand.u32 $0x7E00, s13;
	s12 =	sshll.u32 s12, $0xF;
	s16 =	sand.u32 $0xC00, s16  }
0x10: {  	[tilespmem:s15+$0x810 ss:$0x81] =	vst.msk $0xffff, v2;
	s31 =	sand.u32 $0x7, s13;
	s16 =	sor.u32 s17, s16;
	s17 =	sadd.s32 s3, s30  }
0x11: {  	[tilespmem:s15+$0x1020 ss:$0x81] =	vst.msk $0xffff, v0;
	s13 =	sshll.u32 s31, $0x12;
	s12 =	sadd.s32 s12, s17;
	s16 =	sshrl.u32 s16, $0x3  }
0x12: {  	[tilespmem:s15+$0x0 ss:$0x81] =	vst.msk $0xffff, v1;
	s13 =	sor.u32 $0x400, s13;
	s12 =	sadd.s32 s16, s12  }
0x13: {  	[hbm4b:s12+s13] =	stream.strided.scatter [tilespmem:s14], [sflag:$0x2], $0x2000, s8, s13, $0x20;
	[tilespmem:$0x8080] =	vst v63  }
.LBB1_5:
0x14: {  	s14 =	sadd.s32 $0x1, s9  }
0x15: {  	s12 =	sadd.s32 $0x1000, s10;
	s16 =	smov.u32 s10;
	p2 =	sgt.s32 s14, $0xC7  }
0x16: {  	s16 =	smov.u32 @p2 s12  }
0x17: {  	s14 =	simm.s32 @p2 $0x0;
	p2 =	sgt.s32 s16, $0xFFF  }
0x18: {  	s16 =	smov.u32 @p2 s2;
	p2 =	sne.s32 s11, s7  }
.Ltmp1:
0x19: {  	p1 =	slt.u32 s11, $0x2;
	(pc) =	sbr.rel @!p2 .LBB1_6-.Ltmp1, $4  }
0x1a: {  	s15 =	simm.s32 @!p1 $0x2  }
0x1b: {  	s13 =	smov.u32 s10;
	p0 =	por !p0, !p0;
	_ =	swait.ge @!p1 [sflag:s15], $0x2000  }
0x1c: {  	s12 =	smov.u32 s9;
	[sflag:s15] =	ssyncset.done @!p1 $0x0;
	s9 =	smov.u32 s14  }
0x1d: {  	s11 =	sadd.s32 $0x1, s11;
	[sflag:s15] =	ssyncadd.s32 @!p1 $0xFFFFE000;
	s10 =	smov.u32 s16  }
.LBB1_1:
0x1e: {  	p1 =	sge.u32 s11, s5  }
0x1f: {  	s14 =	sand.u32 @!p1 $0x1FFFFFF, s9  }
0x20: {  	s15 =	smulhi.u32 @!p1 $0x147AE15, s14;
	_ =	sdelay $0x1  }
0x21: {  	s15 =	smul.u32 @!p1 $0xC8, s15  }
0x22: {  	s16 =	sxor.u32 @!p1 $0xFFFFFFFF, s11;
	s17 =	smul.u32 @!p1 $0xC80, s10  }
0x23: {  	s31 =	sadd.s32 $0xFFFFFFFF, s11;
	s16 =	sshll.u32 @!p1 s16, $0xD;
	s14 =	ssub.s32 @!p1 s14, s15  }
0x24: {  	s15 =	sand.u32 @!p1 $0x2000, s16;
	s16 =	sadd.s32 @!p1 s6, s17;
	s14 =	sshll.u32 @!p1 s14, $0x4  }
0x25: {  	s17 =	simm.s32 @!p1 $0x6400;
	s14 =	sadd.s32 @!p1 s14, s16;
	s16 =	simm.s32 @!p1 $0x40  }
0x26: {  	[tilespmem:s15], [sflag:$0x1] =	stream.strided.gather @!p1 [hbm4b:s14+s16], $0x2000, s17, s16, $0x38;
	[tilespmem:$0x8080] =	vst v63  }
0x27: {  	p1 =	sge.u32 s31, s5  }
.Ltmp2:
0x28: {  	_ = 	snop;
	(pc) =	sbr.rel @p1 .LBB1_5-.Ltmp2, $1  }
0x29: {  	_ =	sdelay $0x3  }
0x2a: {  	s14 =	simm.s32 $0x1  }
0x2b: {  	_ =	swait.ge [sflag:s4], $0x2000;
	s14 =	simm.s32 @!p0 $0x0  }
0x2c: {  	[sflag:s4] =	ssyncset.done $0x0;
	s15 =	sshll.u32 s14, $0xD  }
0x2d: {  	[sflag:s4] =	ssyncadd.s32 $0xFFFFE000;
	s18 =	sor.u32 $0x20, s15  }
0x2e: {  	s14 =	smul.u32 $0x8100, s14;
	v3 =	vld [tilespmem:s18+$0x10]  }
0x2f: {  	s30 =	sand.u32 $0x1, s11;
	v2 =	vld [tilespmem:s18+$0xFFFFFFF0]  }
0x30: {  	s15 =	smul.u32 $0x8100, s30;
	s14 =	sshrl.u32 s14, $0x2;
	v0 =	vld [tilespmem:s18+$0x0]  }
0x31: {  	v1 =	vld [tilespmem:s18+$0xFFFFFFE0];
	s16 =	sor.u32 $0x4000, s14  }
0x32: {  	s31 =	sshrl.u32 s15, $0x2;
	s15 =	sadd.s32 $0x0, s16  }
0x33: {  	s17 =	simm.s32 $0x4;
	s18 =	sadd.s32 $0x40, s18;
	s14 =	sor.u32 $0x4000, s31;
	[tilespmem:s15+$0x1830 ss:$0x81] =	vst.msk $0xffff, v3  }
.LBB1_3:
0x34: {  	v3 =	vld [tilespmem:s18+$0x10];
	p1 =	sne.s32 s17, $0x1FC;
	[tilespmem:s15+$0x810 ss:$0x81] =	vst.msk $0xffff, v2;
	s19 =	smov.u32 s17;
	s17 =	sadd.s32 $0x4, s17  }
.Ltmp3:
0x35: {  	v2 =	vld [tilespmem:s18+$0xFFFFFFF0];
	[tilespmem:s15+$0x1020 ss:$0x81] =	vst.msk $0xffff, v0;
	(pc) =	sbr.rel @p1 .LBB1_3-.Ltmp3, $4  }
0x36: {  	v0 =	vld [tilespmem:s18+$0x0];
	[tilespmem:s15+$0x0 ss:$0x81] =	vst.msk $0xffff, v1  }
0x37: {  	s15 =	sshra.s32 s19, $0x2;
	v1 =	vld [tilespmem:s18+$0xFFFFFFE0]  }
0x38: {  	s15 =	sadd.s32 s15, s16  }
0x39: {  	s18 =	sadd.s32 $0x40, s18;
	[tilespmem:s15+$0x1830 ss:$0x81] =	vst.msk $0xffff, v3  }
.Ltmp4:
0x3a: {  	_ = 	snop;
	(pc) =	sbr.rel .LBB1_4-.Ltmp4, $1  }
0x3b: {  	_ =	sdelay $0x3  }
.LBB1_6:
0x3c: {  	_ =	sfence.sel $0x180000  }
0x3d: {  	s2 =	simm.s32 $0x1;
	[bflag:$0x0] =	sbarrier.arrive $0xFFFF  }
0x3e: {  	s31 =	simm.s32 $0x2;
	[sflag:s2] =	ssyncpa.u1 $0x1  }
0x3f: {  	[sflag:s31] =	ssyncpa.u1 $0x1  }
0x40: {  	p0 =	sne.s32 s0, $0x0;
	_ =	strace $0x9000004A  }
0x41: {  	s0 =	sadd.s32 @!p0 $0x100000, s1;
	[bflag:$0x2] =	sbarrier.arrive $0xFFFF  }
0x42: {  	[sflag:s0] =	ssyncadd.tile.s32 @!p0 $0x1;
	_ =	shalt  }
.Lfunc_end1:
_tile_overlayer_lowered:
.L_overlay_start_2:
0x43: {  	(tag) =	ssettag $0x2  }
0x44: {  	s0 =	rddreg [dreg:$0x0];
	s2 =	stileid.u32  }
0x45: {  	s1 =	rddreg [dreg:$0x1];
	p0 =	sne.s32 s2, $0x0  }
0x46: {  	s3 =	rddreg [dreg:$0x2];
	[bflag:$0x3] =	sbarrier.arrive $0xFFFF;
	s2 =	simm.s32 @!p0 $0x1C01  }
0x47: {  	[timem:s3], [sflag:s2] =	dma.local @!p0 [hbm:s0], s1  }
0x48: {  	s0 =	simm.s32 @!p0 $0x1  }
0x49: {  	_ =	swait.ge @!p0 [sflag:s0], s1  }
0x4a: {  	s1 =	ssub.s32 @!p0 $0x0, s1;
	[sflag:s0] =	ssyncset.done @!p0 $0x0  }
0x4b: {  	[sflag:s0] =	ssyncadd.s32 @!p0 s1  }
0x4c: {  	[bflag:$0x3] =	sbarrier.arrive $0xFFFF  }
0x4d: {  	_ =	shalt  }

</sc_bundles>
